<compile_context>
chip_gen: v7x
topology: tpu7x:2x2x1
jax: 0.10.2.dev20260603
libtpu: 0.0.44.dev20260713+nightly
codegen_flags: <defaults>
</compile_context>

<pallas_src>
import jax
import jax.numpy as jnp
from jax import lax
from jax.experimental import pallas as pl
from jax.experimental.pallas import tpu as pltpu
from jax.experimental.pallas import tpu_sc as plsc

N = 10000
E = 320000
D_IN = 128
H1 = 64
C2 = 16
W1ROW = H1 + 8
W2ROW = 2 * C2
NEG = 0.2

NP = 10240
RANGE = NP // 32
CH = 128
SCCH = 2048
ETOT = 335872
NSCAN = ETOT // SCCH
LCAP = 11520
NCH = LCAP // CH
ROWBLK = 1024
BMUL = 13108
HIGHEST = jax.lax.Precision.HIGHEST



def _tc1_body(x_ref, w1_ref, asrc_ref, adst_ref, xp_ref, as_ref, ad_ref):
    xp = jnp.dot(x_ref[...], w1_ref[...], preferred_element_type=jnp.float32,
                 precision=HIGHEST)
    xp_ref[...] = xp
    as_ref[...] = jnp.dot(xp, asrc_ref[...], preferred_element_type=jnp.float32,
                          precision=HIGHEST)
    ad_ref[...] = jnp.dot(xp, adst_ref[...], preferred_element_type=jnp.float32,
                          precision=HIGHEST)


def _tc1(xpad, W1, Asrc, Adst):
    return pl.pallas_call(
        _tc1_body,
        grid=(NP // ROWBLK,),
        in_specs=[
            pl.BlockSpec((ROWBLK, D_IN), lambda i: (i, 0)),
            pl.BlockSpec((D_IN, H1), lambda i: (0, 0)),
            pl.BlockSpec((H1, 8), lambda i: (0, 0)),
            pl.BlockSpec((H1, 8), lambda i: (0, 0)),
        ],
        out_specs=[
            pl.BlockSpec((ROWBLK, H1), lambda i: (i, 0)),
            pl.BlockSpec((ROWBLK, 8), lambda i: (i, 0)),
            pl.BlockSpec((ROWBLK, 8), lambda i: (i, 0)),
        ],
        out_shape=[
            jax.ShapeDtypeStruct((NP, H1), jnp.float32),
            jax.ShapeDtypeStruct((NP, 8), jnp.float32),
            jax.ShapeDtypeStruct((NP, 8), jnp.float32),
        ],
    )(xpad, W1, Asrc, Adst)


def _tc2_body(acc_ref, b1_ref, w2_ref, bmat_ref, a2s_ref, a2d_ref,
              xp2_ref, as2_ref, ad2_ref):
    acc = acc_ref[...]
    num = acc[:, :H1]
    ssum = acc[:, H1:H1 + 8]
    s64 = jnp.dot(ssum, bmat_ref[...], preferred_element_type=jnp.float32,
                  precision=HIGHEST)
    h = num / (s64 + 1e-16) + b1_ref[...]
    h = jnp.where(h > 0, h, jnp.exp(h) - 1.0)
    xp2 = jnp.dot(h, w2_ref[...], preferred_element_type=jnp.float32,
                  precision=HIGHEST)
    xp2_ref[...] = xp2
    as2_ref[...] = jnp.dot(xp2, a2s_ref[...], preferred_element_type=jnp.float32,
                           precision=HIGHEST)
    ad2_ref[...] = jnp.dot(xp2, a2d_ref[...], preferred_element_type=jnp.float32,
                           precision=HIGHEST)


def _tc2(outp, b1r, W2, Bmat, a2s, a2d):
    return pl.pallas_call(
        _tc2_body,
        grid=(NP // ROWBLK,),
        in_specs=[
            pl.BlockSpec((ROWBLK, W1ROW), lambda i: (i, 0)),
            pl.BlockSpec((1, H1), lambda i: (0, 0)),
            pl.BlockSpec((H1, C2), lambda i: (0, 0)),
            pl.BlockSpec((8, H1), lambda i: (0, 0)),
            pl.BlockSpec((C2, 8), lambda i: (0, 0)),
            pl.BlockSpec((C2, 8), lambda i: (0, 0)),
        ],
        out_specs=[
            pl.BlockSpec((ROWBLK, C2), lambda i: (i, 0)),
            pl.BlockSpec((ROWBLK, 8), lambda i: (i, 0)),
            pl.BlockSpec((ROWBLK, 8), lambda i: (i, 0)),
        ],
        out_shape=[
            jax.ShapeDtypeStruct((NP, C2), jnp.float32),
            jax.ShapeDtypeStruct((NP, 8), jnp.float32),
            jax.ShapeDtypeStruct((NP, 8), jnp.float32),
        ],
    )(outp, b1r, W2, Bmat, a2s, a2d)


def _tc3_body(acc_ref, b2_ref, o_ref):
    acc = acc_ref[...]
    num = acc[:, :C2]
    ssum = acc[:, C2:C2 + 1]
    o_ref[...] = num / (ssum + 1e-16) + b2_ref[...]


def _tc3(out2p, b2r):
    return pl.pallas_call(
        _tc3_body,
        grid=(NP // ROWBLK,),
        in_specs=[
            pl.BlockSpec((ROWBLK, W2ROW), lambda i: (i, 0)),
            pl.BlockSpec((1, C2), lambda i: (0, 0)),
        ],
        out_specs=pl.BlockSpec((ROWBLK, C2), lambda i: (i, 0)),
        out_shape=jax.ShapeDtypeStruct((NP, C2), jnp.float32),
    )(out2p, b2r)



_SC_PARAMS = pltpu.CompilerParams(use_tc_tiling_on_sc=False,
                                  needs_layout_passes=False)


def _sc1_body(src_hbm, dst_hbm, xp_hbm, as_hbm, ad_hbm, m_hbm,
              out_hbm, keyl_hbm, cnt_hbm,
              sscan, dscan, srcl, dstl, keyl, as_b, xp_b, e_b, ad_own, acc,
              m_v, cv_b, gsem0, gsem1):
    cid = lax.axis_index("c")
    sid = lax.axis_index("s")
    wid = cid * 16 + sid
    base = wid * RANGE
    lane = lax.iota(jnp.int32, 16)
    rowpat = lax.shift_right_logical(lane, 3)
    colpat = lane & 7
    fzero = jnp.zeros((16,), jnp.float32)
    izero = jnp.zeros((16,), jnp.int32)
    gsem = (gsem0, gsem1)

    @pl.loop(0, RANGE)
    def _zacc(r):
        for j in range(4):
            acc[r, pl.ds(j * 16, 16)] = fzero

    @pl.loop(0, RANGE // 2)
    def _zacc_tail(i):
        plsc.store_scatter(acc, [2 * i + rowpat, H1 + colpat], fzero)

    basev = izero + base
    @pl.loop(0, LCAP // 16)
    def _pfill(i):
        keyl[pl.ds(i * 16, 16)] = basev

    pltpu.sync_copy(ad_hbm.at[pl.ds(base, RANGE)], ad_own)
    pltpu.sync_copy(m_hbm, m_v)
    mv = m_v[...]

    def sfire(b, i):
        o = i * SCCH
        pltpu.async_copy(src_hbm.at[pl.ds(o, SCCH)], sscan.at[b], gsem[b])
        pltpu.async_copy(dst_hbm.at[pl.ds(o, SCCH)], dscan.at[b], gsem[b])

    sfire(0, 0)
    sfire(1, 1)

    @pl.loop(0, NSCAN, step=2, init_carry=jnp.zeros((16,), jnp.int32))
    def _scan(g, cnt0):
        cntv = cnt0
        for b in range(2):
            gi = g + b
            pltpu.make_async_copy(src_hbm.at[pl.ds(0, SCCH)], sscan.at[b],
                                  gsem[b]).wait()
            pltpu.make_async_copy(dst_hbm.at[pl.ds(0, SCCH)], dscan.at[b],
                                  gsem[b]).wait()

            @pl.loop(0, SCCH // 16, init_carry=cntv, unroll=2)
            def _groups(i, off_v):
                sv = sscan[b, pl.ds(i * 16, 16)]
                dv = dscan[b, pl.ds(i * 16, 16)]
                key = jnp.bitwise_or(lax.shift_left(sv, 14), dv)
                bkt = lax.shift_right_logical(dv * BMUL, 22)
                off_s = off_v[0]
                m = jnp.logical_and(bkt == wid, off_s <= LCAP - 16)
                plsc.store_compressed(keyl.at[pl.ds(off_s, 16)], key, mask=m)
                return off_v + plsc.all_reduce_population_count(m)

            cntv = _groups

            @pl.when(gi + 2 < NSCAN)
            def _():
                sfire(b, gi + 2)
        return cntv

    cnt = _scan[0]

    @pl.loop(0, LCAP // 16)
    def _unpack(i):
        kv = keyl[pl.ds(i * 16, 16)]
        srcl[pl.ds(i * 16, 16)] = lax.shift_right_logical(kv, 14)
        dstl[pl.ds(i * 16, 16)] = kv & 16383

    cv_b[...] = jnp.where(lane == 0, cnt, 0)
    pltpu.sync_copy(cv_b, cnt_hbm.at[wid])
    pltpu.sync_copy(keyl, keyl_hbm.at[wid])

    def pfire(b, ci):
        o = ci * CH
        pltpu.async_copy(as_hbm.at[srcl.at[pl.ds(o, CH)]], as_b.at[b], gsem[b])
        pltpu.async_copy(xp_hbm.at[srcl.at[pl.ds(o, CH)]], xp_b.at[b], gsem[b])

    @pl.when(cnt > 0)
    def _():
        pfire(0, 0)

    @pl.loop(0, NCH, step=2)
    def _proc(g):
        for b in range(2):
            ci = g + b
            active = ci * CH < cnt
            nxt = (ci + 1) * CH < cnt

            @pl.when(active)
            def _():
                pltpu.make_async_copy(as_hbm.at[srcl.at[pl.ds(0, CH)]],
                                      as_b.at[b], gsem[b]).wait()
                pltpu.make_async_copy(xp_hbm.at[srcl.at[pl.ds(0, CH)]],
                                      xp_b.at[b], gsem[b]).wait()

            @pl.when(nxt)
            def _():
                pfire(1 - b, ci + 1)

            @pl.when(active)
            def _():
                cbase = ci * CH

                @pl.loop(0, 64, unroll=2)
                def _alpha(i):
                    row = 2 * i + rowpat
                    dloc = plsc.load_gather(dstl, [cbase + row]) - base
                    va = plsc.load_gather(as_b.at[b], [row, colpat])
                    vd = plsc.load_gather(ad_own, [dloc, colpat])
                    al = va + vd
                    al = jnp.where(al > 0, al, al * NEG)
                    ev = jnp.exp(al - mv)
                    ev = jnp.where(cbase + row < cnt, ev, 0.0)
                    plsc.store_scatter(e_b, [row, colpat], ev)

                @pl.loop(0, CH, unroll=2)
                def _msg(k):
                    ks = izero + k
                    dk = plsc.load_gather(dstl, [cbase + ks]) - base
                    for j in range(4):
                        evj = plsc.load_gather(e_b, [ks, rowpat + 2 * j])
                        mj = evj * xp_b[b, k, pl.ds(j * 16, 16)]
                        plsc.addupdate_scatter(acc, [dk, j * 16 + lane], mj)
                    em = plsc.load_gather(e_b, [ks, colpat])
                    plsc.addupdate_scatter(acc, [dk, H1 + colpat], em,
                                           mask=lane < 8)

    pltpu.sync_copy(acc, out_hbm.at[pl.ds(base, RANGE)])


def _sc1(src, dst, xp1, as1, ad1, m1v):
    mesh = plsc.VectorSubcoreMesh(core_axis_name="c", subcore_axis_name="s")
    f = pl.kernel(
        _sc1_body,
        out_type=[
            jax.ShapeDtypeStruct((NP, W1ROW), jnp.float32),
            jax.ShapeDtypeStruct((32, LCAP), jnp.int32),
            jax.ShapeDtypeStruct((32, 16), jnp.int32),
        ],
        mesh=mesh,
        compiler_params=_SC_PARAMS,
        scratch_types=[
            pltpu.VMEM((2, SCCH), jnp.int32),
            pltpu.VMEM((2, SCCH), jnp.int32),
            pltpu.VMEM((LCAP,), jnp.int32),
            pltpu.VMEM((LCAP,), jnp.int32),
            pltpu.VMEM((LCAP,), jnp.int32),
            pltpu.VMEM((2, CH, 8), jnp.float32),
            pltpu.VMEM((2, CH, H1), jnp.float32),
            pltpu.VMEM((CH, 8), jnp.float32),
            pltpu.VMEM((RANGE, 8), jnp.float32),
            pltpu.VMEM((RANGE, W1ROW), jnp.float32),
            pltpu.VMEM((16,), jnp.float32),
            pltpu.VMEM((16,), jnp.int32),
            pltpu.SemaphoreType.DMA,
            pltpu.SemaphoreType.DMA,
        ],
    )
    return f(src, dst, xp1, as1, ad1, m1v)


def _sc2_body(keyl_hbm, cnt_hbm, xp2_hbm, as2_hbm, ad2_hbm, m2_hbm,
              out2_hbm,
              srcl, dstl, keyl, as2_v, ad2_v, xp2_b, e_b2, acc2, m2_v, cv_b,
              gsem0, gsem1):
    cid = lax.axis_index("c")
    sid = lax.axis_index("s")
    wid = cid * 16 + sid
    base = wid * RANGE
    lane = lax.iota(jnp.int32, 16)
    fzero = jnp.zeros((16,), jnp.float32)
    izero = jnp.zeros((16,), jnp.int32)
    col16 = izero + C2
    gsem = (gsem0, gsem1)

    @pl.loop(0, RANGE)
    def _zacc(r):
        acc2[r, pl.ds(0, 16)] = fzero
        acc2[r, pl.ds(16, 16)] = fzero

    pltpu.sync_copy(keyl_hbm.at[wid], keyl)
    pltpu.sync_copy(cnt_hbm.at[wid], cv_b)
    cnt = cv_b[...][0]

    @pl.loop(0, LCAP // 16)
    def _unpack(i):
        kv = keyl[pl.ds(i * 16, 16)]
        srcl[pl.ds(i * 16, 16)] = lax.shift_right_logical(kv, 14)
        dstl[pl.ds(i * 16, 16)] = kv & 16383
    pltpu.sync_copy(as2_hbm, as2_v)
    pltpu.sync_copy(ad2_hbm, ad2_v)
    pltpu.sync_copy(m2_hbm, m2_v)
    mv = m2_v[...]

    def pfire(b, ci):
        pltpu.async_copy(xp2_hbm.at[srcl.at[pl.ds(ci * CH, CH)]],
                         xp2_b.at[b], gsem[b])

    @pl.when(cnt > 0)
    def _():
        pfire(0, 0)

    @pl.loop(0, NCH, step=2)
    def _proc(g):
        for b in range(2):
            ci = g + b
            active = ci * CH < cnt
            nxt = (ci + 1) * CH < cnt

            @pl.when(active)
            def _():
                pltpu.make_async_copy(xp2_hbm.at[srcl.at[pl.ds(0, CH)]],
                                      xp2_b.at[b], gsem[b]).wait()

            @pl.when(nxt)
            def _():
                pfire(1 - b, ci + 1)

            @pl.when(active)
            def _():
                cbase = ci * CH

                @pl.loop(0, 8)
                def _alpha(i):
                    sv = srcl[pl.ds(cbase + i * 16, 16)]
                    dv = dstl[pl.ds(cbase + i * 16, 16)]
                    va = plsc.load_gather(as2_v, [sv])
                    vd = plsc.load_gather(ad2_v, [dv])
                    al = va + vd
                    al = jnp.where(al > 0, al, al * NEG)
                    ev = jnp.exp(al - mv)
                    ev = jnp.where(cbase + i * 16 + lane < cnt, ev, 0.0)
                    e_b2[pl.ds(i * 16, 16)] = ev

                @pl.loop(0, CH, unroll=4)
                def _msg(k):
                    ks = izero + k
                    dk = plsc.load_gather(dstl, [cbase + ks]) - base
                    ev = plsc.load_gather(e_b2, [ks])
                    mj = ev * xp2_b[b, k, pl.ds(0, 16)]
                    plsc.addupdate_scatter(acc2, [dk, lane], mj)
                    plsc.addupdate_scatter(acc2, [dk, col16], ev, mask=lane < 1)

    pltpu.sync_copy(acc2, out2_hbm.at[pl.ds(base, RANGE)])


def _sc2(keyl, cnts, xp2, as2, ad2, m2v):
    mesh = plsc.VectorSubcoreMesh(core_axis_name="c", subcore_axis_name="s")
    f = pl.kernel(
        _sc2_body,
        out_type=[
            jax.ShapeDtypeStruct((NP, W2ROW), jnp.float32),
        ],
        mesh=mesh,
        compiler_params=_SC_PARAMS,
        scratch_types=[
            pltpu.VMEM((LCAP,), jnp.int32),
            pltpu.VMEM((LCAP,), jnp.int32),
            pltpu.VMEM((LCAP,), jnp.int32),
            pltpu.VMEM((NP,), jnp.float32),
            pltpu.VMEM((NP,), jnp.float32),
            pltpu.VMEM((2, CH, C2), jnp.float32),
            pltpu.VMEM((CH,), jnp.float32),
            pltpu.VMEM((RANGE, W2ROW), jnp.float32),
            pltpu.VMEM((16,), jnp.float32),
            pltpu.VMEM((16,), jnp.int32),
            pltpu.SemaphoreType.DMA,
            pltpu.SemaphoreType.DMA,
        ],
    )
    return f(keyl, cnts, xp2, as2, ad2, m2v)[0]



def kernel(x, edge_index, W1, att_src1, att_dst1, b1, W2, att_src2, att_dst2, b2):
    f32 = jnp.float32
    pad = ETOT - E - N
    loop = jnp.arange(N, dtype=jnp.int32)
    dummy = jnp.full((pad,), N, jnp.int32)
    src = jnp.concatenate([edge_index[0], loop, dummy])
    dst = jnp.concatenate([edge_index[1], loop, dummy])

    xpad = jnp.pad(x, ((0, NP - N), (0, 0)))
    eye8 = jnp.eye(8, dtype=f32)
    Asrc = jnp.einsum("hc,hg->hcg", att_src1[0], eye8).reshape(H1, 8)
    Adst = jnp.einsum("hc,hg->hcg", att_dst1[0], eye8).reshape(H1, 8)

    xp1, as1, ad1 = _tc1(xpad, W1, Asrc, Adst)
    m1 = jax.nn.relu(jnp.max(as1, axis=0) + jnp.max(ad1, axis=0))
    m1v = jnp.tile(m1, 2)

    outp, keyl, cnts = _sc1(src, dst, xp1, as1, ad1, m1v)

    Bmat = jnp.kron(eye8, jnp.ones((1, 8), f32))
    a2s = jnp.zeros((C2, 8), f32).at[:, 0].set(att_src2.reshape(C2))
    a2d = jnp.zeros((C2, 8), f32).at[:, 0].set(att_dst2.reshape(C2))
    xp2, as2o, ad2o = _tc2(outp, b1.reshape(1, H1), W2, Bmat, a2s, a2d)
    as2 = as2o[:, 0]
    ad2 = ad2o[:, 0]
    m2 = jax.nn.relu(jnp.max(as2) + jnp.max(ad2))
    m2v = jnp.full((16,), m2, f32)

    out2p = _sc2(keyl, cnts, xp2, as2, ad2, m2v)
    out = _tc3(out2p, b2.reshape(1, C2))
    return out[:N]

# --- scband reference (transcript-rebuilt; emitter-appended) ---
"""Pipeline reference for scband-gat-76596446757095 (READ-ONLY COPY).

The authoritative reference and input builder live on the scoring server;
editing this copy changes nothing except your own understanding.
"""

import jax, jax.numpy as jnp
import numpy as np

N = 10000
E = 320000
D_IN = 128
HIDDEN = 8
HEADS = 8
NUM_CLASSES = 16
NEG_SLOPE = 0.2


def setup_inputs(seed: int = 0) -> dict:
    key = jax.random.key(seed)
    ks = jax.random.split(key, 12)
    x = jax.random.normal(ks[0], (N, D_IN), dtype=jnp.float32)
    edge_index = jax.random.randint(ks[1], (2, E), 0, N, dtype=jnp.int32)
    # Layer 1: GATConv(128 -> 8, heads=8, concat=True)
    W1 = jax.random.normal(ks[2], (D_IN, HEADS * HIDDEN), dtype=jnp.float32) * (1.0 / np.sqrt(D_IN))
    att_src1 = jax.random.normal(ks[3], (1, HEADS, HIDDEN), dtype=jnp.float32) * (1.0 / np.sqrt(HIDDEN))
    att_dst1 = jax.random.normal(ks[4], (1, HEADS, HIDDEN), dtype=jnp.float32) * (1.0 / np.sqrt(HIDDEN))
    b1 = jnp.zeros((HEADS * HIDDEN,), dtype=jnp.float32)
    # Layer 2: GATConv(64 -> 16, heads=1, concat=False)
    W2 = jax.random.normal(ks[5], (HEADS * HIDDEN, 1 * NUM_CLASSES), dtype=jnp.float32) * (1.0 / np.sqrt(HEADS * HIDDEN))
    att_src2 = jax.random.normal(ks[6], (1, 1, NUM_CLASSES), dtype=jnp.float32) * (1.0 / np.sqrt(NUM_CLASSES))
    att_dst2 = jax.random.normal(ks[7], (1, 1, NUM_CLASSES), dtype=jnp.float32) * (1.0 / np.sqrt(NUM_CLASSES))
    b2 = jnp.zeros((NUM_CLASSES,), dtype=jnp.float32)
    return {"x": x, "edge_index": edge_index, "W1": W1, "att_src1": att_src1,
            "att_dst1": att_dst1, "b1": b1, "W2": W2, "att_src2": att_src2,
            "att_dst2": att_dst2, "b2": b2}


def _add_self_loops(edge_index, n):
    loop = jnp.arange(n, dtype=edge_index.dtype)
    src = jnp.concatenate([edge_index[0], loop])
    dst = jnp.concatenate([edge_index[1], loop])
    return src, dst


def _gat_conv(x, src, dst, W, att_src, att_dst, bias, heads, out_ch, concat):
    n = x.shape[0]
    xp = (x @ W).reshape(n, heads, out_ch)                       # [N, H, C]
    a_src = (xp * att_src).sum(-1)                               # [N, H]
    a_dst = (xp * att_dst).sum(-1)                               # [N, H]
    alpha = a_src[src] + a_dst[dst]                              # gather -> [Etot, H]
    alpha = jax.nn.leaky_relu(alpha, NEG_SLOPE)
    # softmax over incoming edges of each dst node
    m = jax.ops.segment_max(alpha, dst, num_segments=n)
    m = jnp.where(jnp.isfinite(m), m, 0.0)
    m = jax.lax.stop_gradient(m)
    e = jnp.exp(alpha - m[dst])
    s = jax.ops.segment_sum(e, dst, num_segments=n)
    a = e / (s[dst] + 1e-16)                                     # [Etot, H]
    msg = xp[src] * a[..., None]                                 # gather + weight
    out = jax.ops.segment_sum(msg, dst, num_segments=n)          # scatter-add -> [N, H, C]
    if concat:
        out = out.reshape(n, heads * out_ch)
    else:
        out = out.mean(axis=1)
    return out + bias


def reference(x, edge_index, W1, att_src1, att_dst1, b1, W2, att_src2, att_dst2, b2):
    # dropout is identity in eval mode
    src, dst = _add_self_loops(edge_index, x.shape[0])
    h = _gat_conv(x, src, dst, W1, att_src1, att_dst1, b1, HEADS, HIDDEN, True)
    h = jax.nn.elu(h)
    out = _gat_conv(h, src, dst, W2, att_src2, att_dst2, b2, 1, NUM_CLASSES, False)
    return out

if __name__ == "__main__":
    import jax
    _d = setup_inputs()
    print(jax.jit(kernel)(*tuple(_d.values())))

</pallas_src>

<mosaic_0001>
#map = affine_map<(d0, d1) -> (0)>
#map1 = affine_map<(d0, d1) -> (0, 0)>
module attributes {stable_mosaic.version = 14 : i64} {
  func.func @_sc1_body(%arg0: i32, %arg1: i32, %arg2: memref<335872xi32, #tpu.memory_space<hbm>>, %arg3: memref<335872xi32, #tpu.memory_space<hbm>>, %arg4: memref<10240x64xf32, #tpu.memory_space<hbm>>, %arg5: memref<10240x8xf32, #tpu.memory_space<hbm>>, %arg6: memref<10240x8xf32, #tpu.memory_space<hbm>>, %arg7: memref<16xf32, #tpu.memory_space<hbm>>, %arg8: memref<10240x72xf32, #tpu.memory_space<hbm>>, %arg9: memref<32x11520xi32, #tpu.memory_space<hbm>>, %arg10: memref<32x16xi32, #tpu.memory_space<hbm>>, %arg11: memref<2x2048xi32, #tpu.memory_space<vmem>>, %arg12: memref<2x2048xi32, #tpu.memory_space<vmem>>, %arg13: memref<11520xi32, #tpu.memory_space<vmem>>, %arg14: memref<11520xi32, #tpu.memory_space<vmem>>, %arg15: memref<11520xi32, #tpu.memory_space<vmem>>, %arg16: memref<2x128x8xf32, #tpu.memory_space<vmem>>, %arg17: memref<2x128x64xf32, #tpu.memory_space<vmem>>, %arg18: memref<128x8xf32, #tpu.memory_space<vmem>>, %arg19: memref<320x8xf32, #tpu.memory_space<vmem>>, %arg20: memref<320x72xf32, #tpu.memory_space<vmem>>, %arg21: memref<16xf32, #tpu.memory_space<vmem>>, %arg22: memref<16xi32, #tpu.memory_space<vmem>>, %arg23: memref<!tpu.dma_semaphore, #tpu.memory_space<semaphore_mem>>, %arg24: memref<!tpu.dma_semaphore, #tpu.memory_space<semaphore_mem>>) attributes {dimension_semantics = [#tpu.dimension_semantics<core_parallel>, #tpu.dimension_semantics<subcore_parallel>], iteration_bounds = array<i64: 2, 16>, scalar_prefetch = 0 : i64, scratch_operands = 14 : i64, tpu.core_type = #tpu.core_type<sc_vector_subcore>, window_params = [{transform_indices = #map}, {transform_indices = #map}, {transform_indices = #map1}, {transform_indices = #map1}, {transform_indices = #map1}, {transform_indices = #map}, {transform_indices = #map1}, {transform_indices = #map1}, {transform_indices = #map1}]} {
    %mul3A = arith.constant 16 : i32
    %mul3A_0 = arith.muli %arg0, %mul3A : i32
    %add3A = arith.addi %mul3A_0, %arg1 : i32
    %mul3A_1 = arith.constant 320 : i32
    %mul3A_2 = arith.muli %add3A, %mul3A_1 : i32
    %iota3A = tpu.iota {dimensions = array<i32: 0>} : vector<16xi32>
    %shift_right_logical3A = arith.constant 3 : i32
    %shift_right_logical3A_3 = vector.broadcast %shift_right_logical3A : i32 to vector<16xi32>
    %shift_right_logical3A_4 = arith.shrui %iota3A, %shift_right_logical3A_3 : vector<16xi32>
    %and3A = arith.constant 7 : i32
    %and3A_5 = vector.broadcast %and3A : i32 to vector<16xi32>
    %and3A_6 = arith.andi %iota3A, %and3A_5 : vector<16xi32>
    %broadcast_in_dim3A = arith.constant 0.000000e+00 : f32
    %broadcast_in_dim3A_7 = vector.broadcast %broadcast_in_dim3A : f32 to vector<16xf32>
    %broadcast_in_dim3A_8 = arith.constant 0 : i32
    %broadcast_in_dim3A_9 = vector.broadcast %broadcast_in_dim3A_8 : i32 to vector<16xi32>
    %scan3A = arith.constant 0 : i32
    %scan3A_10 = arith.constant 320 : i32
    %scan3A_11 = arith.addi %scan3A, %scan3A_10 : i32
    %scan3A_12 = arith.constant 1 : i32
    scf.for %scan3A_95 = %scan3A to %scan3A_11 step %scan3A_12  : i32 {
      %mul3A_96 = arith.constant 1 : i32
      %mul3A_97 = arith.muli %scan3A_95, %mul3A_96 : i32
      %add3A_98 = arith.constant 0 : i32
      %add3A_99 = arith.addi %add3A_98, %mul3A_97 : i32
      %swap3A_100 = arith.index_cast %add3A_99 : i32 to index
      %swap3A_101 = arith.constant 0 : index
      %swap3A_102 = tpu.vector_load %arg20[%swap3A_100, %swap3A_101] {strides = array<i32>} : memref<320x72xf32, #tpu.memory_space<vmem>>, vector<16xf32>,
      tpu.vector_store %arg20[%swap3A_100, %swap3A_101], %broadcast_in_dim3A_7 {strides = array<i32>} : memref<320x72xf32, #tpu.memory_space<vmem>>, vector<16xf32>,
      %swap3A_103 = arith.index_cast %add3A_99 : i32 to index
      %swap3A_104 = arith.constant 16 : index
      %swap3A_105 = tpu.vector_load %arg20[%swap3A_103, %swap3A_104] {strides = array<i32>} : memref<320x72xf32, #tpu.memory_space<vmem>>, vector<16xf32>,
      tpu.vector_store %arg20[%swap3A_103, %swap3A_104], %broadcast_in_dim3A_7 {strides = array<i32>} : memref<320x72xf32, #tpu.memory_space<vmem>>, vector<16xf32>,
      %swap3A_106 = arith.index_cast %add3A_99 : i32 to index
      %swap3A_107 = arith.constant 32 : index
      %swap3A_108 = tpu.vector_load %arg20[%swap3A_106, %swap3A_107] {strides = array<i32>} : memref<320x72xf32, #tpu.memory_space<vmem>>, vector<16xf32>,
      tpu.vector_store %arg20[%swap3A_106, %swap3A_107], %broadcast_in_dim3A_7 {strides = array<i32>} : memref<320x72xf32, #tpu.memory_space<vmem>>, vector<16xf32>,
      %swap3A_109 = arith.index_cast %add3A_99 : i32 to index
      %swap3A_110 = arith.constant 48 : index
      %swap3A_111 = tpu.vector_load %arg20[%swap3A_109, %swap3A_110] {strides = array<i32>} : memref<320x72xf32, #tpu.memory_space<vmem>>, vector<16xf32>,
      tpu.vector_store %arg20[%swap3A_109, %swap3A_110], %broadcast_in_dim3A_7 {strides = array<i32>} : memref<320x72xf32, #tpu.memory_space<vmem>>, vector<16xf32>,
    }
    %scan3A_13 = arith.constant 320 : i32
    %scan3A_14 = arith.constant 0 : i32
    %scan3A_15 = arith.constant 160 : i32
    %scan3A_16 = arith.addi %scan3A_14, %scan3A_15 : i32
    %scan3A_17 = arith.constant 1 : i32
    scf.for %scan3A_95 = %scan3A_14 to %scan3A_16 step %scan3A_17  : i32 {
      %mul3A_96 = arith.constant 1 : i32
      %mul3A_97 = arith.muli %scan3A_95, %mul3A_96 : i32
      %add3A_98 = arith.constant 0 : i32
      %add3A_99 = arith.addi %add3A_98, %mul3A_97 : i32
      %mul3A_100 = arith.constant 2 : i32
      %mul3A_101 = arith.muli %mul3A_100, %add3A_99 : i32
      %add3A_102 = vector.broadcast %mul3A_101 : i32 to vector<16xi32>
      %add3A_103 = arith.addi %add3A_102, %shift_right_logical3A_4 : vector<16xi32>
      %add3A_104 = arith.constant 64 : i32
      %add3A_105 = vector.broadcast %add3A_104 : i32 to vector<16xi32>
      %add3A_106 = arith.addi %add3A_105, %and3A_6 : vector<16xi32>
      tpu.vector_store_idx %arg20[%add3A_103, %add3A_106], %broadcast_in_dim3A_7 : memref<320x72xf32, #tpu.memory_space<vmem>>[vector<16xi32>, vector<16xi32>], vector<16xf32>,
    }
    %scan3A_18 = arith.constant 160 : i32
    %add3A_19 = vector.broadcast %mul3A_2 : i32 to vector<16xi32>
    %add3A_20 = arith.addi %broadcast_in_dim3A_9, %add3A_19 : vector<16xi32>
    %scan3A_21 = arith.constant 0 : i32
    %scan3A_22 = arith.constant 720 : i32
    %scan3A_23 = arith.addi %scan3A_21, %scan3A_22 : i32
    %scan3A_24 = arith.constant 1 : i32
    scf.for %scan3A_95 = %scan3A_21 to %scan3A_23 step %scan3A_24  : i32 {
      %mul3A_96 = arith.constant 1 : i32
      %mul3A_97 = arith.muli %scan3A_95, %mul3A_96 : i32
      %add3A_98 = arith.constant 0 : i32
      %add3A_99 = arith.addi %add3A_98, %mul3A_97 : i32
      %mul3A_100 = arith.constant 16 : i32
      %mul3A_101 = arith.muli %add3A_99, %mul3A_100 : i32
      %swap3A_102 = arith.index_cast %mul3A_101 : i32 to index
      %swap3A_103 = tpu.vector_load %arg15[%swap3A_102] {strides = array<i32>} : memref<11520xi32, #tpu.memory_space<vmem>>, vector<16xi32>,
      tpu.vector_store %arg15[%swap3A_102], %add3A_20 {strides = array<i32>} : memref<11520xi32, #tpu.memory_space<vmem>>, vector<16xi32>,
    }
    %scan3A_25 = arith.constant 720 : i32
    "tpu.region"() ({
      %run_scoped3A = tpu.sem_alloc : memref<!tpu.dma_semaphore, #tpu.memory_space<semaphore_mem>>
      %dma_start3A_95 = arith.constant 0 : i32
      %dma_start3A_96 = tpu.memref_slice %arg6[%mul3A_2, %dma_start3A_95] : memref<10240x8xf32, #tpu.memory_space<hbm>> -> memref<320x8xf32, #tpu.memory_space<hbm>>
      %dma_start3A_97 = arith.constant 0 : i32
      %dma_start3A_98 = tpu.memref_slice %arg6[%mul3A_2, %dma_start3A_97] : memref<10240x8xf32, #tpu.memory_space<hbm>> -> memref<320x8xf32, #tpu.memory_space<hbm>>
      tpu.enqueue_dma source(%dma_start3A_98 : memref<320x8xf32, #tpu.memory_space<hbm>>) target(%arg19 : memref<320x8xf32, #tpu.memory_space<vmem>>) target_semaphore(%run_scoped3A : memref<!tpu.dma_semaphore, #tpu.memory_space<semaphore_mem>>)
      %dma_wait3A = arith.constant 0 : i32
      %dma_wait3A_99 = tpu.memref_slice %arg6[%mul3A_2, %dma_wait3A] : memref<10240x8xf32, #tpu.memory_space<hbm>> -> memref<320x8xf32, #tpu.memory_space<hbm>>
      %dma_wait3A_100 = arith.constant 0 : i32
      %dma_wait3A_101 = tpu.memref_slice %arg6[%mul3A_2, %dma_wait3A_100] : memref<10240x8xf32, #tpu.memory_space<hbm>> -> memref<320x8xf32, #tpu.memory_space<hbm>>
      tpu.wait_dma2 semaphore(%run_scoped3A : memref<!tpu.dma_semaphore, #tpu.memory_space<semaphore_mem>>) src(%dma_wait3A_101 : memref<320x8xf32, #tpu.memory_space<hbm>>) dst(%arg19 : memref<320x8xf32, #tpu.memory_space<vmem>>)
      tpu.yield
    }) : () -> ()
    "tpu.region"() ({
      %run_scoped3A = tpu.sem_alloc : memref<!tpu.dma_semaphore, #tpu.memory_space<semaphore_mem>>
      tpu.enqueue_dma source(%arg7 : memref<16xf32, #tpu.memory_space<hbm>>) target(%arg21 : memref<16xf32, #tpu.memory_space<vmem>>) target_semaphore(%run_scoped3A : memref<!tpu.dma_semaphore, #tpu.memory_space<semaphore_mem>>)
      tpu.wait_dma2 semaphore(%run_scoped3A : memref<!tpu.dma_semaphore, #tpu.memory_space<semaphore_mem>>) src(%arg7 : memref<16xf32, #tpu.memory_space<hbm>>) dst(%arg21 : memref<16xf32, #tpu.memory_space<vmem>>)
      tpu.yield
    }) : () -> ()
    %get3A = arith.constant 0 : index
    %get3A_26 = tpu.vector_load %arg21[%get3A] {strides = array<i32>} : memref<16xf32, #tpu.memory_space<vmem>>, vector<16xf32>,
    %dma_start3A = arith.constant 0 : i32
    %dma_start3A_27 = arith.constant 0 : i32
    %dma_start3A_28 = tpu.memref_slice %arg11[%dma_start3A, %dma_start3A_27] : memref<2x2048xi32, #tpu.memory_space<vmem>> -> memref<1x2048xi32, #tpu.memory_space<vmem>>
    %dma_start3A_29 = tpu.memref_squeeze %dma_start3A_28 : memref<1x2048xi32, #tpu.memory_space<vmem>> -> memref<2048xi32, #tpu.memory_space<vmem>>
    %dma_start3A_30 = arith.constant 0 : i32
    %dma_start3A_31 = tpu.memref_slice %arg2[%dma_start3A_30] : memref<335872xi32, #tpu.memory_space<hbm>> -> memref<2048xi32, #tpu.memory_space<hbm>>
    %dma_start3A_32 = arith.constant 0 : i32
    %dma_start3A_33 = tpu.memref_slice %arg11[%dma_start3A, %dma_start3A_32] : memref<2x2048xi32, #tpu.memory_space<vmem>> -> memref<1x2048xi32, #tpu.memory_space<vmem>>
    %dma_start3A_34 = tpu.memref_squeeze %dma_start3A_33 : memref<1x2048xi32, #tpu.memory_space<vmem>> -> memref<2048xi32, #tpu.memory_space<vmem>>
    %dma_start3A_35 = arith.constant 0 : i32
    %dma_start3A_36 = tpu.memref_slice %arg2[%dma_start3A_35] : memref<335872xi32, #tpu.memory_space<hbm>> -> memref<2048xi32, #tpu.memory_space<hbm>>
    tpu.enqueue_dma source(%dma_start3A_36 : memref<2048xi32, #tpu.memory_space<hbm>>) target(%dma_start3A_34 : memref<2048xi32, #tpu.memory_space<vmem>>) target_semaphore(%arg23 : memref<!tpu.dma_semaphore, #tpu.memory_space<semaphore_mem>>)
    %dma_start3A_37 = arith.constant 0 : i32
    %dma_start3A_38 = arith.constant 0 : i32
    %dma_start3A_39 = tpu.memref_slice %arg12[%dma_start3A_37, %dma_start3A_38] : memref<2x2048xi32, #tpu.memory_space<vmem>> -> memref<1x2048xi32, #tpu.memory_space<vmem>>
    %dma_start3A_40 = tpu.memref_squeeze %dma_start3A_39 : memref<1x2048xi32, #tpu.memory_space<vmem>> -> memref<2048xi32, #tpu.memory_space<vmem>>
    %dma_start3A_41 = arith.constant 0 : i32
    %dma_start3A_42 = tpu.memref_slice %arg3[%dma_start3A_41] : memref<335872xi32, #tpu.memory_space<hbm>> -> memref<2048xi32, #tpu.memory_space<hbm>>
    %dma_start3A_43 = arith.constant 0 : i32
    %dma_start3A_44 = tpu.memref_slice %arg12[%dma_start3A_37, %dma_start3A_43] : memref<2x2048xi32, #tpu.memory_space<vmem>> -> memref<1x2048xi32, #tpu.memory_space<vmem>>
    %dma_start3A_45 = tpu.memref_squeeze %dma_start3A_44 : memref<1x2048xi32, #tpu.memory_space<vmem>> -> memref<2048xi32, #tpu.memory_space<vmem>>
    %dma_start3A_46 = arith.constant 0 : i32
    %dma_start3A_47 = tpu.memref_slice %arg3[%dma_start3A_46] : memref<335872xi32, #tpu.memory_space<hbm>> -> memref<2048xi32, #tpu.memory_space<hbm>>
    tpu.enqueue_dma source(%dma_start3A_47 : memref<2048xi32, #tpu.memory_space<hbm>>) target(%dma_start3A_45 : memref<2048xi32, #tpu.memory_space<vmem>>) target_semaphore(%arg23 : memref<!tpu.dma_semaphore, #tpu.memory_space<semaphore_mem>>)
    %dma_start3A_48 = arith.constant 1 : i32
    %dma_start3A_49 = arith.constant 0 : i32
    %dma_start3A_50 = tpu.memref_slice %arg11[%dma_start3A_48, %dma_start3A_49] : memref<2x2048xi32, #tpu.memory_space<vmem>> -> memref<1x2048xi32, #tpu.memory_space<vmem>>
    %dma_start3A_51 = tpu.memref_squeeze %dma_start3A_50 : memref<1x2048xi32, #tpu.memory_space<vmem>> -> memref<2048xi32, #tpu.memory_space<vmem>>
    %dma_start3A_52 = arith.constant 2048 : i32
    %dma_start3A_53 = tpu.memref_slice %arg2[%dma_start3A_52] : memref<335872xi32, #tpu.memory_space<hbm>> -> memref<2048xi32, #tpu.memory_space<hbm>>
    %dma_start3A_54 = arith.constant 0 : i32
    %dma_start3A_55 = tpu.memref_slice %arg11[%dma_start3A_48, %dma_start3A_54] : memref<2x2048xi32, #tpu.memory_space<vmem>> -> memref<1x2048xi32, #tpu.memory_space<vmem>>
    %dma_start3A_56 = tpu.memref_squeeze %dma_start3A_55 : memref<1x2048xi32, #tpu.memory_space<vmem>> -> memref<2048xi32, #tpu.memory_space<vmem>>
    %dma_start3A_57 = arith.constant 2048 : i32
    %dma_start3A_58 = tpu.memref_slice %arg2[%dma_start3A_57] : memref<335872xi32, #tpu.memory_space<hbm>> -> memref<2048xi32, #tpu.memory_space<hbm>>
    tpu.enqueue_dma source(%dma_start3A_58 : memref<2048xi32, #tpu.memory_space<hbm>>) target(%dma_start3A_56 : memref<2048xi32, #tpu.memory_space<vmem>>) target_semaphore(%arg24 : memref<!tpu.dma_semaphore, #tpu.memory_space<semaphore_mem>>)
    %dma_start3A_59 = arith.constant 1 : i32
    %dma_start3A_60 = arith.constant 0 : i32
    %dma_start3A_61 = tpu.memref_slice %arg12[%dma_start3A_59, %dma_start3A_60] : memref<2x2048xi32, #tpu.memory_space<vmem>> -> memref<1x2048xi32, #tpu.memory_space<vmem>>
    %dma_start3A_62 = tpu.memref_squeeze %dma_start3A_61 : memref<1x2048xi32, #tpu.memory_space<vmem>> -> memref<2048xi32, #tpu.memory_space<vmem>>
    %dma_start3A_63 = arith.constant 2048 : i32
    %dma_start3A_64 = tpu.memref_slice %arg3[%dma_start3A_63] : memref<335872xi32, #tpu.memory_space<hbm>> -> memref<2048xi32, #tpu.memory_space<hbm>>
    %dma_start3A_65 = arith.constant 0 : i32
    %dma_start3A_66 = tpu.memref_slice %arg12[%dma_start3A_59, %dma_start3A_65] : memref<2x2048xi32, #tpu.memory_space<vmem>> -> memref<1x2048xi32, #tpu.memory_space<vmem>>
    %dma_start3A_67 = tpu.memref_squeeze %dma_start3A_66 : memref<1x2048xi32, #tpu.memory_space<vmem>> -> memref<2048xi32, #tpu.memory_space<vmem>>
    %dma_start3A_68 = arith.constant 2048 : i32
    %dma_start3A_69 = tpu.memref_slice %arg3[%dma_start3A_68] : memref<335872xi32, #tpu.memory_space<hbm>> -> memref<2048xi32, #tpu.memory_space<hbm>>
    tpu.enqueue_dma source(%dma_start3A_69 : memref<2048xi32, #tpu.memory_space<hbm>>) target(%dma_start3A_67 : memref<2048xi32, #tpu.memory_space<vmem>>) target_semaphore(%arg24 : memref<!tpu.dma_semaphore, #tpu.memory_space<semaphore_mem>>)
    %broadcast_in_dim3A_70 = arith.constant 0 : i32
    %broadcast_in_dim3A_71 = vector.broadcast %broadcast_in_dim3A_70 : i32 to vector<16xi32>
    %scan3A_72 = arith.constant 0 : i32
    %scan3A_73 = arith.constant 82 : i32
    %scan3A_74 = arith.addi %scan3A_72, %scan3A_73 : i32
    %scan3A_75 = arith.constant 1 : i32
    %scan3A_76 = scf.for %scan3A_95 = %scan3A_72 to %scan3A_74 step %scan3A_75 iter_args(%scan3A_96 = %broadcast_in_dim3A_71) -> (vector<16xi32>)  : i32 {
      %mul3A_97 = arith.constant 2 : i32
      %mul3A_98 = arith.muli %scan3A_95, %mul3A_97 : i32
      %add3A_99 = arith.constant 0 : i32
      %add3A_100 = arith.addi %add3A_99, %mul3A_98 : i32
      %add3A_101 = arith.constant 0 : i32
      %add3A_102 = arith.addi %add3A_100, %add3A_101 : i32
      %dma_wait3A = arith.constant 0 : i32
      %dma_wait3A_103 = arith.constant 0 : i32
      %dma_wait3A_104 = tpu.memref_slice %arg11[%dma_wait3A, %dma_wait3A_103] : memref<2x2048xi32, #tpu.memory_space<vmem>> -> memref<1x2048xi32, #tpu.memory_space<vmem>>
      %dma_wait3A_105 = tpu.memref_squeeze %dma_wait3A_104 : memref<1x2048xi32, #tpu.memory_space<vmem>> -> memref<2048xi32, #tpu.memory_space<vmem>>
      %dma_wait3A_106 = arith.constant 0 : i32
      %dma_wait3A_107 = tpu.memref_slice %arg2[%dma_wait3A_106] : memref<335872xi32, #tpu.memory_space<hbm>> -> memref<2048xi32, #tpu.memory_space<hbm>>
      %dma_wait3A_108 = arith.constant 0 : i32
      %dma_wait3A_109 = tpu.memref_slice %arg11[%dma_wait3A, %dma_wait3A_108] : memref<2x2048xi32, #tpu.memory_space<vmem>> -> memref<1x2048xi32, #tpu.memory_space<vmem>>
      %dma_wait3A_110 = tpu.memref_squeeze %dma_wait3A_109 : memref<1x2048xi32, #tpu.memory_space<vmem>> -> memref<2048xi32, #tpu.memory_space<vmem>>
      %dma_wait3A_111 = arith.constant 0 : i32
      %dma_wait3A_112 = tpu.memref_slice %arg2[%dma_wait3A_111] : memref<335872xi32, #tpu.memory_space<hbm>> -> memref<2048xi32, #tpu.memory_space<hbm>>
      tpu.wait_dma2 semaphore(%arg23 : memref<!tpu.dma_semaphore, #tpu.memory_space<semaphore_mem>>) src(%dma_wait3A_112 : memref<2048xi32, #tpu.memory_space<hbm>>) dst(%dma_wait3A_110 : memref<2048xi32, #tpu.memory_space<vmem>>)
      %dma_wait3A_113 = arith.constant 0 : i32
      %dma_wait3A_114 = arith.constant 0 : i32
      %dma_wait3A_115 = tpu.memref_slice %arg12[%dma_wait3A_113, %dma_wait3A_114] : memref<2x2048xi32, #tpu.memory_space<vmem>> -> memref<1x2048xi32, #tpu.memory_space<vmem>>
      %dma_wait3A_116 = tpu.memref_squeeze %dma_wait3A_115 : memref<1x2048xi32, #tpu.memory_space<vmem>> -> memref<2048xi32, #tpu.memory_space<vmem>>
      %dma_wait3A_117 = arith.constant 0 : i32
      %dma_wait3A_118 = tpu.memref_slice %arg3[%dma_wait3A_117] : memref<335872xi32, #tpu.memory_space<hbm>> -> memref<2048xi32, #tpu.memory_space<hbm>>
      %dma_wait3A_119 = arith.constant 0 : i32
      %dma_wait3A_120 = tpu.memref_slice %arg12[%dma_wait3A_113, %dma_wait3A_119] : memref<2x2048xi32, #tpu.memory_space<vmem>> -> memref<1x2048xi32, #tpu.memory_space<vmem>>
      %dma_wait3A_121 = tpu.memref_squeeze %dma_wait3A_120 : memref<1x2048xi32, #tpu.memory_space<vmem>> -> memref<2048xi32, #tpu.memory_space<vmem>>
      %dma_wait3A_122 = arith.constant 0 : i32
      %dma_wait3A_123 = tpu.memref_slice %arg3[%dma_wait3A_122] : memref<335872xi32, #tpu.memory_space<hbm>> -> memref<2048xi32, #tpu.memory_space<hbm>>
      tpu.wait_dma2 semaphore(%arg23 : memref<!tpu.dma_semaphore, #tpu.memory_space<semaphore_mem>>) src(%dma_wait3A_123 : memref<2048xi32, #tpu.memory_space<hbm>>) dst(%dma_wait3A_121 : memref<2048xi32, #tpu.memory_space<vmem>>)
      %scan3A_124 = arith.constant 0 : i32
      %scan3A_125 = arith.constant 128 : i32
      %scan3A_126 = arith.addi %scan3A_124, %scan3A_125 : i32
      %scan3A_127 = arith.constant 2 : i32
      %scan3A_128 = scf.for %scan3A_173 = %scan3A_124 to %scan3A_126 step %scan3A_127 iter_args(%scan3A_174 = %scan3A_96) -> (vector<16xi32>)  : i32 {
        %mul3A_175 = arith.constant 1 : i32
        %mul3A_176 = arith.muli %scan3A_173, %mul3A_175 : i32
        %add3A_177 = arith.constant 0 : i32
        %add3A_178 = arith.addi %add3A_177, %mul3A_176 : i32
        %mul3A_179 = arith.constant 16 : i32
        %mul3A_180 = arith.muli %add3A_178, %mul3A_179 : i32
        %get3A_181 = arith.constant 0 : i32
        %get3A_182 = arith.index_cast %get3A_181 : i32 to index
        %get3A_183 = arith.index_cast %mul3A_180 : i32 to index
        %get3A_184 = tpu.vector_load %arg11[%get3A_182, %get3A_183] {strides = array<i32>} : memref<2x2048xi32, #tpu.memory_space<vmem>>, vector<16xi32>,
        %mul3A_185 = arith.constant 16 : i32
        %mul3A_186 = arith.muli %add3A_178, %mul3A_185 : i32
        %get3A_187 = arith.constant 0 : i32
        %get3A_188 = arith.index_cast %get3A_187 : i32 to index
        %get3A_189 = arith.index_cast %mul3A_186 : i32 to index
        %get3A_190 = tpu.vector_load %arg12[%get3A_188, %get3A_189] {strides = array<i32>} : memref<2x2048xi32, #tpu.memory_space<vmem>>, vector<16xi32>,
        %shift_left3A = arith.constant 14 : i32
        %shift_left3A_191 = vector.broadcast %shift_left3A : i32 to vector<16xi32>
        %shift_left3A_192 = arith.shli %get3A_184, %shift_left3A_191 : vector<16xi32>
        %or3A = arith.ori %shift_left3A_192, %get3A_190 : vector<16xi32>
        %mul3A_193 = arith.constant 13108 : i32
        %mul3A_194 = vector.broadcast %mul3A_193 : i32 to vector<16xi32>
        %mul3A_195 = arith.muli %get3A_190, %mul3A_194 : vector<16xi32>
        %shift_right_logical3A_196 = arith.constant 22 : i32
        %shift_right_logical3A_197 = vector.broadcast %shift_right_logical3A_196 : i32 to vector<16xi32>
        %shift_right_logical3A_198 = arith.shrui %mul3A_195, %shift_right_logical3A_197 : vector<16xi32>
        %slice3A_199 = vector.extract_strided_slice %scan3A_174 {offsets = [0], sizes = [1], strides = [1]} : vector<16xi32> to vector<1xi32>
        %squeeze3A_200 = vector.extract %slice3A_199[0] : i32 from vector<1xi32>
        %eq3A_201 = vector.broadcast %add3A : i32 to vector<16xi32>
        %eq3A_202 = arith.cmpi eq, %shift_right_logical3A_198, %eq3A_201 : vector<16xi32>
        %le3A = arith.constant 11504 : i32
        %le3A_203 = arith.cmpi sle, %squeeze3A_200, %le3A : i32
        %and3A_204 = vector.broadcast %le3A_203 : i1 to vector<16xi1>
        %and3A_205 = arith.andi %eq3A_202, %and3A_204 : vector<16xi1>
        %swap3A_206 = arith.index_cast %squeeze3A_200 : i32 to index
        %swap3A_207 = tpu.vector_load %arg15[%swap3A_206] masked %and3A_205 {strides = array<i32>} : memref<11520xi32, #tpu.memory_space<vmem>>, vector<16xi32>, vector<16xi1>
        tpu.vector_store %arg15[%swap3A_206], %or3A masked %and3A_205 {strides = array<i32>} : memref<11520xi32, #tpu.memory_space<vmem>>, vector<16xi32>, vector<16xi1>
        %all_reduce_population_count3A = tpu.all_reduce %and3A_205 {dim = 0 : i64, kind = #tpu.reduction_kind<sum>} : vector<16xi1> -> vector<16xi32>
        %add3A_208 = arith.addi %scan3A_174, %all_reduce_population_count3A : vector<16xi32>
        %scan3A_209 = arith.constant 1 : i32
        %scan3A_210 = arith.addi %scan3A_173, %scan3A_209 : i32
        %mul3A_211 = arith.constant 1 : i32
        %mul3A_212 = arith.muli %scan3A_210, %mul3A_211 : i32
        %add3A_213 = arith.constant 0 : i32
        %add3A_214 = arith.addi %add3A_213, %mul3A_212 : i32
        %mul3A_215 = arith.constant 16 : i32
        %mul3A_216 = arith.muli %add3A_214, %mul3A_215 : i32
        %get3A_217 = arith.constant 0 : i32
        %get3A_218 = arith.index_cast %get3A_217 : i32 to index
        %get3A_219 = arith.index_cast %mul3A_216 : i32 to index
        %get3A_220 = tpu.vector_load %arg11[%get3A_218, %get3A_219] {strides = array<i32>} : memref<2x2048xi32, #tpu.memory_space<vmem>>, vector<16xi32>,
        %mul3A_221 = arith.constant 16 : i32
        %mul3A_222 = arith.muli %add3A_214, %mul3A_221 : i32
        %get3A_223 = arith.constant 0 : i32
        %get3A_224 = arith.index_cast %get3A_223 : i32 to index
        %get3A_225 = arith.index_cast %mul3A_222 : i32 to index
        %get3A_226 = tpu.vector_load %arg12[%get3A_224, %get3A_225] {strides = array<i32>} : memref<2x2048xi32, #tpu.memory_space<vmem>>, vector<16xi32>,
        %shift_left3A_227 = arith.constant 14 : i32
        %shift_left3A_228 = vector.broadcast %shift_left3A_227 : i32 to vector<16xi32>
        %shift_left3A_229 = arith.shli %get3A_220, %shift_left3A_228 : vector<16xi32>
        %or3A_230 = arith.ori %shift_left3A_229, %get3A_226 : vector<16xi32>
        %mul3A_231 = arith.constant 13108 : i32
        %mul3A_232 = vector.broadcast %mul3A_231 : i32 to vector<16xi32>
        %mul3A_233 = arith.muli %get3A_226, %mul3A_232 : vector<16xi32>
        %shift_right_logical3A_234 = arith.constant 22 : i32
        %shift_right_logical3A_235 = vector.broadcast %shift_right_logical3A_234 : i32 to vector<16xi32>
        %shift_right_logical3A_236 = arith.shrui %mul3A_233, %shift_right_logical3A_235 : vector<16xi32>
        %slice3A_237 = vector.extract_strided_slice %add3A_208 {offsets = [0], sizes = [1], strides = [1]} : vector<16xi32> to vector<1xi32>
        %squeeze3A_238 = vector.extract %slice3A_237[0] : i32 from vector<1xi32>
        %eq3A_239 = vector.broadcast %add3A : i32 to vector<16xi32>
        %eq3A_240 = arith.cmpi eq, %shift_right_logical3A_236, %eq3A_239 : vector<16xi32>
        %le3A_241 = arith.constant 11504 : i32
        %le3A_242 = arith.cmpi sle, %squeeze3A_238, %le3A_241 : i32
        %and3A_243 = vector.broadcast %le3A_242 : i1 to vector<16xi1>
        %and3A_244 = arith.andi %eq3A_240, %and3A_243 : vector<16xi1>
        %swap3A_245 = arith.index_cast %squeeze3A_238 : i32 to index
        %swap3A_246 = tpu.vector_load %arg15[%swap3A_245] masked %and3A_244 {strides = array<i32>} : memref<11520xi32, #tpu.memory_space<vmem>>, vector<16xi32>, vector<16xi1>
        tpu.vector_store %arg15[%swap3A_245], %or3A_230 masked %and3A_244 {strides = array<i32>} : memref<11520xi32, #tpu.memory_space<vmem>>, vector<16xi32>, vector<16xi1>
        %all_reduce_population_count3A_247 = tpu.all_reduce %and3A_244 {dim = 0 : i64, kind = #tpu.reduction_kind<sum>} : vector<16xi1> -> vector<16xi32>
        %add3A_248 = arith.addi %add3A_208, %all_reduce_population_count3A_247 : vector<16xi32>
        scf.yield %add3A_248 : vector<16xi32>
      }
      %scan3A_129 = arith.constant 128 : i32
      %add3A_130 = arith.constant 2 : i32
      %add3A_131 = arith.addi %add3A_102, %add3A_130 : i32
      %lt3A = arith.constant 164 : i32
      %lt3A_132 = arith.cmpi slt, %add3A_131, %lt3A : i32
      %convert_element_type3A_133 = arith.extui %lt3A_132 : i1 to i32
      %cond3A_134 = arith.constant 0 : i32
      %cond3A_135 = arith.cmpi ne, %convert_element_type3A_133, %cond3A_134 : i32
      scf.if %cond3A_135 {
        %add3A_173 = arith.constant 2 : i32
        %add3A_174 = arith.addi %add3A_102, %add3A_173 : i32
        %mul3A_175 = arith.constant 2048 : i32
        %mul3A_176 = arith.muli %add3A_174, %mul3A_175 : i32
        %dma_start3A_177 = arith.constant 0 : i32
        %dma_start3A_178 = arith.constant 0 : i32
        %dma_start3A_179 = tpu.memref_slice %arg11[%dma_start3A_177, %dma_start3A_178] : memref<2x2048xi32, #tpu.memory_space<vmem>> -> memref<1x2048xi32, #tpu.memory_space<vmem>>
        %dma_start3A_180 = tpu.memref_squeeze %dma_start3A_179 : memref<1x2048xi32, #tpu.memory_space<vmem>> -> memref<2048xi32, #tpu.memory_space<vmem>>
        %dma_start3A_181 = tpu.memref_slice %arg2[%mul3A_176] : memref<335872xi32, #tpu.memory_space<hbm>> -> memref<2048xi32, #tpu.memory_space<hbm>>
        %dma_start3A_182 = arith.constant 0 : i32
        %dma_start3A_183 = tpu.memref_slice %arg11[%dma_start3A_177, %dma_start3A_182] : memref<2x2048xi32, #tpu.memory_space<vmem>> -> memref<1x2048xi32, #tpu.memory_space<vmem>>
        %dma_start3A_184 = tpu.memref_squeeze %dma_start3A_183 : memref<1x2048xi32, #tpu.memory_space<vmem>> -> memref<2048xi32, #tpu.memory_space<vmem>>
        %dma_start3A_185 = tpu.memref_slice %arg2[%mul3A_176] : memref<335872xi32, #tpu.memory_space<hbm>> -> memref<2048xi32, #tpu.memory_space<hbm>>
        tpu.enqueue_dma source(%dma_start3A_185 : memref<2048xi32, #tpu.memory_space<hbm>>) target(%dma_start3A_184 : memref<2048xi32, #tpu.memory_space<vmem>>) target_semaphore(%arg23 : memref<!tpu.dma_semaphore, #tpu.memory_space<semaphore_mem>>)
        %dma_start3A_186 = arith.constant 0 : i32
        %dma_start3A_187 = arith.constant 0 : i32
        %dma_start3A_188 = tpu.memref_slice %arg12[%dma_start3A_186, %dma_start3A_187] : memref<2x2048xi32, #tpu.memory_space<vmem>> -> memref<1x2048xi32, #tpu.memory_space<vmem>>
        %dma_start3A_189 = tpu.memref_squeeze %dma_start3A_188 : memref<1x2048xi32, #tpu.memory_space<vmem>> -> memref<2048xi32, #tpu.memory_space<vmem>>
        %dma_start3A_190 = tpu.memref_slice %arg3[%mul3A_176] : memref<335872xi32, #tpu.memory_space<hbm>> -> memref<2048xi32, #tpu.memory_space<hbm>>
        %dma_start3A_191 = arith.constant 0 : i32
        %dma_start3A_192 = tpu.memref_slice %arg12[%dma_start3A_186, %dma_start3A_191] : memref<2x2048xi32, #tpu.memory_space<vmem>> -> memref<1x2048xi32, #tpu.memory_space<vmem>>
        %dma_start3A_193 = tpu.memref_squeeze %dma_start3A_192 : memref<1x2048xi32, #tpu.memory_space<vmem>> -> memref<2048xi32, #tpu.memory_space<vmem>>
        %dma_start3A_194 = tpu.memref_slice %arg3[%mul3A_176] : memref<335872xi32, #tpu.memory_space<hbm>> -> memref<2048xi32, #tpu.memory_space<hbm>>
        tpu.enqueue_dma source(%dma_start3A_194 : memref<2048xi32, #tpu.memory_space<hbm>>) target(%dma_start3A_193 : memref<2048xi32, #tpu.memory_space<vmem>>) target_semaphore(%arg23 : memref<!tpu.dma_semaphore, #tpu.memory_space<semaphore_mem>>)
      } else {
      }
      %add3A_136 = arith.constant 1 : i32
      %add3A_137 = arith.addi %add3A_100, %add3A_136 : i32
      %dma_wait3A_138 = arith.constant 1 : i32
      %dma_wait3A_139 = arith.constant 0 : i32
      %dma_wait3A_140 = tpu.memref_slice %arg11[%dma_wait3A_138, %dma_wait3A_139] : memref<2x2048xi32, #tpu.memory_space<vmem>> -> memref<1x2048xi32, #tpu.memory_space<vmem>>
      %dma_wait3A_141 = tpu.memref_squeeze %dma_wait3A_140 : memref<1x2048xi32, #tpu.memory_space<vmem>> -> memref<2048xi32, #tpu.memory_space<vmem>>
      %dma_wait3A_142 = arith.constant 0 : i32
      %dma_wait3A_143 = tpu.memref_slice %arg2[%dma_wait3A_142] : memref<335872xi32, #tpu.memory_space<hbm>> -> memref<2048xi32, #tpu.memory_space<hbm>>
      %dma_wait3A_144 = arith.constant 0 : i32
      %dma_wait3A_145 = tpu.memref_slice %arg11[%dma_wait3A_138, %dma_wait3A_144] : memref<2x2048xi32, #tpu.memory_space<vmem>> -> memref<1x2048xi32, #tpu.memory_space<vmem>>
      %dma_wait3A_146 = tpu.memref_squeeze %dma_wait3A_145 : memref<1x2048xi32, #tpu.memory_space<vmem>> -> memref<2048xi32, #tpu.memory_space<vmem>>
      %dma_wait3A_147 = arith.constant 0 : i32
      %dma_wait3A_148 = tpu.memref_slice %arg2[%dma_wait3A_147] : memref<335872xi32, #tpu.memory_space<hbm>> -> memref<2048xi32, #tpu.memory_space<hbm>>
      tpu.wait_dma2 semaphore(%arg24 : memref<!tpu.dma_semaphore, #tpu.memory_space<semaphore_mem>>) src(%dma_wait3A_148 : memref<2048xi32, #tpu.memory_space<hbm>>) dst(%dma_wait3A_146 : memref<2048xi32, #tpu.memory_space<vmem>>)
      %dma_wait3A_149 = arith.constant 1 : i32
      %dma_wait3A_150 = arith.constant 0 : i32
      %dma_wait3A_151 = tpu.memref_slice %arg12[%dma_wait3A_149, %dma_wait3A_150] : memref<2x2048xi32, #tpu.memory_space<vmem>> -> memref<1x2048xi32, #tpu.memory_space<vmem>>
      %dma_wait3A_152 = tpu.memref_squeeze %dma_wait3A_151 : memref<1x2048xi32, #tpu.memory_space<vmem>> -> memref<2048xi32, #tpu.memory_space<vmem>>
      %dma_wait3A_153 = arith.constant 0 : i32
      %dma_wait3A_154 = tpu.memref_slice %arg3[%dma_wait3A_153] : memref<335872xi32, #tpu.memory_space<hbm>> -> memref<2048xi32, #tpu.memory_space<hbm>>
      %dma_wait3A_155 = arith.constant 0 : i32
      %dma_wait3A_156 = tpu.memref_slice %arg12[%dma_wait3A_149, %dma_wait3A_155] : memref<2x2048xi32, #tpu.memory_space<vmem>> -> memref<1x2048xi32, #tpu.memory_space<vmem>>
      %dma_wait3A_157 = tpu.memref_squeeze %dma_wait3A_156 : memref<1x2048xi32, #tpu.memory_space<vmem>> -> memref<2048xi32, #tpu.memory_space<vmem>>
      %dma_wait3A_158 = arith.constant 0 : i32
      %dma_wait3A_159 = tpu.memref_slice %arg3[%dma_wait3A_158] : memref<335872xi32, #tpu.memory_space<hbm>> -> memref<2048xi32, #tpu.memory_space<hbm>>
      tpu.wait_dma2 semaphore(%arg24 : memref<!tpu.dma_semaphore, #tpu.memory_space<semaphore_mem>>) src(%dma_wait3A_159 : memref<2048xi32, #tpu.memory_space<hbm>>) dst(%dma_wait3A_157 : memref<2048xi32, #tpu.memory_space<vmem>>)
      %scan3A_160 = arith.constant 0 : i32
      %scan3A_161 = arith.constant 128 : i32
      %scan3A_162 = arith.addi %scan3A_160, %scan3A_161 : i32
      %scan3A_163 = arith.constant 2 : i32
      %scan3A_164 = scf.for %scan3A_173 = %scan3A_160 to %scan3A_162 step %scan3A_163 iter_args(%scan3A_174 = %scan3A_128) -> (vector<16xi32>)  : i32 {
        %mul3A_175 = arith.constant 1 : i32
        %mul3A_176 = arith.muli %scan3A_173, %mul3A_175 : i32
        %add3A_177 = arith.constant 0 : i32
        %add3A_178 = arith.addi %add3A_177, %mul3A_176 : i32
        %mul3A_179 = arith.constant 16 : i32
        %mul3A_180 = arith.muli %add3A_178, %mul3A_179 : i32
        %get3A_181 = arith.constant 1 : i32
        %get3A_182 = arith.index_cast %get3A_181 : i32 to index
        %get3A_183 = arith.index_cast %mul3A_180 : i32 to index
        %get3A_184 = tpu.vector_load %arg11[%get3A_182, %get3A_183] {strides = array<i32>} : memref<2x2048xi32, #tpu.memory_space<vmem>>, vector<16xi32>,
        %mul3A_185 = arith.constant 16 : i32
        %mul3A_186 = arith.muli %add3A_178, %mul3A_185 : i32
        %get3A_187 = arith.constant 1 : i32
        %get3A_188 = arith.index_cast %get3A_187 : i32 to index
        %get3A_189 = arith.index_cast %mul3A_186 : i32 to index
        %get3A_190 = tpu.vector_load %arg12[%get3A_188, %get3A_189] {strides = array<i32>} : memref<2x2048xi32, #tpu.memory_space<vmem>>, vector<16xi32>,
        %shift_left3A = arith.constant 14 : i32
        %shift_left3A_191 = vector.broadcast %shift_left3A : i32 to vector<16xi32>
        %shift_left3A_192 = arith.shli %get3A_184, %shift_left3A_191 : vector<16xi32>
        %or3A = arith.ori %shift_left3A_192, %get3A_190 : vector<16xi32>
        %mul3A_193 = arith.constant 13108 : i32
        %mul3A_194 = vector.broadcast %mul3A_193 : i32 to vector<16xi32>
        %mul3A_195 = arith.muli %get3A_190, %mul3A_194 : vector<16xi32>
        %shift_right_logical3A_196 = arith.constant 22 : i32
        %shift_right_logical3A_197 = vector.broadcast %shift_right_logical3A_196 : i32 to vector<16xi32>
        %shift_right_logical3A_198 = arith.shrui %mul3A_195, %shift_right_logical3A_197 : vector<16xi32>
        %slice3A_199 = vector.extract_strided_slice %scan3A_174 {offsets = [0], sizes = [1], strides = [1]} : vector<16xi32> to vector<1xi32>
        %squeeze3A_200 = vector.extract %slice3A_199[0] : i32 from vector<1xi32>
        %eq3A_201 = vector.broadcast %add3A : i32 to vector<16xi32>
        %eq3A_202 = arith.cmpi eq, %shift_right_logical3A_198, %eq3A_201 : vector<16xi32>
        %le3A = arith.constant 11504 : i32
        %le3A_203 = arith.cmpi sle, %squeeze3A_200, %le3A : i32
        %and3A_204 = vector.broadcast %le3A_203 : i1 to vector<16xi1>
        %and3A_205 = arith.andi %eq3A_202, %and3A_204 : vector<16xi1>
        %swap3A_206 = arith.index_cast %squeeze3A_200 : i32 to index
        %swap3A_207 = tpu.vector_load %arg15[%swap3A_206] masked %and3A_205 {strides = array<i32>} : memref<11520xi32, #tpu.memory_space<vmem>>, vector<16xi32>, vector<16xi1>
        tpu.vector_store %arg15[%swap3A_206], %or3A masked %and3A_205 {strides = array<i32>} : memref<11520xi32, #tpu.memory_space<vmem>>, vector<16xi32>, vector<16xi1>
        %all_reduce_population_count3A = tpu.all_reduce %and3A_205 {dim = 0 : i64, kind = #tpu.reduction_kind<sum>} : vector<16xi1> -> vector<16xi32>
        %add3A_208 = arith.addi %scan3A_174, %all_reduce_population_count3A : vector<16xi32>
        %scan3A_209 = arith.constant 1 : i32
        %scan3A_210 = arith.addi %scan3A_173, %scan3A_209 : i32
        %mul3A_211 = arith.constant 1 : i32
        %mul3A_212 = arith.muli %scan3A_210, %mul3A_211 : i32
        %add3A_213 = arith.constant 0 : i32
        %add3A_214 = arith.addi %add3A_213, %mul3A_212 : i32
        %mul3A_215 = arith.constant 16 : i32
        %mul3A_216 = arith.muli %add3A_214, %mul3A_215 : i32
        %get3A_217 = arith.constant 1 : i32
        %get3A_218 = arith.index_cast %get3A_217 : i32 to index
        %get3A_219 = arith.index_cast %mul3A_216 : i32 to index
        %get3A_220 = tpu.vector_load %arg11[%get3A_218, %get3A_219] {strides = array<i32>} : memref<2x2048xi32, #tpu.memory_space<vmem>>, vector<16xi32>,
        %mul3A_221 = arith.constant 16 : i32
        %mul3A_222 = arith.muli %add3A_214, %mul3A_221 : i32
        %get3A_223 = arith.constant 1 : i32
        %get3A_224 = arith.index_cast %get3A_223 : i32 to index
        %get3A_225 = arith.index_cast %mul3A_222 : i32 to index
        %get3A_226 = tpu.vector_load %arg12[%get3A_224, %get3A_225] {strides = array<i32>} : memref<2x2048xi32, #tpu.memory_space<vmem>>, vector<16xi32>,
        %shift_left3A_227 = arith.constant 14 : i32
        %shift_left3A_228 = vector.broadcast %shift_left3A_227 : i32 to vector<16xi32>
        %shift_left3A_229 = arith.shli %get3A_220, %shift_left3A_228 : vector<16xi32>
        %or3A_230 = arith.ori %shift_left3A_229, %get3A_226 : vector<16xi32>
        %mul3A_231 = arith.constant 13108 : i32
        %mul3A_232 = vector.broadcast %mul3A_231 : i32 to vector<16xi32>
        %mul3A_233 = arith.muli %get3A_226, %mul3A_232 : vector<16xi32>
        %shift_right_logical3A_234 = arith.constant 22 : i32
        %shift_right_logical3A_235 = vector.broadcast %shift_right_logical3A_234 : i32 to vector<16xi32>
        %shift_right_logical3A_236 = arith.shrui %mul3A_233, %shift_right_logical3A_235 : vector<16xi32>
        %slice3A_237 = vector.extract_strided_slice %add3A_208 {offsets = [0], sizes = [1], strides = [1]} : vector<16xi32> to vector<1xi32>
        %squeeze3A_238 = vector.extract %slice3A_237[0] : i32 from vector<1xi32>
        %eq3A_239 = vector.broadcast %add3A : i32 to vector<16xi32>
        %eq3A_240 = arith.cmpi eq, %shift_right_logical3A_236, %eq3A_239 : vector<16xi32>
        %le3A_241 = arith.constant 11504 : i32
        %le3A_242 = arith.cmpi sle, %squeeze3A_238, %le3A_241 : i32
        %and3A_243 = vector.broadcast %le3A_242 : i1 to vector<16xi1>
        %and3A_244 = arith.andi %eq3A_240, %and3A_243 : vector<16xi1>
        %swap3A_245 = arith.index_cast %squeeze3A_238 : i32 to index
        %swap3A_246 = tpu.vector_load %arg15[%swap3A_245] masked %and3A_244 {strides = array<i32>} : memref<11520xi32, #tpu.memory_space<vmem>>, vector<16xi32>, vector<16xi1>
        tpu.vector_store %arg15[%swap3A_245], %or3A_230 masked %and3A_244 {strides = array<i32>} : memref<11520xi32, #tpu.memory_space<vmem>>, vector<16xi32>, vector<16xi1>
        %all_reduce_population_count3A_247 = tpu.all_reduce %and3A_244 {dim = 0 : i64, kind = #tpu.reduction_kind<sum>} : vector<16xi1> -> vector<16xi32>
        %add3A_248 = arith.addi %add3A_208, %all_reduce_population_count3A_247 : vector<16xi32>
        scf.yield %add3A_248 : vector<16xi32>
      }
      %scan3A_165 = arith.constant 128 : i32
      %add3A_166 = arith.constant 2 : i32
      %add3A_167 = arith.addi %add3A_137, %add3A_166 : i32
      %lt3A_168 = arith.constant 164 : i32
      %lt3A_169 = arith.cmpi slt, %add3A_167, %lt3A_168 : i32
      %convert_element_type3A_170 = arith.extui %lt3A_169 : i1 to i32
      %cond3A_171 = arith.constant 0 : i32
      %cond3A_172 = arith.cmpi ne, %convert_element_type3A_170, %cond3A_171 : i32
      scf.if %cond3A_172 {
        %add3A_173 = arith.constant 2 : i32
        %add3A_174 = arith.addi %add3A_137, %add3A_173 : i32
        %mul3A_175 = arith.constant 2048 : i32
        %mul3A_176 = arith.muli %add3A_174, %mul3A_175 : i32
        %dma_start3A_177 = arith.constant 1 : i32
        %dma_start3A_178 = arith.constant 0 : i32
        %dma_start3A_179 = tpu.memref_slice %arg11[%dma_start3A_177, %dma_start3A_178] : memref<2x2048xi32, #tpu.memory_space<vmem>> -> memref<1x2048xi32, #tpu.memory_space<vmem>>
        %dma_start3A_180 = tpu.memref_squeeze %dma_start3A_179 : memref<1x2048xi32, #tpu.memory_space<vmem>> -> memref<2048xi32, #tpu.memory_space<vmem>>
        %dma_start3A_181 = tpu.memref_slice %arg2[%mul3A_176] : memref<335872xi32, #tpu.memory_space<hbm>> -> memref<2048xi32, #tpu.memory_space<hbm>>
        %dma_start3A_182 = arith.constant 0 : i32
        %dma_start3A_183 = tpu.memref_slice %arg11[%dma_start3A_177, %dma_start3A_182] : memref<2x2048xi32, #tpu.memory_space<vmem>> -> memref<1x2048xi32, #tpu.memory_space<vmem>>
        %dma_start3A_184 = tpu.memref_squeeze %dma_start3A_183 : memref<1x2048xi32, #tpu.memory_space<vmem>> -> memref<2048xi32, #tpu.memory_space<vmem>>
        %dma_start3A_185 = tpu.memref_slice %arg2[%mul3A_176] : memref<335872xi32, #tpu.memory_space<hbm>> -> memref<2048xi32, #tpu.memory_space<hbm>>
        tpu.enqueue_dma source(%dma_start3A_185 : memref<2048xi32, #tpu.memory_space<hbm>>) target(%dma_start3A_184 : memref<2048xi32, #tpu.memory_space<vmem>>) target_semaphore(%arg24 : memref<!tpu.dma_semaphore, #tpu.memory_space<semaphore_mem>>)
        %dma_start3A_186 = arith.constant 1 : i32
        %dma_start3A_187 = arith.constant 0 : i32
        %dma_start3A_188 = tpu.memref_slice %arg12[%dma_start3A_186, %dma_start3A_187] : memref<2x2048xi32, #tpu.memory_space<vmem>> -> memref<1x2048xi32, #tpu.memory_space<vmem>>
        %dma_start3A_189 = tpu.memref_squeeze %dma_start3A_188 : memref<1x2048xi32, #tpu.memory_space<vmem>> -> memref<2048xi32, #tpu.memory_space<vmem>>
        %dma_start3A_190 = tpu.memref_slice %arg3[%mul3A_176] : memref<335872xi32, #tpu.memory_space<hbm>> -> memref<2048xi32, #tpu.memory_space<hbm>>
        %dma_start3A_191 = arith.constant 0 : i32
        %dma_start3A_192 = tpu.memref_slice %arg12[%dma_start3A_186, %dma_start3A_191] : memref<2x2048xi32, #tpu.memory_space<vmem>> -> memref<1x2048xi32, #tpu.memory_space<vmem>>
        %dma_start3A_193 = tpu.memref_squeeze %dma_start3A_192 : memref<1x2048xi32, #tpu.memory_space<vmem>> -> memref<2048xi32, #tpu.memory_space<vmem>>
        %dma_start3A_194 = tpu.memref_slice %arg3[%mul3A_176] : memref<335872xi32, #tpu.memory_space<hbm>> -> memref<2048xi32, #tpu.memory_space<hbm>>
        tpu.enqueue_dma source(%dma_start3A_194 : memref<2048xi32, #tpu.memory_space<hbm>>) target(%dma_start3A_193 : memref<2048xi32, #tpu.memory_space<vmem>>) target_semaphore(%arg24 : memref<!tpu.dma_semaphore, #tpu.memory_space<semaphore_mem>>)
      } else {
      }
      scf.yield %scan3A_164 : vector<16xi32>
    }
    %scan3A_77 = arith.constant 82 : i32
    %slice3A = vector.extract_strided_slice %scan3A_76 {offsets = [0], sizes = [1], strides = [1]} : vector<16xi32> to vector<1xi32>
    %squeeze3A = vector.extract %slice3A[0] : i32 from vector<1xi32>
    %scan3A_78 = arith.constant 0 : i32
    %scan3A_79 = arith.constant 720 : i32
    %scan3A_80 = arith.addi %scan3A_78, %scan3A_79 : i32
    %scan3A_81 = arith.constant 1 : i32
    scf.for %scan3A_95 = %scan3A_78 to %scan3A_80 step %scan3A_81  : i32 {
      %mul3A_96 = arith.constant 1 : i32
      %mul3A_97 = arith.muli %scan3A_95, %mul3A_96 : i32
      %add3A_98 = arith.constant 0 : i32
      %add3A_99 = arith.addi %add3A_98, %mul3A_97 : i32
      %mul3A_100 = arith.constant 16 : i32
      %mul3A_101 = arith.muli %add3A_99, %mul3A_100 : i32
      %get3A_102 = arith.index_cast %mul3A_101 : i32 to index
      %get3A_103 = tpu.vector_load %arg15[%get3A_102] {strides = array<i32>} : memref<11520xi32, #tpu.memory_space<vmem>>, vector<16xi32>,
      %shift_right_logical3A_104 = arith.constant 14 : i32
      %shift_right_logical3A_105 = vector.broadcast %shift_right_logical3A_104 : i32 to vector<16xi32>
      %shift_right_logical3A_106 = arith.shrui %get3A_103, %shift_right_logical3A_105 : vector<16xi32>
      %mul3A_107 = arith.constant 16 : i32
      %mul3A_108 = arith.muli %add3A_99, %mul3A_107 : i32
      %swap3A_109 = arith.index_cast %mul3A_108 : i32 to index
      %swap3A_110 = tpu.vector_load %arg13[%swap3A_109] {strides = array<i32>} : memref<11520xi32, #tpu.memory_space<vmem>>, vector<16xi32>,
      tpu.vector_store %arg13[%swap3A_109], %shift_right_logical3A_106 {strides = array<i32>} : memref<11520xi32, #tpu.memory_space<vmem>>, vector<16xi32>,
      %and3A_111 = arith.constant 16383 : i32
      %and3A_112 = vector.broadcast %and3A_111 : i32 to vector<16xi32>
      %and3A_113 = arith.andi %get3A_103, %and3A_112 : vector<16xi32>
      %mul3A_114 = arith.constant 16 : i32
      %mul3A_115 = arith.muli %add3A_99, %mul3A_114 : i32
      %swap3A_116 = arith.index_cast %mul3A_115 : i32 to index
      %swap3A_117 = tpu.vector_load %arg14[%swap3A_116] {strides = array<i32>} : memref<11520xi32, #tpu.memory_space<vmem>>, vector<16xi32>,
      tpu.vector_store %arg14[%swap3A_116], %and3A_113 {strides = array<i32>} : memref<11520xi32, #tpu.memory_space<vmem>>, vector<16xi32>,
    }
    %scan3A_82 = arith.constant 720 : i32
    %eq3A = arith.constant 0 : i32
    %eq3A_83 = vector.broadcast %eq3A : i32 to vector<16xi32>
    %eq3A_84 = arith.cmpi eq, %iota3A, %eq3A_83 : vector<16xi32>
    %jit3A = arith.constant 0 : i32
    %broadcast_in_dim3A_85 = vector.broadcast %squeeze3A : i32 to vector<16xi32>
    %broadcast_in_dim3A_86 = vector.broadcast %jit3A : i32 to vector<16xi32>
    %select_n3A = arith.select %eq3A_84, %broadcast_in_dim3A_85, %broadcast_in_dim3A_86 : vector<16xi1>, vector<16xi32>
    %swap3A = arith.constant 0 : index
    %swap3A_87 = tpu.vector_load %arg22[%swap3A] {strides = array<i32>} : memref<16xi32, #tpu.memory_space<vmem>>, vector<16xi32>,
    tpu.vector_store %arg22[%swap3A], %select_n3A {strides = array<i32>} : memref<16xi32, #tpu.memory_space<vmem>>, vector<16xi32>,
    "tpu.region"() ({
      %run_scoped3A = tpu.sem_alloc : memref<!tpu.dma_semaphore, #tpu.memory_space<semaphore_mem>>
      %dma_start3A_95 = arith.constant 0 : i32
      %dma_start3A_96 = tpu.memref_slice %arg10[%add3A, %dma_start3A_95] : memref<32x16xi32, #tpu.memory_space<hbm>> -> memref<1x16xi32, #tpu.memory_space<hbm>>
      %dma_start3A_97 = tpu.memref_squeeze %dma_start3A_96 : memref<1x16xi32, #tpu.memory_space<hbm>> -> memref<16xi32, #tpu.memory_space<hbm>>
      %dma_start3A_98 = arith.constant 0 : i32
      %dma_start3A_99 = tpu.memref_slice %arg10[%add3A, %dma_start3A_98] : memref<32x16xi32, #tpu.memory_space<hbm>> -> memref<1x16xi32, #tpu.memory_space<hbm>>
      %dma_start3A_100 = tpu.memref_squeeze %dma_start3A_99 : memref<1x16xi32, #tpu.memory_space<hbm>> -> memref<16xi32, #tpu.memory_space<hbm>>
      tpu.enqueue_dma source(%arg22 : memref<16xi32, #tpu.memory_space<vmem>>) target(%dma_start3A_100 : memref<16xi32, #tpu.memory_space<hbm>>) target_semaphore(%run_scoped3A : memref<!tpu.dma_semaphore, #tpu.memory_space<semaphore_mem>>)
      %dma_wait3A = arith.constant 0 : i32
      %dma_wait3A_101 = tpu.memref_slice %arg10[%add3A, %dma_wait3A] : memref<32x16xi32, #tpu.memory_space<hbm>> -> memref<1x16xi32, #tpu.memory_space<hbm>>
      %dma_wait3A_102 = tpu.memref_squeeze %dma_wait3A_101 : memref<1x16xi32, #tpu.memory_space<hbm>> -> memref<16xi32, #tpu.memory_space<hbm>>
      %dma_wait3A_103 = arith.constant 0 : i32
      %dma_wait3A_104 = tpu.memref_slice %arg10[%add3A, %dma_wait3A_103] : memref<32x16xi32, #tpu.memory_space<hbm>> -> memref<1x16xi32, #tpu.memory_space<hbm>>
      %dma_wait3A_105 = tpu.memref_squeeze %dma_wait3A_104 : memref<1x16xi32, #tpu.memory_space<hbm>> -> memref<16xi32, #tpu.memory_space<hbm>>
      tpu.wait_dma2 semaphore(%run_scoped3A : memref<!tpu.dma_semaphore, #tpu.memory_space<semaphore_mem>>) src(%arg22 : memref<16xi32, #tpu.memory_space<vmem>>) dst(%dma_wait3A_105 : memref<16xi32, #tpu.memory_space<hbm>>)
      tpu.yield
    }) : () -> ()
    "tpu.region"() ({
      %run_scoped3A = tpu.sem_alloc : memref<!tpu.dma_semaphore, #tpu.memory_space<semaphore_mem>>
      %dma_start3A_95 = arith.constant 0 : i32
      %dma_start3A_96 = tpu.memref_slice %arg9[%add3A, %dma_start3A_95] : memref<32x11520xi32, #tpu.memory_space<hbm>> -> memref<1x11520xi32, #tpu.memory_space<hbm>>
      %dma_start3A_97 = tpu.memref_squeeze %dma_start3A_96 : memref<1x11520xi32, #tpu.memory_space<hbm>> -> memref<11520xi32, #tpu.memory_space<hbm>>
      %dma_start3A_98 = arith.constant 0 : i32
      %dma_start3A_99 = tpu.memref_slice %arg9[%add3A, %dma_start3A_98] : memref<32x11520xi32, #tpu.memory_space<hbm>> -> memref<1x11520xi32, #tpu.memory_space<hbm>>
      %dma_start3A_100 = tpu.memref_squeeze %dma_start3A_99 : memref<1x11520xi32, #tpu.memory_space<hbm>> -> memref<11520xi32, #tpu.memory_space<hbm>>
      tpu.enqueue_dma source(%arg15 : memref<11520xi32, #tpu.memory_space<vmem>>) target(%dma_start3A_100 : memref<11520xi32, #tpu.memory_space<hbm>>) target_semaphore(%run_scoped3A : memref<!tpu.dma_semaphore, #tpu.memory_space<semaphore_mem>>)
      %dma_wait3A = arith.constant 0 : i32
      %dma_wait3A_101 = tpu.memref_slice %arg9[%add3A, %dma_wait3A] : memref<32x11520xi32, #tpu.memory_space<hbm>> -> memref<1x11520xi32, #tpu.memory_space<hbm>>
      %dma_wait3A_102 = tpu.memref_squeeze %dma_wait3A_101 : memref<1x11520xi32, #tpu.memory_space<hbm>> -> memref<11520xi32, #tpu.memory_space<hbm>>
      %dma_wait3A_103 = arith.constant 0 : i32
      %dma_wait3A_104 = tpu.memref_slice %arg9[%add3A, %dma_wait3A_103] : memref<32x11520xi32, #tpu.memory_space<hbm>> -> memref<1x11520xi32, #tpu.memory_space<hbm>>
      %dma_wait3A_105 = tpu.memref_squeeze %dma_wait3A_104 : memref<1x11520xi32, #tpu.memory_space<hbm>> -> memref<11520xi32, #tpu.memory_space<hbm>>
      tpu.wait_dma2 semaphore(%run_scoped3A : memref<!tpu.dma_semaphore, #tpu.memory_space<semaphore_mem>>) src(%arg15 : memref<11520xi32, #tpu.memory_space<vmem>>) dst(%dma_wait3A_105 : memref<11520xi32, #tpu.memory_space<hbm>>)
      tpu.yield
    }) : () -> ()
    %gt3A = arith.constant 0 : i32
    %gt3A_88 = arith.cmpi sgt, %squeeze3A, %gt3A : i32
    %convert_element_type3A = arith.extui %gt3A_88 : i1 to i32
    %cond3A = arith.constant 0 : i32
    %cond3A_89 = arith.cmpi ne, %convert_element_type3A, %cond3A : i32
    scf.if %cond3A_89 {
      %dma_start3A_95 = arith.constant 0 : i32
      %dma_start3A_96 = arith.constant 0 : i32
      %dma_start3A_97 = arith.constant 0 : i32
      %dma_start3A_98 = tpu.memref_slice %arg16[%dma_start3A_95, %dma_start3A_96, %dma_start3A_97] : memref<2x128x8xf32, #tpu.memory_space<vmem>> -> memref<1x128x8xf32, #tpu.memory_space<vmem>>
      %dma_start3A_99 = tpu.memref_squeeze %dma_start3A_98 : memref<1x128x8xf32, #tpu.memory_space<vmem>> -> memref<128x8xf32, #tpu.memory_space<vmem>>
      %dma_start3A_100 = arith.constant 0 : i32
      %dma_start3A_101 = tpu.memref_slice %arg13[%dma_start3A_100] : memref<11520xi32, #tpu.memory_space<vmem>> -> memref<128xi32, #tpu.memory_space<vmem>>
      %dma_start3A_102 = arith.constant 0 : i32
      %dma_start3A_103 = arith.constant 0 : i32
      %dma_start3A_104 = tpu.memref_slice %arg5[%dma_start3A_102, %dma_start3A_103] : memref<10240x8xf32, #tpu.memory_space<hbm>> -> memref<10240x8xf32, #tpu.memory_space<hbm>>
      tpu.enqueue_indirect_dma source(%dma_start3A_104 : memref<10240x8xf32, #tpu.memory_space<hbm>>) target(%dma_start3A_99 : memref<128x8xf32, #tpu.memory_space<vmem>>) offsets(%dma_start3A_101 : memref<128xi32, #tpu.memory_space<vmem>>) semaphore(%arg23 : memref<!tpu.dma_semaphore, #tpu.memory_space<semaphore_mem>>)
      %dma_start3A_105 = arith.constant 0 : i32
      %dma_start3A_106 = arith.constant 0 : i32
      %dma_start3A_107 = arith.constant 0 : i32
      %dma_start3A_108 = tpu.memref_slice %arg17[%dma_start3A_105, %dma_start3A_106, %dma_start3A_107] : memref<2x128x64xf32, #tpu.memory_space<vmem>> -> memref<1x128x64xf32, #tpu.memory_space<vmem>>
      %dma_start3A_109 = tpu.memref_squeeze %dma_start3A_108 : memref<1x128x64xf32, #tpu.memory_space<vmem>> -> memref<128x64xf32, #tpu.memory_space<vmem>>
      %dma_start3A_110 = arith.constant 0 : i32
      %dma_start3A_111 = tpu.memref_slice %arg13[%dma_start3A_110] : memref<11520xi32, #tpu.memory_space<vmem>> -> memref<128xi32, #tpu.memory_space<vmem>>
      %dma_start3A_112 = arith.constant 0 : i32
      %dma_start3A_113 = arith.constant 0 : i32
      %dma_start3A_114 = tpu.memref_slice %arg4[%dma_start3A_112, %dma_start3A_113] : memref<10240x64xf32, #tpu.memory_space<hbm>> -> memref<10240x64xf32, #tpu.memory_space<hbm>>
      tpu.enqueue_indirect_dma source(%dma_start3A_114 : memref<10240x64xf32, #tpu.memory_space<hbm>>) target(%dma_start3A_109 : memref<128x64xf32, #tpu.memory_space<vmem>>) offsets(%dma_start3A_111 : memref<128xi32, #tpu.memory_space<vmem>>) semaphore(%arg23 : memref<!tpu.dma_semaphore, #tpu.memory_space<semaphore_mem>>)
    } else {
    }
    %scan3A_90 = arith.constant 0 : i32
    %scan3A_91 = arith.constant 45 : i32
    %scan3A_92 = arith.addi %scan3A_90, %scan3A_91 : i32
    %scan3A_93 = arith.constant 1 : i32
    scf.for %scan3A_95 = %scan3A_90 to %scan3A_92 step %scan3A_93  : i32 {
      %mul3A_96 = arith.constant 2 : i32
      %mul3A_97 = arith.muli %scan3A_95, %mul3A_96 : i32
      %add3A_98 = arith.constant 0 : i32
      %add3A_99 = arith.addi %add3A_98, %mul3A_97 : i32
      %add3A_100 = arith.constant 0 : i32
      %add3A_101 = arith.addi %add3A_99, %add3A_100 : i32
      %mul3A_102 = arith.constant 128 : i32
      %mul3A_103 = arith.muli %add3A_101, %mul3A_102 : i32
      %lt3A = arith.cmpi slt, %mul3A_103, %squeeze3A : i32
      %add3A_104 = arith.constant 1 : i32
      %add3A_105 = arith.addi %add3A_101, %add3A_104 : i32
      %mul3A_106 = arith.constant 128 : i32
      %mul3A_107 = arith.muli %add3A_105, %mul3A_106 : i32
      %lt3A_108 = arith.cmpi slt, %mul3A_107, %squeeze3A : i32
      %convert_element_type3A_109 = arith.extui %lt3A : i1 to i32
      %cond3A_110 = arith.constant 0 : i32
      %cond3A_111 = arith.cmpi ne, %convert_element_type3A_109, %cond3A_110 : i32
      scf.if %cond3A_111 {
        %dma_wait3A = arith.constant 0 : i32
        %dma_wait3A_137 = arith.constant 0 : i32
        %dma_wait3A_138 = arith.constant 0 : i32
        %dma_wait3A_139 = tpu.memref_slice %arg16[%dma_wait3A, %dma_wait3A_137, %dma_wait3A_138] : memref<2x128x8xf32, #tpu.memory_space<vmem>> -> memref<1x128x8xf32, #tpu.memory_space<vmem>>
        %dma_wait3A_140 = tpu.memref_squeeze %dma_wait3A_139 : memref<1x128x8xf32, #tpu.memory_space<vmem>> -> memref<128x8xf32, #tpu.memory_space<vmem>>
        %dma_wait3A_141 = arith.constant 0 : i32
        %dma_wait3A_142 = tpu.memref_slice %arg13[%dma_wait3A_141] : memref<11520xi32, #tpu.memory_space<vmem>> -> memref<128xi32, #tpu.memory_space<vmem>>
        %dma_wait3A_143 = arith.constant 0 : i32
        %dma_wait3A_144 = arith.constant 0 : i32
        %dma_wait3A_145 = tpu.memref_slice %arg5[%dma_wait3A_143, %dma_wait3A_144] : memref<10240x8xf32, #tpu.memory_space<hbm>> -> memref<10240x8xf32, #tpu.memory_space<hbm>>
        tpu.wait_indirect_dma semaphore(%arg23 : memref<!tpu.dma_semaphore, #tpu.memory_space<semaphore_mem>>) src(%dma_wait3A_145 : memref<10240x8xf32, #tpu.memory_space<hbm>>) dst(%dma_wait3A_140 : memref<128x8xf32, #tpu.memory_space<vmem>>)
        %dma_wait3A_146 = arith.constant 0 : i32
        %dma_wait3A_147 = arith.constant 0 : i32
        %dma_wait3A_148 = arith.constant 0 : i32
        %dma_wait3A_149 = tpu.memref_slice %arg17[%dma_wait3A_146, %dma_wait3A_147, %dma_wait3A_148] : memref<2x128x64xf32, #tpu.memory_space<vmem>> -> memref<1x128x64xf32, #tpu.memory_space<vmem>>
        %dma_wait3A_150 = tpu.memref_squeeze %dma_wait3A_149 : memref<1x128x64xf32, #tpu.memory_space<vmem>> -> memref<128x64xf32, #tpu.memory_space<vmem>>
        %dma_wait3A_151 = arith.constant 0 : i32
        %dma_wait3A_152 = tpu.memref_slice %arg13[%dma_wait3A_151] : memref<11520xi32, #tpu.memory_space<vmem>> -> memref<128xi32, #tpu.memory_space<vmem>>
        %dma_wait3A_153 = arith.constant 0 : i32
        %dma_wait3A_154 = arith.constant 0 : i32
        %dma_wait3A_155 = tpu.memref_slice %arg4[%dma_wait3A_153, %dma_wait3A_154] : memref<10240x64xf32, #tpu.memory_space<hbm>> -> memref<10240x64xf32, #tpu.memory_space<hbm>>
        tpu.wait_indirect_dma semaphore(%arg23 : memref<!tpu.dma_semaphore, #tpu.memory_space<semaphore_mem>>) src(%dma_wait3A_155 : memref<10240x64xf32, #tpu.memory_space<hbm>>) dst(%dma_wait3A_150 : memref<128x64xf32, #tpu.memory_space<vmem>>)
      } else {
      }
      %convert_element_type3A_112 = arith.extui %lt3A_108 : i1 to i32
      %cond3A_113 = arith.constant 0 : i32
      %cond3A_114 = arith.cmpi ne, %convert_element_type3A_112, %cond3A_113 : i32
      scf.if %cond3A_114 {
        %add3A_137 = arith.constant 1 : i32
        %add3A_138 = arith.addi %add3A_101, %add3A_137 : i32
        %mul3A_139 = arith.constant 128 : i32
        %mul3A_140 = arith.muli %add3A_138, %mul3A_139 : i32
        %dma_start3A_141 = arith.constant 1 : i32
        %dma_start3A_142 = arith.constant 0 : i32
        %dma_start3A_143 = arith.constant 0 : i32
        %dma_start3A_144 = tpu.memref_slice %arg16[%dma_start3A_141, %dma_start3A_142, %dma_start3A_143] : memref<2x128x8xf32, #tpu.memory_space<vmem>> -> memref<1x128x8xf32, #tpu.memory_space<vmem>>
        %dma_start3A_145 = tpu.memref_squeeze %dma_start3A_144 : memref<1x128x8xf32, #tpu.memory_space<vmem>> -> memref<128x8xf32, #tpu.memory_space<vmem>>
        %dma_start3A_146 = tpu.memref_slice %arg13[%mul3A_140] : memref<11520xi32, #tpu.memory_space<vmem>> -> memref<128xi32, #tpu.memory_space<vmem>>
        %dma_start3A_147 = arith.constant 0 : i32
        %dma_start3A_148 = arith.constant 0 : i32
        %dma_start3A_149 = tpu.memref_slice %arg5[%dma_start3A_147, %dma_start3A_148] : memref<10240x8xf32, #tpu.memory_space<hbm>> -> memref<10240x8xf32, #tpu.memory_space<hbm>>
        tpu.enqueue_indirect_dma source(%dma_start3A_149 : memref<10240x8xf32, #tpu.memory_space<hbm>>) target(%dma_start3A_145 : memref<128x8xf32, #tpu.memory_space<vmem>>) offsets(%dma_start3A_146 : memref<128xi32, #tpu.memory_space<vmem>>) semaphore(%arg24 : memref<!tpu.dma_semaphore, #tpu.memory_space<semaphore_mem>>)
        %dma_start3A_150 = arith.constant 1 : i32
        %dma_start3A_151 = arith.constant 0 : i32
        %dma_start3A_152 = arith.constant 0 : i32
        %dma_start3A_153 = tpu.memref_slice %arg17[%dma_start3A_150, %dma_start3A_151, %dma_start3A_152] : memref<2x128x64xf32, #tpu.memory_space<vmem>> -> memref<1x128x64xf32, #tpu.memory_space<vmem>>
        %dma_start3A_154 = tpu.memref_squeeze %dma_start3A_153 : memref<1x128x64xf32, #tpu.memory_space<vmem>> -> memref<128x64xf32, #tpu.memory_space<vmem>>
        %dma_start3A_155 = tpu.memref_slice %arg13[%mul3A_140] : memref<11520xi32, #tpu.memory_space<vmem>> -> memref<128xi32, #tpu.memory_space<vmem>>
        %dma_start3A_156 = arith.constant 0 : i32
        %dma_start3A_157 = arith.constant 0 : i32
        %dma_start3A_158 = tpu.memref_slice %arg4[%dma_start3A_156, %dma_start3A_157] : memref<10240x64xf32, #tpu.memory_space<hbm>> -> memref<10240x64xf32, #tpu.memory_space<hbm>>
        tpu.enqueue_indirect_dma source(%dma_start3A_158 : memref<10240x64xf32, #tpu.memory_space<hbm>>) target(%dma_start3A_154 : memref<128x64xf32, #tpu.memory_space<vmem>>) offsets(%dma_start3A_155 : memref<128xi32, #tpu.memory_space<vmem>>) semaphore(%arg24 : memref<!tpu.dma_semaphore, #tpu.memory_space<semaphore_mem>>)
      } else {
      }
      %convert_element_type3A_115 = arith.extui %lt3A : i1 to i32
      %cond3A_116 = arith.constant 0 : i32
      %cond3A_117 = arith.cmpi ne, %convert_element_type3A_115, %cond3A_116 : i32
      scf.if %cond3A_117 {
        %mul3A_137 = arith.constant 128 : i32
        %mul3A_138 = arith.muli %add3A_101, %mul3A_137 : i32
        %scan3A_139 = arith.constant 0 : i32
        %scan3A_140 = arith.constant 64 : i32
        %scan3A_141 = arith.addi %scan3A_139, %scan3A_140 : i32
        %scan3A_142 = arith.constant 2 : i32
        scf.for %scan3A_149 = %scan3A_139 to %scan3A_141 step %scan3A_142  : i32 {
          %mul3A_150 = arith.constant 1 : i32
          %mul3A_151 = arith.muli %scan3A_149, %mul3A_150 : i32
          %add3A_152 = arith.constant 0 : i32
          %add3A_153 = arith.addi %add3A_152, %mul3A_151 : i32
          %mul3A_154 = arith.constant 2 : i32
          %mul3A_155 = arith.muli %mul3A_154, %add3A_153 : i32
          %add3A_156 = vector.broadcast %mul3A_155 : i32 to vector<16xi32>
          %add3A_157 = arith.addi %add3A_156, %shift_right_logical3A_4 : vector<16xi32>
          %add3A_158 = vector.broadcast %mul3A_138 : i32 to vector<16xi32>
          %add3A_159 = arith.addi %add3A_158, %add3A_157 : vector<16xi32>
          %gather3A = tpu.vector_load_idx %arg14[%add3A_159] : memref<11520xi32, #tpu.memory_space<vmem>>[vector<16xi32>], vector<16xi32>,
          %sub3A = vector.broadcast %mul3A_2 : i32 to vector<16xi32>
          %sub3A_160 = arith.subi %gather3A, %sub3A : vector<16xi32>
          %gather3A_161 = arith.constant 0 : i32
          %gather3A_162 = arith.constant 0 : i32
          %gather3A_163 = arith.constant 0 : i32
          %gather3A_164 = tpu.memref_slice %arg16[%gather3A_161, %gather3A_162, %gather3A_163] : memref<2x128x8xf32, #tpu.memory_space<vmem>> -> memref<1x128x8xf32, #tpu.memory_space<vmem>>
          %gather3A_165 = tpu.memref_squeeze %gather3A_164 : memref<1x128x8xf32, #tpu.memory_space<vmem>> -> memref<128x8xf32, #tpu.memory_space<vmem>>
          %gather3A_166 = tpu.vector_load_idx %gather3A_165[%add3A_157, %and3A_6] : memref<128x8xf32, #tpu.memory_space<vmem>>[vector<16xi32>, vector<16xi32>], vector<16xf32>,
          %gather3A_167 = tpu.vector_load_idx %arg19[%sub3A_160, %and3A_6] : memref<320x8xf32, #tpu.memory_space<vmem>>[vector<16xi32>, vector<16xi32>], vector<16xf32>,
          %add3A_168 = arith.addf %gather3A_166, %gather3A_167 : vector<16xf32>
          %gt3A_169 = arith.constant 0.000000e+00 : f32
          %gt3A_170 = vector.broadcast %gt3A_169 : f32 to vector<16xf32>
          %gt3A_171 = arith.cmpf ogt, %add3A_168, %gt3A_170 : vector<16xf32>
          %mul3A_172 = arith.constant 2.000000e-01 : f32
          %mul3A_173 = vector.broadcast %mul3A_172 : f32 to vector<16xf32>
          %mul3A_174 = arith.mulf %add3A_168, %mul3A_173 : vector<16xf32>
          %select_n3A_175 = arith.select %gt3A_171, %add3A_168, %mul3A_174 : vector<16xi1>, vector<16xf32>
          %sub3A_176 = arith.subf %select_n3A_175, %get3A_26 : vector<16xf32>
          %exp3A = math.exp %sub3A_176 : vector<16xf32>
          %add3A_177 = vector.broadcast %mul3A_138 : i32 to vector<16xi32>
          %add3A_178 = arith.addi %add3A_177, %add3A_157 : vector<16xi32>
          %lt3A_179 = vector.broadcast %squeeze3A : i32 to vector<16xi32>
          %lt3A_180 = arith.cmpi slt, %add3A_178, %lt3A_179 : vector<16xi32>
          %jit3A_181 = arith.constant 0.000000e+00 : f32
          %broadcast_in_dim3A_182 = vector.broadcast %jit3A_181 : f32 to vector<16xf32>
          %select_n3A_183 = arith.select %lt3A_180, %exp3A, %broadcast_in_dim3A_182 : vector<16xi1>, vector<16xf32>
          tpu.vector_store_idx %arg18[%add3A_157, %and3A_6], %select_n3A_183 : memref<128x8xf32, #tpu.memory_space<vmem>>[vector<16xi32>, vector<16xi32>], vector<16xf32>,
          %scan3A_184 = arith.constant 1 : i32
          %scan3A_185 = arith.addi %scan3A_149, %scan3A_184 : i32
          %mul3A_186 = arith.constant 1 : i32
          %mul3A_187 = arith.muli %scan3A_185, %mul3A_186 : i32
          %add3A_188 = arith.constant 0 : i32
          %add3A_189 = arith.addi %add3A_188, %mul3A_187 : i32
          %mul3A_190 = arith.constant 2 : i32
          %mul3A_191 = arith.muli %mul3A_190, %add3A_189 : i32
          %add3A_192 = vector.broadcast %mul3A_191 : i32 to vector<16xi32>
          %add3A_193 = arith.addi %add3A_192, %shift_right_logical3A_4 : vector<16xi32>
          %add3A_194 = vector.broadcast %mul3A_138 : i32 to vector<16xi32>
          %add3A_195 = arith.addi %add3A_194, %add3A_193 : vector<16xi32>
          %gather3A_196 = tpu.vector_load_idx %arg14[%add3A_195] : memref<11520xi32, #tpu.memory_space<vmem>>[vector<16xi32>], vector<16xi32>,
          %sub3A_197 = vector.broadcast %mul3A_2 : i32 to vector<16xi32>
          %sub3A_198 = arith.subi %gather3A_196, %sub3A_197 : vector<16xi32>
          %gather3A_199 = arith.constant 0 : i32
          %gather3A_200 = arith.constant 0 : i32
          %gather3A_201 = arith.constant 0 : i32
          %gather3A_202 = tpu.memref_slice %arg16[%gather3A_199, %gather3A_200, %gather3A_201] : memref<2x128x8xf32, #tpu.memory_space<vmem>> -> memref<1x128x8xf32, #tpu.memory_space<vmem>>
          %gather3A_203 = tpu.memref_squeeze %gather3A_202 : memref<1x128x8xf32, #tpu.memory_space<vmem>> -> memref<128x8xf32, #tpu.memory_space<vmem>>
          %gather3A_204 = tpu.vector_load_idx %gather3A_203[%add3A_193, %and3A_6] : memref<128x8xf32, #tpu.memory_space<vmem>>[vector<16xi32>, vector<16xi32>], vector<16xf32>,
          %gather3A_205 = tpu.vector_load_idx %arg19[%sub3A_198, %and3A_6] : memref<320x8xf32, #tpu.memory_space<vmem>>[vector<16xi32>, vector<16xi32>], vector<16xf32>,
          %add3A_206 = arith.addf %gather3A_204, %gather3A_205 : vector<16xf32>
          %gt3A_207 = arith.constant 0.000000e+00 : f32
          %gt3A_208 = vector.broadcast %gt3A_207 : f32 to vector<16xf32>
          %gt3A_209 = arith.cmpf ogt, %add3A_206, %gt3A_208 : vector<16xf32>
          %mul3A_210 = arith.constant 2.000000e-01 : f32
          %mul3A_211 = vector.broadcast %mul3A_210 : f32 to vector<16xf32>
          %mul3A_212 = arith.mulf %add3A_206, %mul3A_211 : vector<16xf32>
          %select_n3A_213 = arith.select %gt3A_209, %add3A_206, %mul3A_212 : vector<16xi1>, vector<16xf32>
          %sub3A_214 = arith.subf %select_n3A_213, %get3A_26 : vector<16xf32>
          %exp3A_215 = math.exp %sub3A_214 : vector<16xf32>
          %add3A_216 = vector.broadcast %mul3A_138 : i32 to vector<16xi32>
          %add3A_217 = arith.addi %add3A_216, %add3A_193 : vector<16xi32>
          %lt3A_218 = vector.broadcast %squeeze3A : i32 to vector<16xi32>
          %lt3A_219 = arith.cmpi slt, %add3A_217, %lt3A_218 : vector<16xi32>
          %jit3A_220 = arith.constant 0.000000e+00 : f32
          %broadcast_in_dim3A_221 = vector.broadcast %jit3A_220 : f32 to vector<16xf32>
          %select_n3A_222 = arith.select %lt3A_219, %exp3A_215, %broadcast_in_dim3A_221 : vector<16xi1>, vector<16xf32>
          tpu.vector_store_idx %arg18[%add3A_193, %and3A_6], %select_n3A_222 : memref<128x8xf32, #tpu.memory_space<vmem>>[vector<16xi32>, vector<16xi32>], vector<16xf32>,
        }
        %scan3A_143 = arith.constant 64 : i32
        %scan3A_144 = arith.constant 0 : i32
        %scan3A_145 = arith.constant 128 : i32
        %scan3A_146 = arith.addi %scan3A_144, %scan3A_145 : i32
        %scan3A_147 = arith.constant 2 : i32
        scf.for %scan3A_149 = %scan3A_144 to %scan3A_146 step %scan3A_147  : i32 {
          %mul3A_150 = arith.constant 1 : i32
          %mul3A_151 = arith.muli %scan3A_149, %mul3A_150 : i32
          %add3A_152 = arith.constant 0 : i32
          %add3A_153 = arith.addi %add3A_152, %mul3A_151 : i32
          %add3A_154 = vector.broadcast %add3A_153 : i32 to vector<16xi32>
          %add3A_155 = arith.addi %broadcast_in_dim3A_9, %add3A_154 : vector<16xi32>
          %add3A_156 = vector.broadcast %mul3A_138 : i32 to vector<16xi32>
          %add3A_157 = arith.addi %add3A_156, %add3A_155 : vector<16xi32>
          %gather3A = tpu.vector_load_idx %arg14[%add3A_157] : memref<11520xi32, #tpu.memory_space<vmem>>[vector<16xi32>], vector<16xi32>,
          %sub3A = vector.broadcast %mul3A_2 : i32 to vector<16xi32>
          %sub3A_158 = arith.subi %gather3A, %sub3A : vector<16xi32>
          %add3A_159 = arith.constant 0 : i32
          %add3A_160 = vector.broadcast %add3A_159 : i32 to vector<16xi32>
          %add3A_161 = arith.addi %shift_right_logical3A_4, %add3A_160 : vector<16xi32>
          %gather3A_162 = tpu.vector_load_idx %arg18[%add3A_155, %add3A_161] : memref<128x8xf32, #tpu.memory_space<vmem>>[vector<16xi32>, vector<16xi32>], vector<16xf32>,
          %get3A_163 = arith.constant 0 : i32
          %get3A_164 = arith.index_cast %get3A_163 : i32 to index
          %get3A_165 = arith.index_cast %add3A_153 : i32 to index
          %get3A_166 = arith.constant 0 : index
          %get3A_167 = tpu.vector_load %arg17[%get3A_164, %get3A_165, %get3A_166] {strides = array<i32>} : memref<2x128x64xf32, #tpu.memory_space<vmem>>, vector<16xf32>,
          %mul3A_168 = arith.mulf %gather3A_162, %get3A_167 : vector<16xf32>
          %add3A_169 = arith.constant 0 : i32
          %add3A_170 = vector.broadcast %add3A_169 : i32 to vector<16xi32>
          %add3A_171 = arith.addi %add3A_170, %iota3A : vector<16xi32>
          tpu.vector_store_idx %arg20[%sub3A_158, %add3A_171], %mul3A_168 {add = true} : memref<320x72xf32, #tpu.memory_space<vmem>>[vector<16xi32>, vector<16xi32>], vector<16xf32>,
          %add3A_172 = arith.constant 2 : i32
          %add3A_173 = vector.broadcast %add3A_172 : i32 to vector<16xi32>
          %add3A_174 = arith.addi %shift_right_logical3A_4, %add3A_173 : vector<16xi32>
          %gather3A_175 = tpu.vector_load_idx %arg18[%add3A_155, %add3A_174] : memref<128x8xf32, #tpu.memory_space<vmem>>[vector<16xi32>, vector<16xi32>], vector<16xf32>,
          %get3A_176 = arith.constant 0 : i32
          %get3A_177 = arith.index_cast %get3A_176 : i32 to index
          %get3A_178 = arith.index_cast %add3A_153 : i32 to index
          %get3A_179 = arith.constant 16 : index
          %get3A_180 = tpu.vector_load %arg17[%get3A_177, %get3A_178, %get3A_179] {strides = array<i32>} : memref<2x128x64xf32, #tpu.memory_space<vmem>>, vector<16xf32>,
          %mul3A_181 = arith.mulf %gather3A_175, %get3A_180 : vector<16xf32>
          %add3A_182 = arith.constant 16 : i32
          %add3A_183 = vector.broadcast %add3A_182 : i32 to vector<16xi32>
          %add3A_184 = arith.addi %add3A_183, %iota3A : vector<16xi32>
          tpu.vector_store_idx %arg20[%sub3A_158, %add3A_184], %mul3A_181 {add = true} : memref<320x72xf32, #tpu.memory_space<vmem>>[vector<16xi32>, vector<16xi32>], vector<16xf32>,
          %add3A_185 = arith.constant 4 : i32
          %add3A_186 = vector.broadcast %add3A_185 : i32 to vector<16xi32>
          %add3A_187 = arith.addi %shift_right_logical3A_4, %add3A_186 : vector<16xi32>
          %gather3A_188 = tpu.vector_load_idx %arg18[%add3A_155, %add3A_187] : memref<128x8xf32, #tpu.memory_space<vmem>>[vector<16xi32>, vector<16xi32>], vector<16xf32>,
          %get3A_189 = arith.constant 0 : i32
          %get3A_190 = arith.index_cast %get3A_189 : i32 to index
          %get3A_191 = arith.index_cast %add3A_153 : i32 to index
          %get3A_192 = arith.constant 32 : index
          %get3A_193 = tpu.vector_load %arg17[%get3A_190, %get3A_191, %get3A_192] {strides = array<i32>} : memref<2x128x64xf32, #tpu.memory_space<vmem>>, vector<16xf32>,
          %mul3A_194 = arith.mulf %gather3A_188, %get3A_193 : vector<16xf32>
          %add3A_195 = arith.constant 32 : i32
          %add3A_196 = vector.broadcast %add3A_195 : i32 to vector<16xi32>
          %add3A_197 = arith.addi %add3A_196, %iota3A : vector<16xi32>
          tpu.vector_store_idx %arg20[%sub3A_158, %add3A_197], %mul3A_194 {add = true} : memref<320x72xf32, #tpu.memory_space<vmem>>[vector<16xi32>, vector<16xi32>], vector<16xf32>,
          %add3A_198 = arith.constant 6 : i32
          %add3A_199 = vector.broadcast %add3A_198 : i32 to vector<16xi32>
          %add3A_200 = arith.addi %shift_right_logical3A_4, %add3A_199 : vector<16xi32>
          %gather3A_201 = tpu.vector_load_idx %arg18[%add3A_155, %add3A_200] : memref<128x8xf32, #tpu.memory_space<vmem>>[vector<16xi32>, vector<16xi32>], vector<16xf32>,
          %get3A_202 = arith.constant 0 : i32
          %get3A_203 = arith.index_cast %get3A_202 : i32 to index
          %get3A_204 = arith.index_cast %add3A_153 : i32 to index
          %get3A_205 = arith.constant 48 : index
          %get3A_206 = tpu.vector_load %arg17[%get3A_203, %get3A_204, %get3A_205] {strides = array<i32>} : memref<2x128x64xf32, #tpu.memory_space<vmem>>, vector<16xf32>,
          %mul3A_207 = arith.mulf %gather3A_201, %get3A_206 : vector<16xf32>
          %add3A_208 = arith.constant 48 : i32
          %add3A_209 = vector.broadcast %add3A_208 : i32 to vector<16xi32>
          %add3A_210 = arith.addi %add3A_209, %iota3A : vector<16xi32>
          tpu.vector_store_idx %arg20[%sub3A_158, %add3A_210], %mul3A_207 {add = true} : memref<320x72xf32, #tpu.memory_space<vmem>>[vector<16xi32>, vector<16xi32>], vector<16xf32>,
          %gather3A_211 = tpu.vector_load_idx %arg18[%add3A_155, %and3A_6] : memref<128x8xf32, #tpu.memory_space<vmem>>[vector<16xi32>, vector<16xi32>], vector<16xf32>,
          %add3A_212 = arith.constant 64 : i32
          %add3A_213 = vector.broadcast %add3A_212 : i32 to vector<16xi32>
          %add3A_214 = arith.addi %add3A_213, %and3A_6 : vector<16xi32>
          %lt3A_215 = arith.constant 8 : i32
          %lt3A_216 = vector.broadcast %lt3A_215 : i32 to vector<16xi32>
          %lt3A_217 = arith.cmpi slt, %iota3A, %lt3A_216 : vector<16xi32>
          tpu.vector_store_idx %arg20[%sub3A_158, %add3A_214], %gather3A_211 masked %lt3A_217 {add = true} : memref<320x72xf32, #tpu.memory_space<vmem>>[vector<16xi32>, vector<16xi32>], vector<16xf32>, vector<16xi1>
          %scan3A_218 = arith.constant 1 : i32
          %scan3A_219 = arith.addi %scan3A_149, %scan3A_218 : i32
          %mul3A_220 = arith.constant 1 : i32
          %mul3A_221 = arith.muli %scan3A_219, %mul3A_220 : i32
          %add3A_222 = arith.constant 0 : i32
          %add3A_223 = arith.addi %add3A_222, %mul3A_221 : i32
          %add3A_224 = vector.broadcast %add3A_223 : i32 to vector<16xi32>
          %add3A_225 = arith.addi %broadcast_in_dim3A_9, %add3A_224 : vector<16xi32>
          %add3A_226 = vector.broadcast %mul3A_138 : i32 to vector<16xi32>
          %add3A_227 = arith.addi %add3A_226, %add3A_225 : vector<16xi32>
          %gather3A_228 = tpu.vector_load_idx %arg14[%add3A_227] : memref<11520xi32, #tpu.memory_space<vmem>>[vector<16xi32>], vector<16xi32>,
          %sub3A_229 = vector.broadcast %mul3A_2 : i32 to vector<16xi32>
          %sub3A_230 = arith.subi %gather3A_228, %sub3A_229 : vector<16xi32>
          %add3A_231 = arith.constant 0 : i32
          %add3A_232 = vector.broadcast %add3A_231 : i32 to vector<16xi32>
          %add3A_233 = arith.addi %shift_right_logical3A_4, %add3A_232 : vector<16xi32>
          %gather3A_234 = tpu.vector_load_idx %arg18[%add3A_225, %add3A_233] : memref<128x8xf32, #tpu.memory_space<vmem>>[vector<16xi32>, vector<16xi32>], vector<16xf32>,
          %get3A_235 = arith.constant 0 : i32
          %get3A_236 = arith.index_cast %get3A_235 : i32 to index
          %get3A_237 = arith.index_cast %add3A_223 : i32 to index
          %get3A_238 = arith.constant 0 : index
          %get3A_239 = tpu.vector_load %arg17[%get3A_236, %get3A_237, %get3A_238] {strides = array<i32>} : memref<2x128x64xf32, #tpu.memory_space<vmem>>, vector<16xf32>,
          %mul3A_240 = arith.mulf %gather3A_234, %get3A_239 : vector<16xf32>
          %add3A_241 = arith.constant 0 : i32
          %add3A_242 = vector.broadcast %add3A_241 : i32 to vector<16xi32>
          %add3A_243 = arith.addi %add3A_242, %iota3A : vector<16xi32>
          tpu.vector_store_idx %arg20[%sub3A_230, %add3A_243], %mul3A_240 {add = true} : memref<320x72xf32, #tpu.memory_space<vmem>>[vector<16xi32>, vector<16xi32>], vector<16xf32>,
          %add3A_244 = arith.constant 2 : i32
          %add3A_245 = vector.broadcast %add3A_244 : i32 to vector<16xi32>
          %add3A_246 = arith.addi %shift_right_logical3A_4, %add3A_245 : vector<16xi32>
          %gather3A_247 = tpu.vector_load_idx %arg18[%add3A_225, %add3A_246] : memref<128x8xf32, #tpu.memory_space<vmem>>[vector<16xi32>, vector<16xi32>], vector<16xf32>,
          %get3A_248 = arith.constant 0 : i32
          %get3A_249 = arith.index_cast %get3A_248 : i32 to index
          %get3A_250 = arith.index_cast %add3A_223 : i32 to index
          %get3A_251 = arith.constant 16 : index
          %get3A_252 = tpu.vector_load %arg17[%get3A_249, %get3A_250, %get3A_251] {strides = array<i32>} : memref<2x128x64xf32, #tpu.memory_space<vmem>>, vector<16xf32>,
          %mul3A_253 = arith.mulf %gather3A_247, %get3A_252 : vector<16xf32>
          %add3A_254 = arith.constant 16 : i32
          %add3A_255 = vector.broadcast %add3A_254 : i32 to vector<16xi32>
          %add3A_256 = arith.addi %add3A_255, %iota3A : vector<16xi32>
          tpu.vector_store_idx %arg20[%sub3A_230, %add3A_256], %mul3A_253 {add = true} : memref<320x72xf32, #tpu.memory_space<vmem>>[vector<16xi32>, vector<16xi32>], vector<16xf32>,
          %add3A_257 = arith.constant 4 : i32
          %add3A_258 = vector.broadcast %add3A_257 : i32 to vector<16xi32>
          %add3A_259 = arith.addi %shift_right_logical3A_4, %add3A_258 : vector<16xi32>
          %gather3A_260 = tpu.vector_load_idx %arg18[%add3A_225, %add3A_259] : memref<128x8xf32, #tpu.memory_space<vmem>>[vector<16xi32>, vector<16xi32>], vector<16xf32>,
          %get3A_261 = arith.constant 0 : i32
          %get3A_262 = arith.index_cast %get3A_261 : i32 to index
          %get3A_263 = arith.index_cast %add3A_223 : i32 to index
          %get3A_264 = arith.constant 32 : index
          %get3A_265 = tpu.vector_load %arg17[%get3A_262, %get3A_263, %get3A_264] {strides = array<i32>} : memref<2x128x64xf32, #tpu.memory_space<vmem>>, vector<16xf32>,
          %mul3A_266 = arith.mulf %gather3A_260, %get3A_265 : vector<16xf32>
          %add3A_267 = arith.constant 32 : i32
          %add3A_268 = vector.broadcast %add3A_267 : i32 to vector<16xi32>
          %add3A_269 = arith.addi %add3A_268, %iota3A : vector<16xi32>
          tpu.vector_store_idx %arg20[%sub3A_230, %add3A_269], %mul3A_266 {add = true} : memref<320x72xf32, #tpu.memory_space<vmem>>[vector<16xi32>, vector<16xi32>], vector<16xf32>,
          %add3A_270 = arith.constant 6 : i32
          %add3A_271 = vector.broadcast %add3A_270 : i32 to vector<16xi32>
          %add3A_272 = arith.addi %shift_right_logical3A_4, %add3A_271 : vector<16xi32>
          %gather3A_273 = tpu.vector_load_idx %arg18[%add3A_225, %add3A_272] : memref<128x8xf32, #tpu.memory_space<vmem>>[vector<16xi32>, vector<16xi32>], vector<16xf32>,
          %get3A_274 = arith.constant 0 : i32
          %get3A_275 = arith.index_cast %get3A_274 : i32 to index
          %get3A_276 = arith.index_cast %add3A_223 : i32 to index
          %get3A_277 = arith.constant 48 : index
          %get3A_278 = tpu.vector_load %arg17[%get3A_275, %get3A_276, %get3A_277] {strides = array<i32>} : memref<2x128x64xf32, #tpu.memory_space<vmem>>, vector<16xf32>,
          %mul3A_279 = arith.mulf %gather3A_273, %get3A_278 : vector<16xf32>
          %add3A_280 = arith.constant 48 : i32
          %add3A_281 = vector.broadcast %add3A_280 : i32 to vector<16xi32>
          %add3A_282 = arith.addi %add3A_281, %iota3A : vector<16xi32>
          tpu.vector_store_idx %arg20[%sub3A_230, %add3A_282], %mul3A_279 {add = true} : memref<320x72xf32, #tpu.memory_space<vmem>>[vector<16xi32>, vector<16xi32>], vector<16xf32>,
          %gather3A_283 = tpu.vector_load_idx %arg18[%add3A_225, %and3A_6] : memref<128x8xf32, #tpu.memory_space<vmem>>[vector<16xi32>, vector<16xi32>], vector<16xf32>,
          %add3A_284 = arith.constant 64 : i32
          %add3A_285 = vector.broadcast %add3A_284 : i32 to vector<16xi32>
          %add3A_286 = arith.addi %add3A_285, %and3A_6 : vector<16xi32>
          %lt3A_287 = arith.constant 8 : i32
          %lt3A_288 = vector.broadcast %lt3A_287 : i32 to vector<16xi32>
          %lt3A_289 = arith.cmpi slt, %iota3A, %lt3A_288 : vector<16xi32>
          tpu.vector_store_idx %arg20[%sub3A_230, %add3A_286], %gather3A_283 masked %lt3A_289 {add = true} : memref<320x72xf32, #tpu.memory_space<vmem>>[vector<16xi32>, vector<16xi32>], vector<16xf32>, vector<16xi1>
        }
        %scan3A_148 = arith.constant 128 : i32
      } else {
      }
      %add3A_118 = arith.constant 1 : i32
      %add3A_119 = arith.addi %add3A_99, %add3A_118 : i32
      %mul3A_120 = arith.constant 128 : i32
      %mul3A_121 = arith.muli %add3A_119, %mul3A_120 : i32
      %lt3A_122 = arith.cmpi slt, %mul3A_121, %squeeze3A : i32
      %add3A_123 = arith.constant 1 : i32
      %add3A_124 = arith.addi %add3A_119, %add3A_123 : i32
      %mul3A_125 = arith.constant 128 : i32
      %mul3A_126 = arith.muli %add3A_124, %mul3A_125 : i32
      %lt3A_127 = arith.cmpi slt, %mul3A_126, %squeeze3A : i32
      %convert_element_type3A_128 = arith.extui %lt3A_122 : i1 to i32
      %cond3A_129 = arith.constant 0 : i32
      %cond3A_130 = arith.cmpi ne, %convert_element_type3A_128, %cond3A_129 : i32
      scf.if %cond3A_130 {
        %dma_wait3A = arith.constant 1 : i32
        %dma_wait3A_137 = arith.constant 0 : i32
        %dma_wait3A_138 = arith.constant 0 : i32
        %dma_wait3A_139 = tpu.memref_slice %arg16[%dma_wait3A, %dma_wait3A_137, %dma_wait3A_138] : memref<2x128x8xf32, #tpu.memory_space<vmem>> -> memref<1x128x8xf32, #tpu.memory_space<vmem>>
        %dma_wait3A_140 = tpu.memref_squeeze %dma_wait3A_139 : memref<1x128x8xf32, #tpu.memory_space<vmem>> -> memref<128x8xf32, #tpu.memory_space<vmem>>
        %dma_wait3A_141 = arith.constant 0 : i32
        %dma_wait3A_142 = tpu.memref_slice %arg13[%dma_wait3A_141] : memref<11520xi32, #tpu.memory_space<vmem>> -> memref<128xi32, #tpu.memory_space<vmem>>
        %dma_wait3A_143 = arith.constant 0 : i32
        %dma_wait3A_144 = arith.constant 0 : i32
        %dma_wait3A_145 = tpu.memref_slice %arg5[%dma_wait3A_143, %dma_wait3A_144] : memref<10240x8xf32, #tpu.memory_space<hbm>> -> memref<10240x8xf32, #tpu.memory_space<hbm>>
        tpu.wait_indirect_dma semaphore(%arg24 : memref<!tpu.dma_semaphore, #tpu.memory_space<semaphore_mem>>) src(%dma_wait3A_145 : memref<10240x8xf32, #tpu.memory_space<hbm>>) dst(%dma_wait3A_140 : memref<128x8xf32, #tpu.memory_space<vmem>>)
        %dma_wait3A_146 = arith.constant 1 : i32
        %dma_wait3A_147 = arith.constant 0 : i32
        %dma_wait3A_148 = arith.constant 0 : i32
        %dma_wait3A_149 = tpu.memref_slice %arg17[%dma_wait3A_146, %dma_wait3A_147, %dma_wait3A_148] : memref<2x128x64xf32, #tpu.memory_space<vmem>> -> memref<1x128x64xf32, #tpu.memory_space<vmem>>
        %dma_wait3A_150 = tpu.memref_squeeze %dma_wait3A_149 : memref<1x128x64xf32, #tpu.memory_space<vmem>> -> memref<128x64xf32, #tpu.memory_space<vmem>>
        %dma_wait3A_151 = arith.constant 0 : i32
        %dma_wait3A_152 = tpu.memref_slice %arg13[%dma_wait3A_151] : memref<11520xi32, #tpu.memory_space<vmem>> -> memref<128xi32, #tpu.memory_space<vmem>>
        %dma_wait3A_153 = arith.constant 0 : i32
        %dma_wait3A_154 = arith.constant 0 : i32
        %dma_wait3A_155 = tpu.memref_slice %arg4[%dma_wait3A_153, %dma_wait3A_154] : memref<10240x64xf32, #tpu.memory_space<hbm>> -> memref<10240x64xf32, #tpu.memory_space<hbm>>
        tpu.wait_indirect_dma semaphore(%arg24 : memref<!tpu.dma_semaphore, #tpu.memory_space<semaphore_mem>>) src(%dma_wait3A_155 : memref<10240x64xf32, #tpu.memory_space<hbm>>) dst(%dma_wait3A_150 : memref<128x64xf32, #tpu.memory_space<vmem>>)
      } else {
      }
      %convert_element_type3A_131 = arith.extui %lt3A_127 : i1 to i32
      %cond3A_132 = arith.constant 0 : i32
      %cond3A_133 = arith.cmpi ne, %convert_element_type3A_131, %cond3A_132 : i32
      scf.if %cond3A_133 {
        %add3A_137 = arith.constant 1 : i32
        %add3A_138 = arith.addi %add3A_119, %add3A_137 : i32
        %mul3A_139 = arith.constant 128 : i32
        %mul3A_140 = arith.muli %add3A_138, %mul3A_139 : i32
        %dma_start3A_141 = arith.constant 0 : i32
        %dma_start3A_142 = arith.constant 0 : i32
        %dma_start3A_143 = arith.constant 0 : i32
        %dma_start3A_144 = tpu.memref_slice %arg16[%dma_start3A_141, %dma_start3A_142, %dma_start3A_143] : memref<2x128x8xf32, #tpu.memory_space<vmem>> -> memref<1x128x8xf32, #tpu.memory_space<vmem>>
        %dma_start3A_145 = tpu.memref_squeeze %dma_start3A_144 : memref<1x128x8xf32, #tpu.memory_space<vmem>> -> memref<128x8xf32, #tpu.memory_space<vmem>>
        %dma_start3A_146 = tpu.memref_slice %arg13[%mul3A_140] : memref<11520xi32, #tpu.memory_space<vmem>> -> memref<128xi32, #tpu.memory_space<vmem>>
        %dma_start3A_147 = arith.constant 0 : i32
        %dma_start3A_148 = arith.constant 0 : i32
        %dma_start3A_149 = tpu.memref_slice %arg5[%dma_start3A_147, %dma_start3A_148] : memref<10240x8xf32, #tpu.memory_space<hbm>> -> memref<10240x8xf32, #tpu.memory_space<hbm>>
        tpu.enqueue_indirect_dma source(%dma_start3A_149 : memref<10240x8xf32, #tpu.memory_space<hbm>>) target(%dma_start3A_145 : memref<128x8xf32, #tpu.memory_space<vmem>>) offsets(%dma_start3A_146 : memref<128xi32, #tpu.memory_space<vmem>>) semaphore(%arg23 : memref<!tpu.dma_semaphore, #tpu.memory_space<semaphore_mem>>)
        %dma_start3A_150 = arith.constant 0 : i32
        %dma_start3A_151 = arith.constant 0 : i32
        %dma_start3A_152 = arith.constant 0 : i32
        %dma_start3A_153 = tpu.memref_slice %arg17[%dma_start3A_150, %dma_start3A_151, %dma_start3A_152] : memref<2x128x64xf32, #tpu.memory_space<vmem>> -> memref<1x128x64xf32, #tpu.memory_space<vmem>>
        %dma_start3A_154 = tpu.memref_squeeze %dma_start3A_153 : memref<1x128x64xf32, #tpu.memory_space<vmem>> -> memref<128x64xf32, #tpu.memory_space<vmem>>
        %dma_start3A_155 = tpu.memref_slice %arg13[%mul3A_140] : memref<11520xi32, #tpu.memory_space<vmem>> -> memref<128xi32, #tpu.memory_space<vmem>>
        %dma_start3A_156 = arith.constant 0 : i32
        %dma_start3A_157 = arith.constant 0 : i32
        %dma_start3A_158 = tpu.memref_slice %arg4[%dma_start3A_156, %dma_start3A_157] : memref<10240x64xf32, #tpu.memory_space<hbm>> -> memref<10240x64xf32, #tpu.memory_space<hbm>>
        tpu.enqueue_indirect_dma source(%dma_start3A_158 : memref<10240x64xf32, #tpu.memory_space<hbm>>) target(%dma_start3A_154 : memref<128x64xf32, #tpu.memory_space<vmem>>) offsets(%dma_start3A_155 : memref<128xi32, #tpu.memory_space<vmem>>) semaphore(%arg23 : memref<!tpu.dma_semaphore, #tpu.memory_space<semaphore_mem>>)
      } else {
      }
      %convert_element_type3A_134 = arith.extui %lt3A_122 : i1 to i32
      %cond3A_135 = arith.constant 0 : i32
      %cond3A_136 = arith.cmpi ne, %convert_element_type3A_134, %cond3A_135 : i32
      scf.if %cond3A_136 {
        %mul3A_137 = arith.constant 128 : i32
        %mul3A_138 = arith.muli %add3A_119, %mul3A_137 : i32
        %scan3A_139 = arith.constant 0 : i32
        %scan3A_140 = arith.constant 64 : i32
        %scan3A_141 = arith.addi %scan3A_139, %scan3A_140 : i32
        %scan3A_142 = arith.constant 2 : i32
        scf.for %scan3A_149 = %scan3A_139 to %scan3A_141 step %scan3A_142  : i32 {
          %mul3A_150 = arith.constant 1 : i32
          %mul3A_151 = arith.muli %scan3A_149, %mul3A_150 : i32
          %add3A_152 = arith.constant 0 : i32
          %add3A_153 = arith.addi %add3A_152, %mul3A_151 : i32
          %mul3A_154 = arith.constant 2 : i32
          %mul3A_155 = arith.muli %mul3A_154, %add3A_153 : i32
          %add3A_156 = vector.broadcast %mul3A_155 : i32 to vector<16xi32>
          %add3A_157 = arith.addi %add3A_156, %shift_right_logical3A_4 : vector<16xi32>
          %add3A_158 = vector.broadcast %mul3A_138 : i32 to vector<16xi32>
          %add3A_159 = arith.addi %add3A_158, %add3A_157 : vector<16xi32>
          %gather3A = tpu.vector_load_idx %arg14[%add3A_159] : memref<11520xi32, #tpu.memory_space<vmem>>[vector<16xi32>], vector<16xi32>,
          %sub3A = vector.broadcast %mul3A_2 : i32 to vector<16xi32>
          %sub3A_160 = arith.subi %gather3A, %sub3A : vector<16xi32>
          %gather3A_161 = arith.constant 1 : i32
          %gather3A_162 = arith.constant 0 : i32
          %gather3A_163 = arith.constant 0 : i32
          %gather3A_164 = tpu.memref_slice %arg16[%gather3A_161, %gather3A_162, %gather3A_163] : memref<2x128x8xf32, #tpu.memory_space<vmem>> -> memref<1x128x8xf32, #tpu.memory_space<vmem>>
          %gather3A_165 = tpu.memref_squeeze %gather3A_164 : memref<1x128x8xf32, #tpu.memory_space<vmem>> -> memref<128x8xf32, #tpu.memory_space<vmem>>
          %gather3A_166 = tpu.vector_load_idx %gather3A_165[%add3A_157, %and3A_6] : memref<128x8xf32, #tpu.memory_space<vmem>>[vector<16xi32>, vector<16xi32>], vector<16xf32>,
          %gather3A_167 = tpu.vector_load_idx %arg19[%sub3A_160, %and3A_6] : memref<320x8xf32, #tpu.memory_space<vmem>>[vector<16xi32>, vector<16xi32>], vector<16xf32>,
          %add3A_168 = arith.addf %gather3A_166, %gather3A_167 : vector<16xf32>
          %gt3A_169 = arith.constant 0.000000e+00 : f32
          %gt3A_170 = vector.broadcast %gt3A_169 : f32 to vector<16xf32>
          %gt3A_171 = arith.cmpf ogt, %add3A_168, %gt3A_170 : vector<16xf32>
          %mul3A_172 = arith.constant 2.000000e-01 : f32
          %mul3A_173 = vector.broadcast %mul3A_172 : f32 to vector<16xf32>
          %mul3A_174 = arith.mulf %add3A_168, %mul3A_173 : vector<16xf32>
          %select_n3A_175 = arith.select %gt3A_171, %add3A_168, %mul3A_174 : vector<16xi1>, vector<16xf32>
          %sub3A_176 = arith.subf %select_n3A_175, %get3A_26 : vector<16xf32>
          %exp3A = math.exp %sub3A_176 : vector<16xf32>
          %add3A_177 = vector.broadcast %mul3A_138 : i32 to vector<16xi32>
          %add3A_178 = arith.addi %add3A_177, %add3A_157 : vector<16xi32>
          %lt3A_179 = vector.broadcast %squeeze3A : i32 to vector<16xi32>
          %lt3A_180 = arith.cmpi slt, %add3A_178, %lt3A_179 : vector<16xi32>
          %jit3A_181 = arith.constant 0.000000e+00 : f32
          %broadcast_in_dim3A_182 = vector.broadcast %jit3A_181 : f32 to vector<16xf32>
          %select_n3A_183 = arith.select %lt3A_180, %exp3A, %broadcast_in_dim3A_182 : vector<16xi1>, vector<16xf32>
          tpu.vector_store_idx %arg18[%add3A_157, %and3A_6], %select_n3A_183 : memref<128x8xf32, #tpu.memory_space<vmem>>[vector<16xi32>, vector<16xi32>], vector<16xf32>,
          %scan3A_184 = arith.constant 1 : i32
          %scan3A_185 = arith.addi %scan3A_149, %scan3A_184 : i32
          %mul3A_186 = arith.constant 1 : i32
          %mul3A_187 = arith.muli %scan3A_185, %mul3A_186 : i32
          %add3A_188 = arith.constant 0 : i32
          %add3A_189 = arith.addi %add3A_188, %mul3A_187 : i32
          %mul3A_190 = arith.constant 2 : i32
          %mul3A_191 = arith.muli %mul3A_190, %add3A_189 : i32
          %add3A_192 = vector.broadcast %mul3A_191 : i32 to vector<16xi32>
          %add3A_193 = arith.addi %add3A_192, %shift_right_logical3A_4 : vector<16xi32>
          %add3A_194 = vector.broadcast %mul3A_138 : i32 to vector<16xi32>
          %add3A_195 = arith.addi %add3A_194, %add3A_193 : vector<16xi32>
          %gather3A_196 = tpu.vector_load_idx %arg14[%add3A_195] : memref<11520xi32, #tpu.memory_space<vmem>>[vector<16xi32>], vector<16xi32>,
          %sub3A_197 = vector.broadcast %mul3A_2 : i32 to vector<16xi32>
          %sub3A_198 = arith.subi %gather3A_196, %sub3A_197 : vector<16xi32>
          %gather3A_199 = arith.constant 1 : i32
          %gather3A_200 = arith.constant 0 : i32
          %gather3A_201 = arith.constant 0 : i32
          %gather3A_202 = tpu.memref_slice %arg16[%gather3A_199, %gather3A_200, %gather3A_201] : memref<2x128x8xf32, #tpu.memory_space<vmem>> -> memref<1x128x8xf32, #tpu.memory_space<vmem>>
          %gather3A_203 = tpu.memref_squeeze %gather3A_202 : memref<1x128x8xf32, #tpu.memory_space<vmem>> -> memref<128x8xf32, #tpu.memory_space<vmem>>
          %gather3A_204 = tpu.vector_load_idx %gather3A_203[%add3A_193, %and3A_6] : memref<128x8xf32, #tpu.memory_space<vmem>>[vector<16xi32>, vector<16xi32>], vector<16xf32>,
          %gather3A_205 = tpu.vector_load_idx %arg19[%sub3A_198, %and3A_6] : memref<320x8xf32, #tpu.memory_space<vmem>>[vector<16xi32>, vector<16xi32>], vector<16xf32>,
          %add3A_206 = arith.addf %gather3A_204, %gather3A_205 : vector<16xf32>
          %gt3A_207 = arith.constant 0.000000e+00 : f32
          %gt3A_208 = vector.broadcast %gt3A_207 : f32 to vector<16xf32>
          %gt3A_209 = arith.cmpf ogt, %add3A_206, %gt3A_208 : vector<16xf32>
          %mul3A_210 = arith.constant 2.000000e-01 : f32
          %mul3A_211 = vector.broadcast %mul3A_210 : f32 to vector<16xf32>
          %mul3A_212 = arith.mulf %add3A_206, %mul3A_211 : vector<16xf32>
          %select_n3A_213 = arith.select %gt3A_209, %add3A_206, %mul3A_212 : vector<16xi1>, vector<16xf32>
          %sub3A_214 = arith.subf %select_n3A_213, %get3A_26 : vector<16xf32>
          %exp3A_215 = math.exp %sub3A_214 : vector<16xf32>
          %add3A_216 = vector.broadcast %mul3A_138 : i32 to vector<16xi32>
          %add3A_217 = arith.addi %add3A_216, %add3A_193 : vector<16xi32>
          %lt3A_218 = vector.broadcast %squeeze3A : i32 to vector<16xi32>
          %lt3A_219 = arith.cmpi slt, %add3A_217, %lt3A_218 : vector<16xi32>
          %jit3A_220 = arith.constant 0.000000e+00 : f32
          %broadcast_in_dim3A_221 = vector.broadcast %jit3A_220 : f32 to vector<16xf32>
          %select_n3A_222 = arith.select %lt3A_219, %exp3A_215, %broadcast_in_dim3A_221 : vector<16xi1>, vector<16xf32>
          tpu.vector_store_idx %arg18[%add3A_193, %and3A_6], %select_n3A_222 : memref<128x8xf32, #tpu.memory_space<vmem>>[vector<16xi32>, vector<16xi32>], vector<16xf32>,
        }
        %scan3A_143 = arith.constant 64 : i32
        %scan3A_144 = arith.constant 0 : i32
        %scan3A_145 = arith.constant 128 : i32
        %scan3A_146 = arith.addi %scan3A_144, %scan3A_145 : i32
        %scan3A_147 = arith.constant 2 : i32
        scf.for %scan3A_149 = %scan3A_144 to %scan3A_146 step %scan3A_147  : i32 {
          %mul3A_150 = arith.constant 1 : i32
          %mul3A_151 = arith.muli %scan3A_149, %mul3A_150 : i32
          %add3A_152 = arith.constant 0 : i32
          %add3A_153 = arith.addi %add3A_152, %mul3A_151 : i32
          %add3A_154 = vector.broadcast %add3A_153 : i32 to vector<16xi32>
          %add3A_155 = arith.addi %broadcast_in_dim3A_9, %add3A_154 : vector<16xi32>
          %add3A_156 = vector.broadcast %mul3A_138 : i32 to vector<16xi32>
          %add3A_157 = arith.addi %add3A_156, %add3A_155 : vector<16xi32>
          %gather3A = tpu.vector_load_idx %arg14[%add3A_157] : memref<11520xi32, #tpu.memory_space<vmem>>[vector<16xi32>], vector<16xi32>,
          %sub3A = vector.broadcast %mul3A_2 : i32 to vector<16xi32>
          %sub3A_158 = arith.subi %gather3A, %sub3A : vector<16xi32>
          %add3A_159 = arith.constant 0 : i32
          %add3A_160 = vector.broadcast %add3A_159 : i32 to vector<16xi32>
          %add3A_161 = arith.addi %shift_right_logical3A_4, %add3A_160 : vector<16xi32>
          %gather3A_162 = tpu.vector_load_idx %arg18[%add3A_155, %add3A_161] : memref<128x8xf32, #tpu.memory_space<vmem>>[vector<16xi32>, vector<16xi32>], vector<16xf32>,
          %get3A_163 = arith.constant 1 : i32
          %get3A_164 = arith.index_cast %get3A_163 : i32 to index
          %get3A_165 = arith.index_cast %add3A_153 : i32 to index
          %get3A_166 = arith.constant 0 : index
          %get3A_167 = tpu.vector_load %arg17[%get3A_164, %get3A_165, %get3A_166] {strides = array<i32>} : memref<2x128x64xf32, #tpu.memory_space<vmem>>, vector<16xf32>,
          %mul3A_168 = arith.mulf %gather3A_162, %get3A_167 : vector<16xf32>
          %add3A_169 = arith.constant 0 : i32
          %add3A_170 = vector.broadcast %add3A_169 : i32 to vector<16xi32>
          %add3A_171 = arith.addi %add3A_170, %iota3A : vector<16xi32>
          tpu.vector_store_idx %arg20[%sub3A_158, %add3A_171], %mul3A_168 {add = true} : memref<320x72xf32, #tpu.memory_space<vmem>>[vector<16xi32>, vector<16xi32>], vector<16xf32>,
          %add3A_172 = arith.constant 2 : i32
          %add3A_173 = vector.broadcast %add3A_172 : i32 to vector<16xi32>
          %add3A_174 = arith.addi %shift_right_logical3A_4, %add3A_173 : vector<16xi32>
          %gather3A_175 = tpu.vector_load_idx %arg18[%add3A_155, %add3A_174] : memref<128x8xf32, #tpu.memory_space<vmem>>[vector<16xi32>, vector<16xi32>], vector<16xf32>,
          %get3A_176 = arith.constant 1 : i32
          %get3A_177 = arith.index_cast %get3A_176 : i32 to index
          %get3A_178 = arith.index_cast %add3A_153 : i32 to index
          %get3A_179 = arith.constant 16 : index
          %get3A_180 = tpu.vector_load %arg17[%get3A_177, %get3A_178, %get3A_179] {strides = array<i32>} : memref<2x128x64xf32, #tpu.memory_space<vmem>>, vector<16xf32>,
          %mul3A_181 = arith.mulf %gather3A_175, %get3A_180 : vector<16xf32>
          %add3A_182 = arith.constant 16 : i32
          %add3A_183 = vector.broadcast %add3A_182 : i32 to vector<16xi32>
          %add3A_184 = arith.addi %add3A_183, %iota3A : vector<16xi32>
          tpu.vector_store_idx %arg20[%sub3A_158, %add3A_184], %mul3A_181 {add = true} : memref<320x72xf32, #tpu.memory_space<vmem>>[vector<16xi32>, vector<16xi32>], vector<16xf32>,
          %add3A_185 = arith.constant 4 : i32
          %add3A_186 = vector.broadcast %add3A_185 : i32 to vector<16xi32>
          %add3A_187 = arith.addi %shift_right_logical3A_4, %add3A_186 : vector<16xi32>
          %gather3A_188 = tpu.vector_load_idx %arg18[%add3A_155, %add3A_187] : memref<128x8xf32, #tpu.memory_space<vmem>>[vector<16xi32>, vector<16xi32>], vector<16xf32>,
          %get3A_189 = arith.constant 1 : i32
          %get3A_190 = arith.index_cast %get3A_189 : i32 to index
          %get3A_191 = arith.index_cast %add3A_153 : i32 to index
          %get3A_192 = arith.constant 32 : index
          %get3A_193 = tpu.vector_load %arg17[%get3A_190, %get3A_191, %get3A_192] {strides = array<i32>} : memref<2x128x64xf32, #tpu.memory_space<vmem>>, vector<16xf32>,
          %mul3A_194 = arith.mulf %gather3A_188, %get3A_193 : vector<16xf32>
          %add3A_195 = arith.constant 32 : i32
          %add3A_196 = vector.broadcast %add3A_195 : i32 to vector<16xi32>
          %add3A_197 = arith.addi %add3A_196, %iota3A : vector<16xi32>
          tpu.vector_store_idx %arg20[%sub3A_158, %add3A_197], %mul3A_194 {add = true} : memref<320x72xf32, #tpu.memory_space<vmem>>[vector<16xi32>, vector<16xi32>], vector<16xf32>,
          %add3A_198 = arith.constant 6 : i32
          %add3A_199 = vector.broadcast %add3A_198 : i32 to vector<16xi32>
          %add3A_200 = arith.addi %shift_right_logical3A_4, %add3A_199 : vector<16xi32>
          %gather3A_201 = tpu.vector_load_idx %arg18[%add3A_155, %add3A_200] : memref<128x8xf32, #tpu.memory_space<vmem>>[vector<16xi32>, vector<16xi32>], vector<16xf32>,
          %get3A_202 = arith.constant 1 : i32
          %get3A_203 = arith.index_cast %get3A_202 : i32 to index
          %get3A_204 = arith.index_cast %add3A_153 : i32 to index
          %get3A_205 = arith.constant 48 : index
          %get3A_206 = tpu.vector_load %arg17[%get3A_203, %get3A_204, %get3A_205] {strides = array<i32>} : memref<2x128x64xf32, #tpu.memory_space<vmem>>, vector<16xf32>,
          %mul3A_207 = arith.mulf %gather3A_201, %get3A_206 : vector<16xf32>
          %add3A_208 = arith.constant 48 : i32
          %add3A_209 = vector.broadcast %add3A_208 : i32 to vector<16xi32>
          %add3A_210 = arith.addi %add3A_209, %iota3A : vector<16xi32>
          tpu.vector_store_idx %arg20[%sub3A_158, %add3A_210], %mul3A_207 {add = true} : memref<320x72xf32, #tpu.memory_space<vmem>>[vector<16xi32>, vector<16xi32>], vector<16xf32>,
          %gather3A_211 = tpu.vector_load_idx %arg18[%add3A_155, %and3A_6] : memref<128x8xf32, #tpu.memory_space<vmem>>[vector<16xi32>, vector<16xi32>], vector<16xf32>,
          %add3A_212 = arith.constant 64 : i32
          %add3A_213 = vector.broadcast %add3A_212 : i32 to vector<16xi32>
          %add3A_214 = arith.addi %add3A_213, %and3A_6 : vector<16xi32>
          %lt3A_215 = arith.constant 8 : i32
          %lt3A_216 = vector.broadcast %lt3A_215 : i32 to vector<16xi32>
          %lt3A_217 = arith.cmpi slt, %iota3A, %lt3A_216 : vector<16xi32>
          tpu.vector_store_idx %arg20[%sub3A_158, %add3A_214], %gather3A_211 masked %lt3A_217 {add = true} : memref<320x72xf32, #tpu.memory_space<vmem>>[vector<16xi32>, vector<16xi32>], vector<16xf32>, vector<16xi1>
          %scan3A_218 = arith.constant 1 : i32
          %scan3A_219 = arith.addi %scan3A_149, %scan3A_218 : i32
          %mul3A_220 = arith.constant 1 : i32
          %mul3A_221 = arith.muli %scan3A_219, %mul3A_220 : i32
          %add3A_222 = arith.constant 0 : i32
          %add3A_223 = arith.addi %add3A_222, %mul3A_221 : i32
          %add3A_224 = vector.broadcast %add3A_223 : i32 to vector<16xi32>
          %add3A_225 = arith.addi %broadcast_in_dim3A_9, %add3A_224 : vector<16xi32>
          %add3A_226 = vector.broadcast %mul3A_138 : i32 to vector<16xi32>
          %add3A_227 = arith.addi %add3A_226, %add3A_225 : vector<16xi32>
          %gather3A_228 = tpu.vector_load_idx %arg14[%add3A_227] : memref<11520xi32, #tpu.memory_space<vmem>>[vector<16xi32>], vector<16xi32>,
          %sub3A_229 = vector.broadcast %mul3A_2 : i32 to vector<16xi32>
          %sub3A_230 = arith.subi %gather3A_228, %sub3A_229 : vector<16xi32>
          %add3A_231 = arith.constant 0 : i32
          %add3A_232 = vector.broadcast %add3A_231 : i32 to vector<16xi32>
          %add3A_233 = arith.addi %shift_right_logical3A_4, %add3A_232 : vector<16xi32>
          %gather3A_234 = tpu.vector_load_idx %arg18[%add3A_225, %add3A_233] : memref<128x8xf32, #tpu.memory_space<vmem>>[vector<16xi32>, vector<16xi32>], vector<16xf32>,
          %get3A_235 = arith.constant 1 : i32
          %get3A_236 = arith.index_cast %get3A_235 : i32 to index
          %get3A_237 = arith.index_cast %add3A_223 : i32 to index
          %get3A_238 = arith.constant 0 : index
          %get3A_239 = tpu.vector_load %arg17[%get3A_236, %get3A_237, %get3A_238] {strides = array<i32>} : memref<2x128x64xf32, #tpu.memory_space<vmem>>, vector<16xf32>,
          %mul3A_240 = arith.mulf %gather3A_234, %get3A_239 : vector<16xf32>
          %add3A_241 = arith.constant 0 : i32
          %add3A_242 = vector.broadcast %add3A_241 : i32 to vector<16xi32>
          %add3A_243 = arith.addi %add3A_242, %iota3A : vector<16xi32>
          tpu.vector_store_idx %arg20[%sub3A_230, %add3A_243], %mul3A_240 {add = true} : memref<320x72xf32, #tpu.memory_space<vmem>>[vector<16xi32>, vector<16xi32>], vector<16xf32>,
          %add3A_244 = arith.constant 2 : i32
          %add3A_245 = vector.broadcast %add3A_244 : i32 to vector<16xi32>
          %add3A_246 = arith.addi %shift_right_logical3A_4, %add3A_245 : vector<16xi32>
          %gather3A_247 = tpu.vector_load_idx %arg18[%add3A_225, %add3A_246] : memref<128x8xf32, #tpu.memory_space<vmem>>[vector<16xi32>, vector<16xi32>], vector<16xf32>,
          %get3A_248 = arith.constant 1 : i32
          %get3A_249 = arith.index_cast %get3A_248 : i32 to index
          %get3A_250 = arith.index_cast %add3A_223 : i32 to index
          %get3A_251 = arith.constant 16 : index
          %get3A_252 = tpu.vector_load %arg17[%get3A_249, %get3A_250, %get3A_251] {strides = array<i32>} : memref<2x128x64xf32, #tpu.memory_space<vmem>>, vector<16xf32>,
          %mul3A_253 = arith.mulf %gather3A_247, %get3A_252 : vector<16xf32>
          %add3A_254 = arith.constant 16 : i32
          %add3A_255 = vector.broadcast %add3A_254 : i32 to vector<16xi32>
          %add3A_256 = arith.addi %add3A_255, %iota3A : vector<16xi32>
          tpu.vector_store_idx %arg20[%sub3A_230, %add3A_256], %mul3A_253 {add = true} : memref<320x72xf32, #tpu.memory_space<vmem>>[vector<16xi32>, vector<16xi32>], vector<16xf32>,
          %add3A_257 = arith.constant 4 : i32
          %add3A_258 = vector.broadcast %add3A_257 : i32 to vector<16xi32>
          %add3A_259 = arith.addi %shift_right_logical3A_4, %add3A_258 : vector<16xi32>
          %gather3A_260 = tpu.vector_load_idx %arg18[%add3A_225, %add3A_259] : memref<128x8xf32, #tpu.memory_space<vmem>>[vector<16xi32>, vector<16xi32>], vector<16xf32>,
          %get3A_261 = arith.constant 1 : i32
          %get3A_262 = arith.index_cast %get3A_261 : i32 to index
          %get3A_263 = arith.index_cast %add3A_223 : i32 to index
          %get3A_264 = arith.constant 32 : index
          %get3A_265 = tpu.vector_load %arg17[%get3A_262, %get3A_263, %get3A_264] {strides = array<i32>} : memref<2x128x64xf32, #tpu.memory_space<vmem>>, vector<16xf32>,
          %mul3A_266 = arith.mulf %gather3A_260, %get3A_265 : vector<16xf32>
          %add3A_267 = arith.constant 32 : i32
          %add3A_268 = vector.broadcast %add3A_267 : i32 to vector<16xi32>
          %add3A_269 = arith.addi %add3A_268, %iota3A : vector<16xi32>
          tpu.vector_store_idx %arg20[%sub3A_230, %add3A_269], %mul3A_266 {add = true} : memref<320x72xf32, #tpu.memory_space<vmem>>[vector<16xi32>, vector<16xi32>], vector<16xf32>,
          %add3A_270 = arith.constant 6 : i32
          %add3A_271 = vector.broadcast %add3A_270 : i32 to vector<16xi32>
          %add3A_272 = arith.addi %shift_right_logical3A_4, %add3A_271 : vector<16xi32>
          %gather3A_273 = tpu.vector_load_idx %arg18[%add3A_225, %add3A_272] : memref<128x8xf32, #tpu.memory_space<vmem>>[vector<16xi32>, vector<16xi32>], vector<16xf32>,
          %get3A_274 = arith.constant 1 : i32
          %get3A_275 = arith.index_cast %get3A_274 : i32 to index
          %get3A_276 = arith.index_cast %add3A_223 : i32 to index
          %get3A_277 = arith.constant 48 : index
          %get3A_278 = tpu.vector_load %arg17[%get3A_275, %get3A_276, %get3A_277] {strides = array<i32>} : memref<2x128x64xf32, #tpu.memory_space<vmem>>, vector<16xf32>,
          %mul3A_279 = arith.mulf %gather3A_273, %get3A_278 : vector<16xf32>
          %add3A_280 = arith.constant 48 : i32
          %add3A_281 = vector.broadcast %add3A_280 : i32 to vector<16xi32>
          %add3A_282 = arith.addi %add3A_281, %iota3A : vector<16xi32>
          tpu.vector_store_idx %arg20[%sub3A_230, %add3A_282], %mul3A_279 {add = true} : memref<320x72xf32, #tpu.memory_space<vmem>>[vector<16xi32>, vector<16xi32>], vector<16xf32>,
          %gather3A_283 = tpu.vector_load_idx %arg18[%add3A_225, %and3A_6] : memref<128x8xf32, #tpu.memory_space<vmem>>[vector<16xi32>, vector<16xi32>], vector<16xf32>,
          %add3A_284 = arith.constant 64 : i32
          %add3A_285 = vector.broadcast %add3A_284 : i32 to vector<16xi32>
          %add3A_286 = arith.addi %add3A_285, %and3A_6 : vector<16xi32>
          %lt3A_287 = arith.constant 8 : i32
          %lt3A_288 = vector.broadcast %lt3A_287 : i32 to vector<16xi32>
          %lt3A_289 = arith.cmpi slt, %iota3A, %lt3A_288 : vector<16xi32>
          tpu.vector_store_idx %arg20[%sub3A_230, %add3A_286], %gather3A_283 masked %lt3A_289 {add = true} : memref<320x72xf32, #tpu.memory_space<vmem>>[vector<16xi32>, vector<16xi32>], vector<16xf32>, vector<16xi1>
        }
        %scan3A_148 = arith.constant 128 : i32
      } else {
      }
    }
    %scan3A_94 = arith.constant 45 : i32
    "tpu.region"() ({
      %run_scoped3A = tpu.sem_alloc : memref<!tpu.dma_semaphore, #tpu.memory_space<semaphore_mem>>
      %dma_start3A_95 = arith.constant 0 : i32
      %dma_start3A_96 = tpu.memref_slice %arg8[%mul3A_2, %dma_start3A_95] : memref<10240x72xf32, #tpu.memory_space<hbm>> -> memref<320x72xf32, #tpu.memory_space<hbm>>
      %dma_start3A_97 = arith.constant 0 : i32
      %dma_start3A_98 = tpu.memref_slice %arg8[%mul3A_2, %dma_start3A_97] : memref<10240x72xf32, #tpu.memory_space<hbm>> -> memref<320x72xf32, #tpu.memory_space<hbm>>
      tpu.enqueue_dma source(%arg20 : memref<320x72xf32, #tpu.memory_space<vmem>>) target(%dma_start3A_98 : memref<320x72xf32, #tpu.memory_space<hbm>>) target_semaphore(%run_scoped3A : memref<!tpu.dma_semaphore, #tpu.memory_space<semaphore_mem>>)
      %dma_wait3A = arith.constant 0 : i32
      %dma_wait3A_99 = tpu.memref_slice %arg8[%mul3A_2, %dma_wait3A] : memref<10240x72xf32, #tpu.memory_space<hbm>> -> memref<320x72xf32, #tpu.memory_space<hbm>>
      %dma_wait3A_100 = arith.constant 0 : i32
      %dma_wait3A_101 = tpu.memref_slice %arg8[%mul3A_2, %dma_wait3A_100] : memref<10240x72xf32, #tpu.memory_space<hbm>> -> memref<320x72xf32, #tpu.memory_space<hbm>>
      tpu.wait_dma2 semaphore(%run_scoped3A : memref<!tpu.dma_semaphore, #tpu.memory_space<semaphore_mem>>) src(%arg20 : memref<320x72xf32, #tpu.memory_space<vmem>>) dst(%dma_wait3A_101 : memref<320x72xf32, #tpu.memory_space<hbm>>)
      tpu.yield
    }) : () -> ()
    return
  }
}

#map = affine_map<(d0, d1) -> (0, 0)>
#map1 = affine_map<(d0, d1) -> (0)>
module attributes {stable_mosaic.version = 14 : i64} {
  func.func @_sc2_body(%arg0: i32, %arg1: i32, %arg2: memref<32x11520xi32, #tpu.memory_space<hbm>>, %arg3: memref<32x16xi32, #tpu.memory_space<hbm>>, %arg4: memref<10240x16xf32, #tpu.memory_space<hbm>>, %arg5: memref<10240xf32, #tpu.memory_space<hbm>>, %arg6: memref<10240xf32, #tpu.memory_space<hbm>>, %arg7: memref<16xf32, #tpu.memory_space<hbm>>, %arg8: memref<10240x32xf32, #tpu.memory_space<hbm>>, %arg9: memref<11520xi32, #tpu.memory_space<vmem>>, %arg10: memref<11520xi32, #tpu.memory_space<vmem>>, %arg11: memref<11520xi32, #tpu.memory_space<vmem>>, %arg12: memref<10240xf32, #tpu.memory_space<vmem>>, %arg13: memref<10240xf32, #tpu.memory_space<vmem>>, %arg14: memref<2x128x16xf32, #tpu.memory_space<vmem>>, %arg15: memref<128xf32, #tpu.memory_space<vmem>>, %arg16: memref<320x32xf32, #tpu.memory_space<vmem>>, %arg17: memref<16xf32, #tpu.memory_space<vmem>>, %arg18: memref<16xi32, #tpu.memory_space<vmem>>, %arg19: memref<!tpu.dma_semaphore, #tpu.memory_space<semaphore_mem>>, %arg20: memref<!tpu.dma_semaphore, #tpu.memory_space<semaphore_mem>>) attributes {dimension_semantics = [#tpu.dimension_semantics<core_parallel>, #tpu.dimension_semantics<subcore_parallel>], iteration_bounds = array<i64: 2, 16>, scalar_prefetch = 0 : i64, scratch_operands = 12 : i64, tpu.core_type = #tpu.core_type<sc_vector_subcore>, window_params = [{transform_indices = #map}, {transform_indices = #map}, {transform_indices = #map}, {transform_indices = #map1}, {transform_indices = #map1}, {transform_indices = #map1}, {transform_indices = #map}]} {
    %mul3A = arith.constant 16 : i32
    %mul3A_0 = arith.muli %arg0, %mul3A : i32
    %add3A = arith.addi %mul3A_0, %arg1 : i32
    %mul3A_1 = arith.constant 320 : i32
    %mul3A_2 = arith.muli %add3A, %mul3A_1 : i32
    %iota3A = tpu.iota {dimensions = array<i32: 0>} : vector<16xi32>
    %broadcast_in_dim3A = arith.constant 0.000000e+00 : f32
    %broadcast_in_dim3A_3 = vector.broadcast %broadcast_in_dim3A : f32 to vector<16xf32>
    %broadcast_in_dim3A_4 = arith.constant 0 : i32
    %broadcast_in_dim3A_5 = vector.broadcast %broadcast_in_dim3A_4 : i32 to vector<16xi32>
    %add3A_6 = arith.constant 16 : i32
    %add3A_7 = vector.broadcast %add3A_6 : i32 to vector<16xi32>
    %add3A_8 = arith.addi %broadcast_in_dim3A_5, %add3A_7 : vector<16xi32>
    %scan3A = arith.constant 0 : i32
    %scan3A_9 = arith.constant 320 : i32
    %scan3A_10 = arith.addi %scan3A, %scan3A_9 : i32
    %scan3A_11 = arith.constant 1 : i32
    scf.for %scan3A_28 = %scan3A to %scan3A_10 step %scan3A_11  : i32 {
      %mul3A_29 = arith.constant 1 : i32
      %mul3A_30 = arith.muli %scan3A_28, %mul3A_29 : i32
      %add3A_31 = arith.constant 0 : i32
      %add3A_32 = arith.addi %add3A_31, %mul3A_30 : i32
      %swap3A = arith.index_cast %add3A_32 : i32 to index
      %swap3A_33 = arith.constant 0 : index
      %swap3A_34 = tpu.vector_load %arg16[%swap3A, %swap3A_33] {strides = array<i32>} : memref<320x32xf32, #tpu.memory_space<vmem>>, vector<16xf32>,
      tpu.vector_store %arg16[%swap3A, %swap3A_33], %broadcast_in_dim3A_3 {strides = array<i32>} : memref<320x32xf32, #tpu.memory_space<vmem>>, vector<16xf32>,
      %swap3A_35 = arith.index_cast %add3A_32 : i32 to index
      %swap3A_36 = arith.constant 16 : index
      %swap3A_37 = tpu.vector_load %arg16[%swap3A_35, %swap3A_36] {strides = array<i32>} : memref<320x32xf32, #tpu.memory_space<vmem>>, vector<16xf32>,
      tpu.vector_store %arg16[%swap3A_35, %swap3A_36], %broadcast_in_dim3A_3 {strides = array<i32>} : memref<320x32xf32, #tpu.memory_space<vmem>>, vector<16xf32>,
    }
    %scan3A_12 = arith.constant 320 : i32
    "tpu.region"() ({
      %run_scoped3A = tpu.sem_alloc : memref<!tpu.dma_semaphore, #tpu.memory_space<semaphore_mem>>
      %dma_start3A = arith.constant 0 : i32
      %dma_start3A_28 = tpu.memref_slice %arg2[%add3A, %dma_start3A] : memref<32x11520xi32, #tpu.memory_space<hbm>> -> memref<1x11520xi32, #tpu.memory_space<hbm>>
      %dma_start3A_29 = tpu.memref_squeeze %dma_start3A_28 : memref<1x11520xi32, #tpu.memory_space<hbm>> -> memref<11520xi32, #tpu.memory_space<hbm>>
      %dma_start3A_30 = arith.constant 0 : i32
      %dma_start3A_31 = tpu.memref_slice %arg2[%add3A, %dma_start3A_30] : memref<32x11520xi32, #tpu.memory_space<hbm>> -> memref<1x11520xi32, #tpu.memory_space<hbm>>
      %dma_start3A_32 = tpu.memref_squeeze %dma_start3A_31 : memref<1x11520xi32, #tpu.memory_space<hbm>> -> memref<11520xi32, #tpu.memory_space<hbm>>
      tpu.enqueue_dma source(%dma_start3A_32 : memref<11520xi32, #tpu.memory_space<hbm>>) target(%arg11 : memref<11520xi32, #tpu.memory_space<vmem>>) target_semaphore(%run_scoped3A : memref<!tpu.dma_semaphore, #tpu.memory_space<semaphore_mem>>)
      %dma_wait3A = arith.constant 0 : i32
      %dma_wait3A_33 = tpu.memref_slice %arg2[%add3A, %dma_wait3A] : memref<32x11520xi32, #tpu.memory_space<hbm>> -> memref<1x11520xi32, #tpu.memory_space<hbm>>
      %dma_wait3A_34 = tpu.memref_squeeze %dma_wait3A_33 : memref<1x11520xi32, #tpu.memory_space<hbm>> -> memref<11520xi32, #tpu.memory_space<hbm>>
      %dma_wait3A_35 = arith.constant 0 : i32
      %dma_wait3A_36 = tpu.memref_slice %arg2[%add3A, %dma_wait3A_35] : memref<32x11520xi32, #tpu.memory_space<hbm>> -> memref<1x11520xi32, #tpu.memory_space<hbm>>
      %dma_wait3A_37 = tpu.memref_squeeze %dma_wait3A_36 : memref<1x11520xi32, #tpu.memory_space<hbm>> -> memref<11520xi32, #tpu.memory_space<hbm>>
      tpu.wait_dma2 semaphore(%run_scoped3A : memref<!tpu.dma_semaphore, #tpu.memory_space<semaphore_mem>>) src(%dma_wait3A_37 : memref<11520xi32, #tpu.memory_space<hbm>>) dst(%arg11 : memref<11520xi32, #tpu.memory_space<vmem>>)
      tpu.yield
    }) : () -> ()
    "tpu.region"() ({
      %run_scoped3A = tpu.sem_alloc : memref<!tpu.dma_semaphore, #tpu.memory_space<semaphore_mem>>
      %dma_start3A = arith.constant 0 : i32
      %dma_start3A_28 = tpu.memref_slice %arg3[%add3A, %dma_start3A] : memref<32x16xi32, #tpu.memory_space<hbm>> -> memref<1x16xi32, #tpu.memory_space<hbm>>
      %dma_start3A_29 = tpu.memref_squeeze %dma_start3A_28 : memref<1x16xi32, #tpu.memory_space<hbm>> -> memref<16xi32, #tpu.memory_space<hbm>>
      %dma_start3A_30 = arith.constant 0 : i32
      %dma_start3A_31 = tpu.memref_slice %arg3[%add3A, %dma_start3A_30] : memref<32x16xi32, #tpu.memory_space<hbm>> -> memref<1x16xi32, #tpu.memory_space<hbm>>
      %dma_start3A_32 = tpu.memref_squeeze %dma_start3A_31 : memref<1x16xi32, #tpu.memory_space<hbm>> -> memref<16xi32, #tpu.memory_space<hbm>>
      tpu.enqueue_dma source(%dma_start3A_32 : memref<16xi32, #tpu.memory_space<hbm>>) target(%arg18 : memref<16xi32, #tpu.memory_space<vmem>>) target_semaphore(%run_scoped3A : memref<!tpu.dma_semaphore, #tpu.memory_space<semaphore_mem>>)
      %dma_wait3A = arith.constant 0 : i32
      %dma_wait3A_33 = tpu.memref_slice %arg3[%add3A, %dma_wait3A] : memref<32x16xi32, #tpu.memory_space<hbm>> -> memref<1x16xi32, #tpu.memory_space<hbm>>
      %dma_wait3A_34 = tpu.memref_squeeze %dma_wait3A_33 : memref<1x16xi32, #tpu.memory_space<hbm>> -> memref<16xi32, #tpu.memory_space<hbm>>
      %dma_wait3A_35 = arith.constant 0 : i32
      %dma_wait3A_36 = tpu.memref_slice %arg3[%add3A, %dma_wait3A_35] : memref<32x16xi32, #tpu.memory_space<hbm>> -> memref<1x16xi32, #tpu.memory_space<hbm>>
      %dma_wait3A_37 = tpu.memref_squeeze %dma_wait3A_36 : memref<1x16xi32, #tpu.memory_space<hbm>> -> memref<16xi32, #tpu.memory_space<hbm>>
      tpu.wait_dma2 semaphore(%run_scoped3A : memref<!tpu.dma_semaphore, #tpu.memory_space<semaphore_mem>>) src(%dma_wait3A_37 : memref<16xi32, #tpu.memory_space<hbm>>) dst(%arg18 : memref<16xi32, #tpu.memory_space<vmem>>)
      tpu.yield
    }) : () -> ()
    %get3A = arith.constant 0 : index
    %get3A_13 = tpu.vector_load %arg18[%get3A] {strides = array<i32>} : memref<16xi32, #tpu.memory_space<vmem>>, vector<16xi32>,
    %slice3A = vector.extract_strided_slice %get3A_13 {offsets = [0], sizes = [1], strides = [1]} : vector<16xi32> to vector<1xi32>
    %squeeze3A = vector.extract %slice3A[0] : i32 from vector<1xi32>
    %scan3A_14 = arith.constant 0 : i32
    %scan3A_15 = arith.constant 720 : i32
    %scan3A_16 = arith.addi %scan3A_14, %scan3A_15 : i32
    %scan3A_17 = arith.constant 1 : i32
    scf.for %scan3A_28 = %scan3A_14 to %scan3A_16 step %scan3A_17  : i32 {
      %mul3A_29 = arith.constant 1 : i32
      %mul3A_30 = arith.muli %scan3A_28, %mul3A_29 : i32
      %add3A_31 = arith.constant 0 : i32
      %add3A_32 = arith.addi %add3A_31, %mul3A_30 : i32
      %mul3A_33 = arith.constant 16 : i32
      %mul3A_34 = arith.muli %add3A_32, %mul3A_33 : i32
      %get3A_35 = arith.index_cast %mul3A_34 : i32 to index
      %get3A_36 = tpu.vector_load %arg11[%get3A_35] {strides = array<i32>} : memref<11520xi32, #tpu.memory_space<vmem>>, vector<16xi32>,
      %shift_right_logical3A = arith.constant 14 : i32
      %shift_right_logical3A_37 = vector.broadcast %shift_right_logical3A : i32 to vector<16xi32>
      %shift_right_logical3A_38 = arith.shrui %get3A_36, %shift_right_logical3A_37 : vector<16xi32>
      %mul3A_39 = arith.constant 16 : i32
      %mul3A_40 = arith.muli %add3A_32, %mul3A_39 : i32
      %swap3A = arith.index_cast %mul3A_40 : i32 to index
      %swap3A_41 = tpu.vector_load %arg9[%swap3A] {strides = array<i32>} : memref<11520xi32, #tpu.memory_space<vmem>>, vector<16xi32>,
      tpu.vector_store %arg9[%swap3A], %shift_right_logical3A_38 {strides = array<i32>} : memref<11520xi32, #tpu.memory_space<vmem>>, vector<16xi32>,
      %and3A = arith.constant 16383 : i32
      %and3A_42 = vector.broadcast %and3A : i32 to vector<16xi32>
      %and3A_43 = arith.andi %get3A_36, %and3A_42 : vector<16xi32>
      %mul3A_44 = arith.constant 16 : i32
      %mul3A_45 = arith.muli %add3A_32, %mul3A_44 : i32
      %swap3A_46 = arith.index_cast %mul3A_45 : i32 to index
      %swap3A_47 = tpu.vector_load %arg10[%swap3A_46] {strides = array<i32>} : memref<11520xi32, #tpu.memory_space<vmem>>, vector<16xi32>,
      tpu.vector_store %arg10[%swap3A_46], %and3A_43 {strides = array<i32>} : memref<11520xi32, #tpu.memory_space<vmem>>, vector<16xi32>,
    }
    %scan3A_18 = arith.constant 720 : i32
    "tpu.region"() ({
      %run_scoped3A = tpu.sem_alloc : memref<!tpu.dma_semaphore, #tpu.memory_space<semaphore_mem>>
      tpu.enqueue_dma source(%arg5 : memref<10240xf32, #tpu.memory_space<hbm>>) target(%arg12 : memref<10240xf32, #tpu.memory_space<vmem>>) target_semaphore(%run_scoped3A : memref<!tpu.dma_semaphore, #tpu.memory_space<semaphore_mem>>)
      tpu.wait_dma2 semaphore(%run_scoped3A : memref<!tpu.dma_semaphore, #tpu.memory_space<semaphore_mem>>) src(%arg5 : memref<10240xf32, #tpu.memory_space<hbm>>) dst(%arg12 : memref<10240xf32, #tpu.memory_space<vmem>>)
      tpu.yield
    }) : () -> ()
    "tpu.region"() ({
      %run_scoped3A = tpu.sem_alloc : memref<!tpu.dma_semaphore, #tpu.memory_space<semaphore_mem>>
      tpu.enqueue_dma source(%arg6 : memref<10240xf32, #tpu.memory_space<hbm>>) target(%arg13 : memref<10240xf32, #tpu.memory_space<vmem>>) target_semaphore(%run_scoped3A : memref<!tpu.dma_semaphore, #tpu.memory_space<semaphore_mem>>)
      tpu.wait_dma2 semaphore(%run_scoped3A : memref<!tpu.dma_semaphore, #tpu.memory_space<semaphore_mem>>) src(%arg6 : memref<10240xf32, #tpu.memory_space<hbm>>) dst(%arg13 : memref<10240xf32, #tpu.memory_space<vmem>>)
      tpu.yield
    }) : () -> ()
    "tpu.region"() ({
      %run_scoped3A = tpu.sem_alloc : memref<!tpu.dma_semaphore, #tpu.memory_space<semaphore_mem>>
      tpu.enqueue_dma source(%arg7 : memref<16xf32, #tpu.memory_space<hbm>>) target(%arg17 : memref<16xf32, #tpu.memory_space<vmem>>) target_semaphore(%run_scoped3A : memref<!tpu.dma_semaphore, #tpu.memory_space<semaphore_mem>>)
      tpu.wait_dma2 semaphore(%run_scoped3A : memref<!tpu.dma_semaphore, #tpu.memory_space<semaphore_mem>>) src(%arg7 : memref<16xf32, #tpu.memory_space<hbm>>) dst(%arg17 : memref<16xf32, #tpu.memory_space<vmem>>)
      tpu.yield
    }) : () -> ()
    %get3A_19 = arith.constant 0 : index
    %get3A_20 = tpu.vector_load %arg17[%get3A_19] {strides = array<i32>} : memref<16xf32, #tpu.memory_space<vmem>>, vector<16xf32>,
    %gt3A = arith.constant 0 : i32
    %gt3A_21 = arith.cmpi sgt, %squeeze3A, %gt3A : i32
    %convert_element_type3A = arith.extui %gt3A_21 : i1 to i32
    %cond3A = arith.constant 0 : i32
    %cond3A_22 = arith.cmpi ne, %convert_element_type3A, %cond3A : i32
    scf.if %cond3A_22 {
      %dma_start3A = arith.constant 0 : i32
      %dma_start3A_28 = arith.constant 0 : i32
      %dma_start3A_29 = arith.constant 0 : i32
      %dma_start3A_30 = tpu.memref_slice %arg14[%dma_start3A, %dma_start3A_28, %dma_start3A_29] : memref<2x128x16xf32, #tpu.memory_space<vmem>> -> memref<1x128x16xf32, #tpu.memory_space<vmem>>
      %dma_start3A_31 = tpu.memref_squeeze %dma_start3A_30 : memref<1x128x16xf32, #tpu.memory_space<vmem>> -> memref<128x16xf32, #tpu.memory_space<vmem>>
      %dma_start3A_32 = arith.constant 0 : i32
      %dma_start3A_33 = tpu.memref_slice %arg9[%dma_start3A_32] : memref<11520xi32, #tpu.memory_space<vmem>> -> memref<128xi32, #tpu.memory_space<vmem>>
      %dma_start3A_34 = arith.constant 0 : i32
      %dma_start3A_35 = arith.constant 0 : i32
      %dma_start3A_36 = tpu.memref_slice %arg4[%dma_start3A_34, %dma_start3A_35] : memref<10240x16xf32, #tpu.memory_space<hbm>> -> memref<10240x16xf32, #tpu.memory_space<hbm>>
      tpu.enqueue_indirect_dma source(%dma_start3A_36 : memref<10240x16xf32, #tpu.memory_space<hbm>>) target(%dma_start3A_31 : memref<128x16xf32, #tpu.memory_space<vmem>>) offsets(%dma_start3A_33 : memref<128xi32, #tpu.memory_space<vmem>>) semaphore(%arg19 : memref<!tpu.dma_semaphore, #tpu.memory_space<semaphore_mem>>)
    } else {
    }
    %scan3A_23 = arith.constant 0 : i32
    %scan3A_24 = arith.constant 45 : i32
    %scan3A_25 = arith.addi %scan3A_23, %scan3A_24 : i32
    %scan3A_26 = arith.constant 1 : i32
    scf.for %scan3A_28 = %scan3A_23 to %scan3A_25 step %scan3A_26  : i32 {
      %mul3A_29 = arith.constant 2 : i32
      %mul3A_30 = arith.muli %scan3A_28, %mul3A_29 : i32
      %add3A_31 = arith.constant 0 : i32
      %add3A_32 = arith.addi %add3A_31, %mul3A_30 : i32
      %add3A_33 = arith.constant 0 : i32
      %add3A_34 = arith.addi %add3A_32, %add3A_33 : i32
      %mul3A_35 = arith.constant 128 : i32
      %mul3A_36 = arith.muli %add3A_34, %mul3A_35 : i32
      %lt3A = arith.cmpi slt, %mul3A_36, %squeeze3A : i32
      %add3A_37 = arith.constant 1 : i32
      %add3A_38 = arith.addi %add3A_34, %add3A_37 : i32
      %mul3A_39 = arith.constant 128 : i32
      %mul3A_40 = arith.muli %add3A_38, %mul3A_39 : i32
      %lt3A_41 = arith.cmpi slt, %mul3A_40, %squeeze3A : i32
      %convert_element_type3A_42 = arith.extui %lt3A : i1 to i32
      %cond3A_43 = arith.constant 0 : i32
      %cond3A_44 = arith.cmpi ne, %convert_element_type3A_42, %cond3A_43 : i32
      scf.if %cond3A_44 {
        %dma_wait3A = arith.constant 0 : i32
        %dma_wait3A_70 = arith.constant 0 : i32
        %dma_wait3A_71 = arith.constant 0 : i32
        %dma_wait3A_72 = tpu.memref_slice %arg14[%dma_wait3A, %dma_wait3A_70, %dma_wait3A_71] : memref<2x128x16xf32, #tpu.memory_space<vmem>> -> memref<1x128x16xf32, #tpu.memory_space<vmem>>
        %dma_wait3A_73 = tpu.memref_squeeze %dma_wait3A_72 : memref<1x128x16xf32, #tpu.memory_space<vmem>> -> memref<128x16xf32, #tpu.memory_space<vmem>>
        %dma_wait3A_74 = arith.constant 0 : i32
        %dma_wait3A_75 = tpu.memref_slice %arg9[%dma_wait3A_74] : memref<11520xi32, #tpu.memory_space<vmem>> -> memref<128xi32, #tpu.memory_space<vmem>>
        %dma_wait3A_76 = arith.constant 0 : i32
        %dma_wait3A_77 = arith.constant 0 : i32
        %dma_wait3A_78 = tpu.memref_slice %arg4[%dma_wait3A_76, %dma_wait3A_77] : memref<10240x16xf32, #tpu.memory_space<hbm>> -> memref<10240x16xf32, #tpu.memory_space<hbm>>
        tpu.wait_indirect_dma semaphore(%arg19 : memref<!tpu.dma_semaphore, #tpu.memory_space<semaphore_mem>>) src(%dma_wait3A_78 : memref<10240x16xf32, #tpu.memory_space<hbm>>) dst(%dma_wait3A_73 : memref<128x16xf32, #tpu.memory_space<vmem>>)
      } else {
      }
      %convert_element_type3A_45 = arith.extui %lt3A_41 : i1 to i32
      %cond3A_46 = arith.constant 0 : i32
      %cond3A_47 = arith.cmpi ne, %convert_element_type3A_45, %cond3A_46 : i32
      scf.if %cond3A_47 {
        %add3A_70 = arith.constant 1 : i32
        %add3A_71 = arith.addi %add3A_34, %add3A_70 : i32
        %mul3A_72 = arith.constant 128 : i32
        %mul3A_73 = arith.muli %add3A_71, %mul3A_72 : i32
        %dma_start3A = arith.constant 1 : i32
        %dma_start3A_74 = arith.constant 0 : i32
        %dma_start3A_75 = arith.constant 0 : i32
        %dma_start3A_76 = tpu.memref_slice %arg14[%dma_start3A, %dma_start3A_74, %dma_start3A_75] : memref<2x128x16xf32, #tpu.memory_space<vmem>> -> memref<1x128x16xf32, #tpu.memory_space<vmem>>
        %dma_start3A_77 = tpu.memref_squeeze %dma_start3A_76 : memref<1x128x16xf32, #tpu.memory_space<vmem>> -> memref<128x16xf32, #tpu.memory_space<vmem>>
        %dma_start3A_78 = tpu.memref_slice %arg9[%mul3A_73] : memref<11520xi32, #tpu.memory_space<vmem>> -> memref<128xi32, #tpu.memory_space<vmem>>
        %dma_start3A_79 = arith.constant 0 : i32
        %dma_start3A_80 = arith.constant 0 : i32
        %dma_start3A_81 = tpu.memref_slice %arg4[%dma_start3A_79, %dma_start3A_80] : memref<10240x16xf32, #tpu.memory_space<hbm>> -> memref<10240x16xf32, #tpu.memory_space<hbm>>
        tpu.enqueue_indirect_dma source(%dma_start3A_81 : memref<10240x16xf32, #tpu.memory_space<hbm>>) target(%dma_start3A_77 : memref<128x16xf32, #tpu.memory_space<vmem>>) offsets(%dma_start3A_78 : memref<128xi32, #tpu.memory_space<vmem>>) semaphore(%arg20 : memref<!tpu.dma_semaphore, #tpu.memory_space<semaphore_mem>>)
      } else {
      }
      %convert_element_type3A_48 = arith.extui %lt3A : i1 to i32
      %cond3A_49 = arith.constant 0 : i32
      %cond3A_50 = arith.cmpi ne, %convert_element_type3A_48, %cond3A_49 : i32
      scf.if %cond3A_50 {
        %mul3A_70 = arith.constant 128 : i32
        %mul3A_71 = arith.muli %add3A_34, %mul3A_70 : i32
        %scan3A_72 = arith.constant 0 : i32
        %scan3A_73 = arith.constant 8 : i32
        %scan3A_74 = arith.addi %scan3A_72, %scan3A_73 : i32
        %scan3A_75 = arith.constant 1 : i32
        scf.for %scan3A_82 = %scan3A_72 to %scan3A_74 step %scan3A_75  : i32 {
          %mul3A_83 = arith.constant 1 : i32
          %mul3A_84 = arith.muli %scan3A_82, %mul3A_83 : i32
          %add3A_85 = arith.constant 0 : i32
          %add3A_86 = arith.addi %add3A_85, %mul3A_84 : i32
          %mul3A_87 = arith.constant 16 : i32
          %mul3A_88 = arith.muli %add3A_86, %mul3A_87 : i32
          %add3A_89 = arith.addi %mul3A_71, %mul3A_88 : i32
          %get3A_90 = arith.index_cast %add3A_89 : i32 to index
          %get3A_91 = tpu.vector_load %arg9[%get3A_90] {strides = array<i32>} : memref<11520xi32, #tpu.memory_space<vmem>>, vector<16xi32>,
          %mul3A_92 = arith.constant 16 : i32
          %mul3A_93 = arith.muli %add3A_86, %mul3A_92 : i32
          %add3A_94 = arith.addi %mul3A_71, %mul3A_93 : i32
          %get3A_95 = arith.index_cast %add3A_94 : i32 to index
          %get3A_96 = tpu.vector_load %arg10[%get3A_95] {strides = array<i32>} : memref<11520xi32, #tpu.memory_space<vmem>>, vector<16xi32>,
          %gather3A = tpu.vector_load_idx %arg12[%get3A_91] : memref<10240xf32, #tpu.memory_space<vmem>>[vector<16xi32>], vector<16xf32>,
          %gather3A_97 = tpu.vector_load_idx %arg13[%get3A_96] : memref<10240xf32, #tpu.memory_space<vmem>>[vector<16xi32>], vector<16xf32>,
          %add3A_98 = arith.addf %gather3A, %gather3A_97 : vector<16xf32>
          %gt3A_99 = arith.constant 0.000000e+00 : f32
          %gt3A_100 = vector.broadcast %gt3A_99 : f32 to vector<16xf32>
          %gt3A_101 = arith.cmpf ogt, %add3A_98, %gt3A_100 : vector<16xf32>
          %mul3A_102 = arith.constant 2.000000e-01 : f32
          %mul3A_103 = vector.broadcast %mul3A_102 : f32 to vector<16xf32>
          %mul3A_104 = arith.mulf %add3A_98, %mul3A_103 : vector<16xf32>
          %select_n3A = arith.select %gt3A_101, %add3A_98, %mul3A_104 : vector<16xi1>, vector<16xf32>
          %sub3A = arith.subf %select_n3A, %get3A_20 : vector<16xf32>
          %exp3A = math.exp %sub3A : vector<16xf32>
          %mul3A_105 = arith.constant 16 : i32
          %mul3A_106 = arith.muli %add3A_86, %mul3A_105 : i32
          %add3A_107 = arith.addi %mul3A_71, %mul3A_106 : i32
          %add3A_108 = vector.broadcast %add3A_107 : i32 to vector<16xi32>
          %add3A_109 = arith.addi %add3A_108, %iota3A : vector<16xi32>
          %lt3A_110 = vector.broadcast %squeeze3A : i32 to vector<16xi32>
          %lt3A_111 = arith.cmpi slt, %add3A_109, %lt3A_110 : vector<16xi32>
          %jit3A = arith.constant 0.000000e+00 : f32
          %broadcast_in_dim3A_112 = vector.broadcast %jit3A : f32 to vector<16xf32>
          %select_n3A_113 = arith.select %lt3A_111, %exp3A, %broadcast_in_dim3A_112 : vector<16xi1>, vector<16xf32>
          %mul3A_114 = arith.constant 16 : i32
          %mul3A_115 = arith.muli %add3A_86, %mul3A_114 : i32
          %swap3A = arith.index_cast %mul3A_115 : i32 to index
          %swap3A_116 = tpu.vector_load %arg15[%swap3A] {strides = array<i32>} : memref<128xf32, #tpu.memory_space<vmem>>, vector<16xf32>,
          tpu.vector_store %arg15[%swap3A], %select_n3A_113 {strides = array<i32>} : memref<128xf32, #tpu.memory_space<vmem>>, vector<16xf32>,
        }
        %scan3A_76 = arith.constant 8 : i32
        %scan3A_77 = arith.constant 0 : i32
        %scan3A_78 = arith.constant 128 : i32
        %scan3A_79 = arith.addi %scan3A_77, %scan3A_78 : i32
        %scan3A_80 = arith.constant 4 : i32
        scf.for %scan3A_82 = %scan3A_77 to %scan3A_79 step %scan3A_80  : i32 {
          %mul3A_83 = arith.constant 1 : i32
          %mul3A_84 = arith.muli %scan3A_82, %mul3A_83 : i32
          %add3A_85 = arith.constant 0 : i32
          %add3A_86 = arith.addi %add3A_85, %mul3A_84 : i32
          %add3A_87 = vector.broadcast %add3A_86 : i32 to vector<16xi32>
          %add3A_88 = arith.addi %broadcast_in_dim3A_5, %add3A_87 : vector<16xi32>
          %add3A_89 = vector.broadcast %mul3A_71 : i32 to vector<16xi32>
          %add3A_90 = arith.addi %add3A_89, %add3A_88 : vector<16xi32>
          %gather3A = tpu.vector_load_idx %arg10[%add3A_90] : memref<11520xi32, #tpu.memory_space<vmem>>[vector<16xi32>], vector<16xi32>,
          %sub3A = vector.broadcast %mul3A_2 : i32 to vector<16xi32>
          %sub3A_91 = arith.subi %gather3A, %sub3A : vector<16xi32>
          %gather3A_92 = tpu.vector_load_idx %arg15[%add3A_88] : memref<128xf32, #tpu.memory_space<vmem>>[vector<16xi32>], vector<16xf32>,
          %get3A_93 = arith.constant 0 : i32
          %get3A_94 = arith.index_cast %get3A_93 : i32 to index
          %get3A_95 = arith.index_cast %add3A_86 : i32 to index
          %get3A_96 = arith.constant 0 : index
          %get3A_97 = tpu.vector_load %arg14[%get3A_94, %get3A_95, %get3A_96] {strides = array<i32>} : memref<2x128x16xf32, #tpu.memory_space<vmem>>, vector<16xf32>,
          %mul3A_98 = arith.mulf %gather3A_92, %get3A_97 : vector<16xf32>
          tpu.vector_store_idx %arg16[%sub3A_91, %iota3A], %mul3A_98 {add = true} : memref<320x32xf32, #tpu.memory_space<vmem>>[vector<16xi32>, vector<16xi32>], vector<16xf32>,
          %lt3A_99 = arith.constant 1 : i32
          %lt3A_100 = vector.broadcast %lt3A_99 : i32 to vector<16xi32>
          %lt3A_101 = arith.cmpi slt, %iota3A, %lt3A_100 : vector<16xi32>
          tpu.vector_store_idx %arg16[%sub3A_91, %add3A_8], %gather3A_92 masked %lt3A_101 {add = true} : memref<320x32xf32, #tpu.memory_space<vmem>>[vector<16xi32>, vector<16xi32>], vector<16xf32>, vector<16xi1>
          %scan3A_102 = arith.constant 1 : i32
          %scan3A_103 = arith.addi %scan3A_82, %scan3A_102 : i32
          %mul3A_104 = arith.constant 1 : i32
          %mul3A_105 = arith.muli %scan3A_103, %mul3A_104 : i32
          %add3A_106 = arith.constant 0 : i32
          %add3A_107 = arith.addi %add3A_106, %mul3A_105 : i32
          %add3A_108 = vector.broadcast %add3A_107 : i32 to vector<16xi32>
          %add3A_109 = arith.addi %broadcast_in_dim3A_5, %add3A_108 : vector<16xi32>
          %add3A_110 = vector.broadcast %mul3A_71 : i32 to vector<16xi32>
          %add3A_111 = arith.addi %add3A_110, %add3A_109 : vector<16xi32>
          %gather3A_112 = tpu.vector_load_idx %arg10[%add3A_111] : memref<11520xi32, #tpu.memory_space<vmem>>[vector<16xi32>], vector<16xi32>,
          %sub3A_113 = vector.broadcast %mul3A_2 : i32 to vector<16xi32>
          %sub3A_114 = arith.subi %gather3A_112, %sub3A_113 : vector<16xi32>
          %gather3A_115 = tpu.vector_load_idx %arg15[%add3A_109] : memref<128xf32, #tpu.memory_space<vmem>>[vector<16xi32>], vector<16xf32>,
          %get3A_116 = arith.constant 0 : i32
          %get3A_117 = arith.index_cast %get3A_116 : i32 to index
          %get3A_118 = arith.index_cast %add3A_107 : i32 to index
          %get3A_119 = arith.constant 0 : index
          %get3A_120 = tpu.vector_load %arg14[%get3A_117, %get3A_118, %get3A_119] {strides = array<i32>} : memref<2x128x16xf32, #tpu.memory_space<vmem>>, vector<16xf32>,
          %mul3A_121 = arith.mulf %gather3A_115, %get3A_120 : vector<16xf32>
          tpu.vector_store_idx %arg16[%sub3A_114, %iota3A], %mul3A_121 {add = true} : memref<320x32xf32, #tpu.memory_space<vmem>>[vector<16xi32>, vector<16xi32>], vector<16xf32>,
          %lt3A_122 = arith.constant 1 : i32
          %lt3A_123 = vector.broadcast %lt3A_122 : i32 to vector<16xi32>
          %lt3A_124 = arith.cmpi slt, %iota3A, %lt3A_123 : vector<16xi32>
          tpu.vector_store_idx %arg16[%sub3A_114, %add3A_8], %gather3A_115 masked %lt3A_124 {add = true} : memref<320x32xf32, #tpu.memory_space<vmem>>[vector<16xi32>, vector<16xi32>], vector<16xf32>, vector<16xi1>
          %scan3A_125 = arith.constant 2 : i32
          %scan3A_126 = arith.addi %scan3A_82, %scan3A_125 : i32
          %mul3A_127 = arith.constant 1 : i32
          %mul3A_128 = arith.muli %scan3A_126, %mul3A_127 : i32
          %add3A_129 = arith.constant 0 : i32
          %add3A_130 = arith.addi %add3A_129, %mul3A_128 : i32
          %add3A_131 = vector.broadcast %add3A_130 : i32 to vector<16xi32>
          %add3A_132 = arith.addi %broadcast_in_dim3A_5, %add3A_131 : vector<16xi32>
          %add3A_133 = vector.broadcast %mul3A_71 : i32 to vector<16xi32>
          %add3A_134 = arith.addi %add3A_133, %add3A_132 : vector<16xi32>
          %gather3A_135 = tpu.vector_load_idx %arg10[%add3A_134] : memref<11520xi32, #tpu.memory_space<vmem>>[vector<16xi32>], vector<16xi32>,
          %sub3A_136 = vector.broadcast %mul3A_2 : i32 to vector<16xi32>
          %sub3A_137 = arith.subi %gather3A_135, %sub3A_136 : vector<16xi32>
          %gather3A_138 = tpu.vector_load_idx %arg15[%add3A_132] : memref<128xf32, #tpu.memory_space<vmem>>[vector<16xi32>], vector<16xf32>,
          %get3A_139 = arith.constant 0 : i32
          %get3A_140 = arith.index_cast %get3A_139 : i32 to index
          %get3A_141 = arith.index_cast %add3A_130 : i32 to index
          %get3A_142 = arith.constant 0 : index
          %get3A_143 = tpu.vector_load %arg14[%get3A_140, %get3A_141, %get3A_142] {strides = array<i32>} : memref<2x128x16xf32, #tpu.memory_space<vmem>>, vector<16xf32>,
          %mul3A_144 = arith.mulf %gather3A_138, %get3A_143 : vector<16xf32>
          tpu.vector_store_idx %arg16[%sub3A_137, %iota3A], %mul3A_144 {add = true} : memref<320x32xf32, #tpu.memory_space<vmem>>[vector<16xi32>, vector<16xi32>], vector<16xf32>,
          %lt3A_145 = arith.constant 1 : i32
          %lt3A_146 = vector.broadcast %lt3A_145 : i32 to vector<16xi32>
          %lt3A_147 = arith.cmpi slt, %iota3A, %lt3A_146 : vector<16xi32>
          tpu.vector_store_idx %arg16[%sub3A_137, %add3A_8], %gather3A_138 masked %lt3A_147 {add = true} : memref<320x32xf32, #tpu.memory_space<vmem>>[vector<16xi32>, vector<16xi32>], vector<16xf32>, vector<16xi1>
          %scan3A_148 = arith.constant 3 : i32
          %scan3A_149 = arith.addi %scan3A_82, %scan3A_148 : i32
          %mul3A_150 = arith.constant 1 : i32
          %mul3A_151 = arith.muli %scan3A_149, %mul3A_150 : i32
          %add3A_152 = arith.constant 0 : i32
          %add3A_153 = arith.addi %add3A_152, %mul3A_151 : i32
          %add3A_154 = vector.broadcast %add3A_153 : i32 to vector<16xi32>
          %add3A_155 = arith.addi %broadcast_in_dim3A_5, %add3A_154 : vector<16xi32>
          %add3A_156 = vector.broadcast %mul3A_71 : i32 to vector<16xi32>
          %add3A_157 = arith.addi %add3A_156, %add3A_155 : vector<16xi32>
          %gather3A_158 = tpu.vector_load_idx %arg10[%add3A_157] : memref<11520xi32, #tpu.memory_space<vmem>>[vector<16xi32>], vector<16xi32>,
          %sub3A_159 = vector.broadcast %mul3A_2 : i32 to vector<16xi32>
          %sub3A_160 = arith.subi %gather3A_158, %sub3A_159 : vector<16xi32>
          %gather3A_161 = tpu.vector_load_idx %arg15[%add3A_155] : memref<128xf32, #tpu.memory_space<vmem>>[vector<16xi32>], vector<16xf32>,
          %get3A_162 = arith.constant 0 : i32
          %get3A_163 = arith.index_cast %get3A_162 : i32 to index
          %get3A_164 = arith.index_cast %add3A_153 : i32 to index
          %get3A_165 = arith.constant 0 : index
          %get3A_166 = tpu.vector_load %arg14[%get3A_163, %get3A_164, %get3A_165] {strides = array<i32>} : memref<2x128x16xf32, #tpu.memory_space<vmem>>, vector<16xf32>,
          %mul3A_167 = arith.mulf %gather3A_161, %get3A_166 : vector<16xf32>
          tpu.vector_store_idx %arg16[%sub3A_160, %iota3A], %mul3A_167 {add = true} : memref<320x32xf32, #tpu.memory_space<vmem>>[vector<16xi32>, vector<16xi32>], vector<16xf32>,
          %lt3A_168 = arith.constant 1 : i32
          %lt3A_169 = vector.broadcast %lt3A_168 : i32 to vector<16xi32>
          %lt3A_170 = arith.cmpi slt, %iota3A, %lt3A_169 : vector<16xi32>
          tpu.vector_store_idx %arg16[%sub3A_160, %add3A_8], %gather3A_161 masked %lt3A_170 {add = true} : memref<320x32xf32, #tpu.memory_space<vmem>>[vector<16xi32>, vector<16xi32>], vector<16xf32>, vector<16xi1>
        }
        %scan3A_81 = arith.constant 128 : i32
      } else {
      }
      %add3A_51 = arith.constant 1 : i32
      %add3A_52 = arith.addi %add3A_32, %add3A_51 : i32
      %mul3A_53 = arith.constant 128 : i32
      %mul3A_54 = arith.muli %add3A_52, %mul3A_53 : i32
      %lt3A_55 = arith.cmpi slt, %mul3A_54, %squeeze3A : i32
      %add3A_56 = arith.constant 1 : i32
      %add3A_57 = arith.addi %add3A_52, %add3A_56 : i32
      %mul3A_58 = arith.constant 128 : i32
      %mul3A_59 = arith.muli %add3A_57, %mul3A_58 : i32
      %lt3A_60 = arith.cmpi slt, %mul3A_59, %squeeze3A : i32
      %convert_element_type3A_61 = arith.extui %lt3A_55 : i1 to i32
      %cond3A_62 = arith.constant 0 : i32
      %cond3A_63 = arith.cmpi ne, %convert_element_type3A_61, %cond3A_62 : i32
      scf.if %cond3A_63 {
        %dma_wait3A = arith.constant 1 : i32
        %dma_wait3A_70 = arith.constant 0 : i32
        %dma_wait3A_71 = arith.constant 0 : i32
        %dma_wait3A_72 = tpu.memref_slice %arg14[%dma_wait3A, %dma_wait3A_70, %dma_wait3A_71] : memref<2x128x16xf32, #tpu.memory_space<vmem>> -> memref<1x128x16xf32, #tpu.memory_space<vmem>>
        %dma_wait3A_73 = tpu.memref_squeeze %dma_wait3A_72 : memref<1x128x16xf32, #tpu.memory_space<vmem>> -> memref<128x16xf32, #tpu.memory_space<vmem>>
        %dma_wait3A_74 = arith.constant 0 : i32
        %dma_wait3A_75 = tpu.memref_slice %arg9[%dma_wait3A_74] : memref<11520xi32, #tpu.memory_space<vmem>> -> memref<128xi32, #tpu.memory_space<vmem>>
        %dma_wait3A_76 = arith.constant 0 : i32
        %dma_wait3A_77 = arith.constant 0 : i32
        %dma_wait3A_78 = tpu.memref_slice %arg4[%dma_wait3A_76, %dma_wait3A_77] : memref<10240x16xf32, #tpu.memory_space<hbm>> -> memref<10240x16xf32, #tpu.memory_space<hbm>>
        tpu.wait_indirect_dma semaphore(%arg20 : memref<!tpu.dma_semaphore, #tpu.memory_space<semaphore_mem>>) src(%dma_wait3A_78 : memref<10240x16xf32, #tpu.memory_space<hbm>>) dst(%dma_wait3A_73 : memref<128x16xf32, #tpu.memory_space<vmem>>)
      } else {
      }
      %convert_element_type3A_64 = arith.extui %lt3A_60 : i1 to i32
      %cond3A_65 = arith.constant 0 : i32
      %cond3A_66 = arith.cmpi ne, %convert_element_type3A_64, %cond3A_65 : i32
      scf.if %cond3A_66 {
        %add3A_70 = arith.constant 1 : i32
        %add3A_71 = arith.addi %add3A_52, %add3A_70 : i32
        %mul3A_72 = arith.constant 128 : i32
        %mul3A_73 = arith.muli %add3A_71, %mul3A_72 : i32
        %dma_start3A = arith.constant 0 : i32
        %dma_start3A_74 = arith.constant 0 : i32
        %dma_start3A_75 = arith.constant 0 : i32
        %dma_start3A_76 = tpu.memref_slice %arg14[%dma_start3A, %dma_start3A_74, %dma_start3A_75] : memref<2x128x16xf32, #tpu.memory_space<vmem>> -> memref<1x128x16xf32, #tpu.memory_space<vmem>>
        %dma_start3A_77 = tpu.memref_squeeze %dma_start3A_76 : memref<1x128x16xf32, #tpu.memory_space<vmem>> -> memref<128x16xf32, #tpu.memory_space<vmem>>
        %dma_start3A_78 = tpu.memref_slice %arg9[%mul3A_73] : memref<11520xi32, #tpu.memory_space<vmem>> -> memref<128xi32, #tpu.memory_space<vmem>>
        %dma_start3A_79 = arith.constant 0 : i32
        %dma_start3A_80 = arith.constant 0 : i32
        %dma_start3A_81 = tpu.memref_slice %arg4[%dma_start3A_79, %dma_start3A_80] : memref<10240x16xf32, #tpu.memory_space<hbm>> -> memref<10240x16xf32, #tpu.memory_space<hbm>>
        tpu.enqueue_indirect_dma source(%dma_start3A_81 : memref<10240x16xf32, #tpu.memory_space<hbm>>) target(%dma_start3A_77 : memref<128x16xf32, #tpu.memory_space<vmem>>) offsets(%dma_start3A_78 : memref<128xi32, #tpu.memory_space<vmem>>) semaphore(%arg19 : memref<!tpu.dma_semaphore, #tpu.memory_space<semaphore_mem>>)
      } else {
      }
      %convert_element_type3A_67 = arith.extui %lt3A_55 : i1 to i32
      %cond3A_68 = arith.constant 0 : i32
      %cond3A_69 = arith.cmpi ne, %convert_element_type3A_67, %cond3A_68 : i32
      scf.if %cond3A_69 {
        %mul3A_70 = arith.constant 128 : i32
        %mul3A_71 = arith.muli %add3A_52, %mul3A_70 : i32
        %scan3A_72 = arith.constant 0 : i32
        %scan3A_73 = arith.constant 8 : i32
        %scan3A_74 = arith.addi %scan3A_72, %scan3A_73 : i32
        %scan3A_75 = arith.constant 1 : i32
        scf.for %scan3A_82 = %scan3A_72 to %scan3A_74 step %scan3A_75  : i32 {
          %mul3A_83 = arith.constant 1 : i32
          %mul3A_84 = arith.muli %scan3A_82, %mul3A_83 : i32
          %add3A_85 = arith.constant 0 : i32
          %add3A_86 = arith.addi %add3A_85, %mul3A_84 : i32
          %mul3A_87 = arith.constant 16 : i32
          %mul3A_88 = arith.muli %add3A_86, %mul3A_87 : i32
          %add3A_89 = arith.addi %mul3A_71, %mul3A_88 : i32
          %get3A_90 = arith.index_cast %add3A_89 : i32 to index
          %get3A_91 = tpu.vector_load %arg9[%get3A_90] {strides = array<i32>} : memref<11520xi32, #tpu.memory_space<vmem>>, vector<16xi32>,
          %mul3A_92 = arith.constant 16 : i32
          %mul3A_93 = arith.muli %add3A_86, %mul3A_92 : i32
          %add3A_94 = arith.addi %mul3A_71, %mul3A_93 : i32
          %get3A_95 = arith.index_cast %add3A_94 : i32 to index
          %get3A_96 = tpu.vector_load %arg10[%get3A_95] {strides = array<i32>} : memref<11520xi32, #tpu.memory_space<vmem>>, vector<16xi32>,
          %gather3A = tpu.vector_load_idx %arg12[%get3A_91] : memref<10240xf32, #tpu.memory_space<vmem>>[vector<16xi32>], vector<16xf32>,
          %gather3A_97 = tpu.vector_load_idx %arg13[%get3A_96] : memref<10240xf32, #tpu.memory_space<vmem>>[vector<16xi32>], vector<16xf32>,
          %add3A_98 = arith.addf %gather3A, %gather3A_97 : vector<16xf32>
          %gt3A_99 = arith.constant 0.000000e+00 : f32
          %gt3A_100 = vector.broadcast %gt3A_99 : f32 to vector<16xf32>
          %gt3A_101 = arith.cmpf ogt, %add3A_98, %gt3A_100 : vector<16xf32>
          %mul3A_102 = arith.constant 2.000000e-01 : f32
          %mul3A_103 = vector.broadcast %mul3A_102 : f32 to vector<16xf32>
          %mul3A_104 = arith.mulf %add3A_98, %mul3A_103 : vector<16xf32>
          %select_n3A = arith.select %gt3A_101, %add3A_98, %mul3A_104 : vector<16xi1>, vector<16xf32>
          %sub3A = arith.subf %select_n3A, %get3A_20 : vector<16xf32>
          %exp3A = math.exp %sub3A : vector<16xf32>
          %mul3A_105 = arith.constant 16 : i32
          %mul3A_106 = arith.muli %add3A_86, %mul3A_105 : i32
          %add3A_107 = arith.addi %mul3A_71, %mul3A_106 : i32
          %add3A_108 = vector.broadcast %add3A_107 : i32 to vector<16xi32>
          %add3A_109 = arith.addi %add3A_108, %iota3A : vector<16xi32>
          %lt3A_110 = vector.broadcast %squeeze3A : i32 to vector<16xi32>
          %lt3A_111 = arith.cmpi slt, %add3A_109, %lt3A_110 : vector<16xi32>
          %jit3A = arith.constant 0.000000e+00 : f32
          %broadcast_in_dim3A_112 = vector.broadcast %jit3A : f32 to vector<16xf32>
          %select_n3A_113 = arith.select %lt3A_111, %exp3A, %broadcast_in_dim3A_112 : vector<16xi1>, vector<16xf32>
          %mul3A_114 = arith.constant 16 : i32
          %mul3A_115 = arith.muli %add3A_86, %mul3A_114 : i32
          %swap3A = arith.index_cast %mul3A_115 : i32 to index
          %swap3A_116 = tpu.vector_load %arg15[%swap3A] {strides = array<i32>} : memref<128xf32, #tpu.memory_space<vmem>>, vector<16xf32>,
          tpu.vector_store %arg15[%swap3A], %select_n3A_113 {strides = array<i32>} : memref<128xf32, #tpu.memory_space<vmem>>, vector<16xf32>,
        }
        %scan3A_76 = arith.constant 8 : i32
        %scan3A_77 = arith.constant 0 : i32
        %scan3A_78 = arith.constant 128 : i32
        %scan3A_79 = arith.addi %scan3A_77, %scan3A_78 : i32
        %scan3A_80 = arith.constant 4 : i32
        scf.for %scan3A_82 = %scan3A_77 to %scan3A_79 step %scan3A_80  : i32 {
          %mul3A_83 = arith.constant 1 : i32
          %mul3A_84 = arith.muli %scan3A_82, %mul3A_83 : i32
          %add3A_85 = arith.constant 0 : i32
          %add3A_86 = arith.addi %add3A_85, %mul3A_84 : i32
          %add3A_87 = vector.broadcast %add3A_86 : i32 to vector<16xi32>
          %add3A_88 = arith.addi %broadcast_in_dim3A_5, %add3A_87 : vector<16xi32>
          %add3A_89 = vector.broadcast %mul3A_71 : i32 to vector<16xi32>
          %add3A_90 = arith.addi %add3A_89, %add3A_88 : vector<16xi32>
          %gather3A = tpu.vector_load_idx %arg10[%add3A_90] : memref<11520xi32, #tpu.memory_space<vmem>>[vector<16xi32>], vector<16xi32>,
          %sub3A = vector.broadcast %mul3A_2 : i32 to vector<16xi32>
          %sub3A_91 = arith.subi %gather3A, %sub3A : vector<16xi32>
          %gather3A_92 = tpu.vector_load_idx %arg15[%add3A_88] : memref<128xf32, #tpu.memory_space<vmem>>[vector<16xi32>], vector<16xf32>,
          %get3A_93 = arith.constant 1 : i32
          %get3A_94 = arith.index_cast %get3A_93 : i32 to index
          %get3A_95 = arith.index_cast %add3A_86 : i32 to index
          %get3A_96 = arith.constant 0 : index
          %get3A_97 = tpu.vector_load %arg14[%get3A_94, %get3A_95, %get3A_96] {strides = array<i32>} : memref<2x128x16xf32, #tpu.memory_space<vmem>>, vector<16xf32>,
          %mul3A_98 = arith.mulf %gather3A_92, %get3A_97 : vector<16xf32>
          tpu.vector_store_idx %arg16[%sub3A_91, %iota3A], %mul3A_98 {add = true} : memref<320x32xf32, #tpu.memory_space<vmem>>[vector<16xi32>, vector<16xi32>], vector<16xf32>,
          %lt3A_99 = arith.constant 1 : i32
          %lt3A_100 = vector.broadcast %lt3A_99 : i32 to vector<16xi32>
          %lt3A_101 = arith.cmpi slt, %iota3A, %lt3A_100 : vector<16xi32>
          tpu.vector_store_idx %arg16[%sub3A_91, %add3A_8], %gather3A_92 masked %lt3A_101 {add = true} : memref<320x32xf32, #tpu.memory_space<vmem>>[vector<16xi32>, vector<16xi32>], vector<16xf32>, vector<16xi1>
          %scan3A_102 = arith.constant 1 : i32
          %scan3A_103 = arith.addi %scan3A_82, %scan3A_102 : i32
          %mul3A_104 = arith.constant 1 : i32
          %mul3A_105 = arith.muli %scan3A_103, %mul3A_104 : i32
          %add3A_106 = arith.constant 0 : i32
          %add3A_107 = arith.addi %add3A_106, %mul3A_105 : i32
          %add3A_108 = vector.broadcast %add3A_107 : i32 to vector<16xi32>
          %add3A_109 = arith.addi %broadcast_in_dim3A_5, %add3A_108 : vector<16xi32>
          %add3A_110 = vector.broadcast %mul3A_71 : i32 to vector<16xi32>
          %add3A_111 = arith.addi %add3A_110, %add3A_109 : vector<16xi32>
          %gather3A_112 = tpu.vector_load_idx %arg10[%add3A_111] : memref<11520xi32, #tpu.memory_space<vmem>>[vector<16xi32>], vector<16xi32>,
          %sub3A_113 = vector.broadcast %mul3A_2 : i32 to vector<16xi32>
          %sub3A_114 = arith.subi %gather3A_112, %sub3A_113 : vector<16xi32>
          %gather3A_115 = tpu.vector_load_idx %arg15[%add3A_109] : memref<128xf32, #tpu.memory_space<vmem>>[vector<16xi32>], vector<16xf32>,
          %get3A_116 = arith.constant 1 : i32
          %get3A_117 = arith.index_cast %get3A_116 : i32 to index
          %get3A_118 = arith.index_cast %add3A_107 : i32 to index
          %get3A_119 = arith.constant 0 : index
          %get3A_120 = tpu.vector_load %arg14[%get3A_117, %get3A_118, %get3A_119] {strides = array<i32>} : memref<2x128x16xf32, #tpu.memory_space<vmem>>, vector<16xf32>,
          %mul3A_121 = arith.mulf %gather3A_115, %get3A_120 : vector<16xf32>
          tpu.vector_store_idx %arg16[%sub3A_114, %iota3A], %mul3A_121 {add = true} : memref<320x32xf32, #tpu.memory_space<vmem>>[vector<16xi32>, vector<16xi32>], vector<16xf32>,
          %lt3A_122 = arith.constant 1 : i32
          %lt3A_123 = vector.broadcast %lt3A_122 : i32 to vector<16xi32>
          %lt3A_124 = arith.cmpi slt, %iota3A, %lt3A_123 : vector<16xi32>
          tpu.vector_store_idx %arg16[%sub3A_114, %add3A_8], %gather3A_115 masked %lt3A_124 {add = true} : memref<320x32xf32, #tpu.memory_space<vmem>>[vector<16xi32>, vector<16xi32>], vector<16xf32>, vector<16xi1>
          %scan3A_125 = arith.constant 2 : i32
          %scan3A_126 = arith.addi %scan3A_82, %scan3A_125 : i32
          %mul3A_127 = arith.constant 1 : i32
          %mul3A_128 = arith.muli %scan3A_126, %mul3A_127 : i32
          %add3A_129 = arith.constant 0 : i32
          %add3A_130 = arith.addi %add3A_129, %mul3A_128 : i32
          %add3A_131 = vector.broadcast %add3A_130 : i32 to vector<16xi32>
          %add3A_132 = arith.addi %broadcast_in_dim3A_5, %add3A_131 : vector<16xi32>
          %add3A_133 = vector.broadcast %mul3A_71 : i32 to vector<16xi32>
          %add3A_134 = arith.addi %add3A_133, %add3A_132 : vector<16xi32>
          %gather3A_135 = tpu.vector_load_idx %arg10[%add3A_134] : memref<11520xi32, #tpu.memory_space<vmem>>[vector<16xi32>], vector<16xi32>,
          %sub3A_136 = vector.broadcast %mul3A_2 : i32 to vector<16xi32>
          %sub3A_137 = arith.subi %gather3A_135, %sub3A_136 : vector<16xi32>
          %gather3A_138 = tpu.vector_load_idx %arg15[%add3A_132] : memref<128xf32, #tpu.memory_space<vmem>>[vector<16xi32>], vector<16xf32>,
          %get3A_139 = arith.constant 1 : i32
          %get3A_140 = arith.index_cast %get3A_139 : i32 to index
          %get3A_141 = arith.index_cast %add3A_130 : i32 to index
          %get3A_142 = arith.constant 0 : index
          %get3A_143 = tpu.vector_load %arg14[%get3A_140, %get3A_141, %get3A_142] {strides = array<i32>} : memref<2x128x16xf32, #tpu.memory_space<vmem>>, vector<16xf32>,
          %mul3A_144 = arith.mulf %gather3A_138, %get3A_143 : vector<16xf32>
          tpu.vector_store_idx %arg16[%sub3A_137, %iota3A], %mul3A_144 {add = true} : memref<320x32xf32, #tpu.memory_space<vmem>>[vector<16xi32>, vector<16xi32>], vector<16xf32>,
          %lt3A_145 = arith.constant 1 : i32
          %lt3A_146 = vector.broadcast %lt3A_145 : i32 to vector<16xi32>
          %lt3A_147 = arith.cmpi slt, %iota3A, %lt3A_146 : vector<16xi32>
          tpu.vector_store_idx %arg16[%sub3A_137, %add3A_8], %gather3A_138 masked %lt3A_147 {add = true} : memref<320x32xf32, #tpu.memory_space<vmem>>[vector<16xi32>, vector<16xi32>], vector<16xf32>, vector<16xi1>
          %scan3A_148 = arith.constant 3 : i32
          %scan3A_149 = arith.addi %scan3A_82, %scan3A_148 : i32
          %mul3A_150 = arith.constant 1 : i32
          %mul3A_151 = arith.muli %scan3A_149, %mul3A_150 : i32
          %add3A_152 = arith.constant 0 : i32
          %add3A_153 = arith.addi %add3A_152, %mul3A_151 : i32
          %add3A_154 = vector.broadcast %add3A_153 : i32 to vector<16xi32>
          %add3A_155 = arith.addi %broadcast_in_dim3A_5, %add3A_154 : vector<16xi32>
          %add3A_156 = vector.broadcast %mul3A_71 : i32 to vector<16xi32>
          %add3A_157 = arith.addi %add3A_156, %add3A_155 : vector<16xi32>
          %gather3A_158 = tpu.vector_load_idx %arg10[%add3A_157] : memref<11520xi32, #tpu.memory_space<vmem>>[vector<16xi32>], vector<16xi32>,
          %sub3A_159 = vector.broadcast %mul3A_2 : i32 to vector<16xi32>
          %sub3A_160 = arith.subi %gather3A_158, %sub3A_159 : vector<16xi32>
          %gather3A_161 = tpu.vector_load_idx %arg15[%add3A_155] : memref<128xf32, #tpu.memory_space<vmem>>[vector<16xi32>], vector<16xf32>,
          %get3A_162 = arith.constant 1 : i32
          %get3A_163 = arith.index_cast %get3A_162 : i32 to index
          %get3A_164 = arith.index_cast %add3A_153 : i32 to index
          %get3A_165 = arith.constant 0 : index
          %get3A_166 = tpu.vector_load %arg14[%get3A_163, %get3A_164, %get3A_165] {strides = array<i32>} : memref<2x128x16xf32, #tpu.memory_space<vmem>>, vector<16xf32>,
          %mul3A_167 = arith.mulf %gather3A_161, %get3A_166 : vector<16xf32>
          tpu.vector_store_idx %arg16[%sub3A_160, %iota3A], %mul3A_167 {add = true} : memref<320x32xf32, #tpu.memory_space<vmem>>[vector<16xi32>, vector<16xi32>], vector<16xf32>,
          %lt3A_168 = arith.constant 1 : i32
          %lt3A_169 = vector.broadcast %lt3A_168 : i32 to vector<16xi32>
          %lt3A_170 = arith.cmpi slt, %iota3A, %lt3A_169 : vector<16xi32>
          tpu.vector_store_idx %arg16[%sub3A_160, %add3A_8], %gather3A_161 masked %lt3A_170 {add = true} : memref<320x32xf32, #tpu.memory_space<vmem>>[vector<16xi32>, vector<16xi32>], vector<16xf32>, vector<16xi1>
        }
        %scan3A_81 = arith.constant 128 : i32
      } else {
      }
    }
    %scan3A_27 = arith.constant 45 : i32
    "tpu.region"() ({
      %run_scoped3A = tpu.sem_alloc : memref<!tpu.dma_semaphore, #tpu.memory_space<semaphore_mem>>
      %dma_start3A = arith.constant 0 : i32
      %dma_start3A_28 = tpu.memref_slice %arg8[%mul3A_2, %dma_start3A] : memref<10240x32xf32, #tpu.memory_space<hbm>> -> memref<320x32xf32, #tpu.memory_space<hbm>>
      %dma_start3A_29 = arith.constant 0 : i32
      %dma_start3A_30 = tpu.memref_slice %arg8[%mul3A_2, %dma_start3A_29] : memref<10240x32xf32, #tpu.memory_space<hbm>> -> memref<320x32xf32, #tpu.memory_space<hbm>>
      tpu.enqueue_dma source(%arg16 : memref<320x32xf32, #tpu.memory_space<vmem>>) target(%dma_start3A_30 : memref<320x32xf32, #tpu.memory_space<hbm>>) target_semaphore(%run_scoped3A : memref<!tpu.dma_semaphore, #tpu.memory_space<semaphore_mem>>)
      %dma_wait3A = arith.constant 0 : i32
      %dma_wait3A_31 = tpu.memref_slice %arg8[%mul3A_2, %dma_wait3A] : memref<10240x32xf32, #tpu.memory_space<hbm>> -> memref<320x32xf32, #tpu.memory_space<hbm>>
      %dma_wait3A_32 = arith.constant 0 : i32
      %dma_wait3A_33 = tpu.memref_slice %arg8[%mul3A_2, %dma_wait3A_32] : memref<10240x32xf32, #tpu.memory_space<hbm>> -> memref<320x32xf32, #tpu.memory_space<hbm>>
      tpu.wait_dma2 semaphore(%run_scoped3A : memref<!tpu.dma_semaphore, #tpu.memory_space<semaphore_mem>>) src(%arg16 : memref<320x32xf32, #tpu.memory_space<vmem>>) dst(%dma_wait3A_33 : memref<320x32xf32, #tpu.memory_space<hbm>>)
      tpu.yield
    }) : () -> ()
    return
  }
}

module attributes {stable_mosaic.version = 14 : i64} {
  func.func @_tc1_body(%arg0: i32, %arg1: memref<1024x128xf32, #tpu.memory_space<vmem>>, %arg2: memref<128x64xf32, #tpu.memory_space<vmem>>, %arg3: memref<64x8xf32, #tpu.memory_space<vmem>>, %arg4: memref<64x8xf32, #tpu.memory_space<vmem>>, %arg5: memref<1024x64xf32, #tpu.memory_space<vmem>>, %arg6: memref<1024x8xf32, #tpu.memory_space<vmem>>, %arg7: memref<1024x8xf32, #tpu.memory_space<vmem>>) attributes {dimension_semantics = [#tpu.dimension_semantics<arbitrary>], iteration_bounds = array<i64: 10>, scalar_prefetch = 0 : i64, scratch_operands = 0 : i64, tpu.core_type = #tpu.core_type<tc>, window_params = [{transform_indices = @transform_0, window_bounds = array<i64: 1024, 128>}, {pipeline_mode = #tpu.pipeline_mode<synchronous>, transform_indices = @transform_1, window_bounds = array<i64: 128, 64>}, {pipeline_mode = #tpu.pipeline_mode<synchronous>, transform_indices = @transform_2, window_bounds = array<i64: 64, 8>}, {pipeline_mode = #tpu.pipeline_mode<synchronous>, transform_indices = @transform_3, window_bounds = array<i64: 64, 8>}, {transform_indices = @transform_4, window_bounds = array<i64: 1024, 64>}, {transform_indices = @transform_5, window_bounds = array<i64: 1024, 8>}, {transform_indices = @transform_6, window_bounds = array<i64: 1024, 8>}]} {
    %get3A = arith.constant 0 : index
    %get3A_0 = arith.constant 0 : index
    %get3A_1 = vector.load %arg1[%get3A, %get3A_0] : memref<1024x128xf32, #tpu.memory_space<vmem>>, vector<1024x128xf32>
    %get3A_2 = arith.constant 0 : index
    %get3A_3 = arith.constant 0 : index
    %get3A_4 = vector.load %arg2[%get3A_2, %get3A_3] : memref<128x64xf32, #tpu.memory_space<vmem>>, vector<128x64xf32>
    %dot_general3A = arith.constant dense<0.000000e+00> : vector<1024x64xf32>
    %dot_general3A_5 = tpu.matmul %get3A_1, %get3A_4, %dot_general3A {dimension_numbers = #tpu.dot_dimension_numbers<[1], [0], [0], [1], [0, 0, 1, 1], [], []>, precision = #tpu.contract_precision<fp32>, transpose_lhs_hint = false} : vector<1024x128xf32>, vector<128x64xf32>, vector<1024x64xf32> -> vector<1024x64xf32>
    %swap3A = arith.constant 0 : index
    %swap3A_6 = arith.constant 0 : index
    %swap3A_7 = vector.load %arg5[%swap3A, %swap3A_6] : memref<1024x64xf32, #tpu.memory_space<vmem>>, vector<1024x64xf32>
    tpu.vector_store %arg5[%swap3A, %swap3A_6], %dot_general3A_5 {strides = array<i32>} : memref<1024x64xf32, #tpu.memory_space<vmem>>, vector<1024x64xf32>,
    %get3A_8 = arith.constant 0 : index
    %get3A_9 = arith.constant 0 : index
    %get3A_10 = vector.load %arg3[%get3A_8, %get3A_9] : memref<64x8xf32, #tpu.memory_space<vmem>>, vector<64x8xf32>
    %dot_general3A_11 = arith.constant dense<0.000000e+00> : vector<1024x8xf32>
    %dot_general3A_12 = tpu.matmul %dot_general3A_5, %get3A_10, %dot_general3A_11 {dimension_numbers = #tpu.dot_dimension_numbers<[1], [0], [0], [1], [0, 0, 1, 1], [], []>, precision = #tpu.contract_precision<fp32>, transpose_lhs_hint = false} : vector<1024x64xf32>, vector<64x8xf32>, vector<1024x8xf32> -> vector<1024x8xf32>
    %swap3A_13 = arith.constant 0 : index
    %swap3A_14 = arith.constant 0 : index
    %swap3A_15 = vector.load %arg6[%swap3A_13, %swap3A_14] : memref<1024x8xf32, #tpu.memory_space<vmem>>, vector<1024x8xf32>
    tpu.vector_store %arg6[%swap3A_13, %swap3A_14], %dot_general3A_12 {strides = array<i32>} : memref<1024x8xf32, #tpu.memory_space<vmem>>, vector<1024x8xf32>,
    %get3A_16 = arith.constant 0 : index
    %get3A_17 = arith.constant 0 : index
    %get3A_18 = vector.load %arg4[%get3A_16, %get3A_17] : memref<64x8xf32, #tpu.memory_space<vmem>>, vector<64x8xf32>
    %dot_general3A_19 = arith.constant dense<0.000000e+00> : vector<1024x8xf32>
    %dot_general3A_20 = tpu.matmul %dot_general3A_5, %get3A_18, %dot_general3A_19 {dimension_numbers = #tpu.dot_dimension_numbers<[1], [0], [0], [1], [0, 0, 1, 1], [], []>, precision = #tpu.contract_precision<fp32>, transpose_lhs_hint = false} : vector<1024x64xf32>, vector<64x8xf32>, vector<1024x8xf32> -> vector<1024x8xf32>
    %swap3A_21 = arith.constant 0 : index
    %swap3A_22 = arith.constant 0 : index
    %swap3A_23 = vector.load %arg7[%swap3A_21, %swap3A_22] : memref<1024x8xf32, #tpu.memory_space<vmem>>, vector<1024x8xf32>
    tpu.vector_store %arg7[%swap3A_21, %swap3A_22], %dot_general3A_20 {strides = array<i32>} : memref<1024x8xf32, #tpu.memory_space<vmem>>, vector<1024x8xf32>,
    return
  }
  func.func @transform_0(%arg0: i32) -> (i32, i32) {
    %c0_i32 = arith.constant 0 : i32
    %c0_i32_0 = arith.constant 0 : i32
    return %arg0, %c0_i32 : i32, i32
  }
  func.func @transform_1(%arg0: i32) -> (i32, i32) {
    %c0_i32 = arith.constant 0 : i32
    %c0_i32_0 = arith.constant 0 : i32
    %c0_i32_1 = arith.constant 0 : i32
    return %c0_i32, %c0_i32_0 : i32, i32
  }
  func.func @transform_2(%arg0: i32) -> (i32, i32) {
    %c0_i32 = arith.constant 0 : i32
    %c0_i32_0 = arith.constant 0 : i32
    %c0_i32_1 = arith.constant 0 : i32
    return %c0_i32, %c0_i32_0 : i32, i32
  }
  func.func @transform_3(%arg0: i32) -> (i32, i32) {
    %c0_i32 = arith.constant 0 : i32
    %c0_i32_0 = arith.constant 0 : i32
    %c0_i32_1 = arith.constant 0 : i32
    return %c0_i32, %c0_i32_0 : i32, i32
  }
  func.func @transform_4(%arg0: i32) -> (i32, i32) {
    %c0_i32 = arith.constant 0 : i32
    %c0_i32_0 = arith.constant 0 : i32
    return %arg0, %c0_i32 : i32, i32
  }
  func.func @transform_5(%arg0: i32) -> (i32, i32) {
    %c0_i32 = arith.constant 0 : i32
    %c0_i32_0 = arith.constant 0 : i32
    return %arg0, %c0_i32 : i32, i32
  }
  func.func @transform_6(%arg0: i32) -> (i32, i32) {
    %c0_i32 = arith.constant 0 : i32
    %c0_i32_0 = arith.constant 0 : i32
    return %arg0, %c0_i32 : i32, i32
  }
}

module attributes {stable_mosaic.version = 14 : i64} {
  func.func @_tc2_body(%arg0: i32, %arg1: memref<1024x72xf32, #tpu.memory_space<vmem>>, %arg2: memref<1x64xf32, #tpu.memory_space<vmem>>, %arg3: memref<64x16xf32, #tpu.memory_space<vmem>>, %arg4: memref<8x64xf32, #tpu.memory_space<vmem>>, %arg5: memref<16x8xf32, #tpu.memory_space<vmem>>, %arg6: memref<16x8xf32, #tpu.memory_space<vmem>>, %arg7: memref<1024x16xf32, #tpu.memory_space<vmem>>, %arg8: memref<1024x8xf32, #tpu.memory_space<vmem>>, %arg9: memref<1024x8xf32, #tpu.memory_space<vmem>>) attributes {dimension_semantics = [#tpu.dimension_semantics<arbitrary>], iteration_bounds = array<i64: 10>, scalar_prefetch = 0 : i64, scratch_operands = 0 : i64, tpu.core_type = #tpu.core_type<tc>, window_params = [{transform_indices = @transform_0, window_bounds = array<i64: 1024, 72>}, {pipeline_mode = #tpu.pipeline_mode<synchronous>, transform_indices = @transform_1, window_bounds = array<i64: 1, 64>}, {pipeline_mode = #tpu.pipeline_mode<synchronous>, transform_indices = @transform_2, window_bounds = array<i64: 64, 16>}, {pipeline_mode = #tpu.pipeline_mode<synchronous>, transform_indices = @transform_3, window_bounds = array<i64: 8, 64>}, {pipeline_mode = #tpu.pipeline_mode<synchronous>, transform_indices = @transform_4, window_bounds = array<i64: 16, 8>}, {pipeline_mode = #tpu.pipeline_mode<synchronous>, transform_indices = @transform_5, window_bounds = array<i64: 16, 8>}, {transform_indices = @transform_6, window_bounds = array<i64: 1024, 16>}, {transform_indices = @transform_7, window_bounds = array<i64: 1024, 8>}, {transform_indices = @transform_8, window_bounds = array<i64: 1024, 8>}]} {
    %get3A = arith.constant 0 : index
    %get3A_0 = arith.constant 0 : index
    %get3A_1 = vector.load %arg1[%get3A, %get3A_0] : memref<1024x72xf32, #tpu.memory_space<vmem>>, vector<1024x72xf32>
    %slice3A = vector.extract_strided_slice %get3A_1 {offsets = [0, 0], sizes = [1024, 64], strides = [1, 1]} : vector<1024x72xf32> to vector<1024x64xf32>
    %slice3A_2 = vector.extract_strided_slice %get3A_1 {offsets = [0, 64], sizes = [1024, 8], strides = [1, 1]} : vector<1024x72xf32> to vector<1024x8xf32>
    %get3A_3 = arith.constant 0 : index
    %get3A_4 = arith.constant 0 : index
    %get3A_5 = vector.load %arg4[%get3A_3, %get3A_4] : memref<8x64xf32, #tpu.memory_space<vmem>>, vector<8x64xf32>
    %dot_general3A = arith.constant dense<0.000000e+00> : vector<1024x64xf32>
    %dot_general3A_6 = tpu.matmul %slice3A_2, %get3A_5, %dot_general3A {dimension_numbers = #tpu.dot_dimension_numbers<[1], [0], [0], [1], [0, 0, 1, 1], [], []>, precision = #tpu.contract_precision<fp32>, transpose_lhs_hint = false} : vector<1024x8xf32>, vector<8x64xf32>, vector<1024x64xf32> -> vector<1024x64xf32>
    %add3A = arith.constant 1.000000e-16 : f32
    %add3A_7 = vector.broadcast %add3A : f32 to vector<1024x64xf32>
    %add3A_8 = arith.addf %dot_general3A_6, %add3A_7 : vector<1024x64xf32>
    %div3A = arith.divf %slice3A, %add3A_8 : vector<1024x64xf32>
    %get3A_9 = arith.constant 0 : index
    %get3A_10 = arith.constant 0 : index
    %get3A_11 = vector.load %arg2[%get3A_9, %get3A_10] : memref<1x64xf32, #tpu.memory_space<vmem>>, vector<1x64xf32>
    %add3A_12 = vector.broadcast %get3A_11 : vector<1x64xf32> to vector<1024x64xf32>
    %add3A_13 = arith.addf %div3A, %add3A_12 : vector<1024x64xf32>
    %gt3A = arith.constant 0.000000e+00 : f32
    %gt3A_14 = vector.broadcast %gt3A : f32 to vector<1024x64xf32>
    %gt3A_15 = arith.cmpf ogt, %add3A_13, %gt3A_14 : vector<1024x64xf32>
    %exp3A = math.exp %add3A_13 : vector<1024x64xf32>
    %sub3A = arith.constant 1.000000e+00 : f32
    %sub3A_16 = vector.broadcast %sub3A : f32 to vector<1024x64xf32>
    %sub3A_17 = arith.subf %exp3A, %sub3A_16 : vector<1024x64xf32>
    %select_n3A = arith.select %gt3A_15, %add3A_13, %sub3A_17 : vector<1024x64xi1>, vector<1024x64xf32>
    %get3A_18 = arith.constant 0 : index
    %get3A_19 = arith.constant 0 : index
    %get3A_20 = vector.load %arg3[%get3A_18, %get3A_19] : memref<64x16xf32, #tpu.memory_space<vmem>>, vector<64x16xf32>
    %dot_general3A_21 = arith.constant dense<0.000000e+00> : vector<1024x16xf32>
    %dot_general3A_22 = tpu.matmul %select_n3A, %get3A_20, %dot_general3A_21 {dimension_numbers = #tpu.dot_dimension_numbers<[1], [0], [0], [1], [0, 0, 1, 1], [], []>, precision = #tpu.contract_precision<fp32>, transpose_lhs_hint = false} : vector<1024x64xf32>, vector<64x16xf32>, vector<1024x16xf32> -> vector<1024x16xf32>
    %swap3A = arith.constant 0 : index
    %swap3A_23 = arith.constant 0 : index
    %swap3A_24 = vector.load %arg7[%swap3A, %swap3A_23] : memref<1024x16xf32, #tpu.memory_space<vmem>>, vector<1024x16xf32>
    tpu.vector_store %arg7[%swap3A, %swap3A_23], %dot_general3A_22 {strides = array<i32>} : memref<1024x16xf32, #tpu.memory_space<vmem>>, vector<1024x16xf32>,
    %get3A_25 = arith.constant 0 : index
    %get3A_26 = arith.constant 0 : index
    %get3A_27 = vector.load %arg5[%get3A_25, %get3A_26] : memref<16x8xf32, #tpu.memory_space<vmem>>, vector<16x8xf32>
    %dot_general3A_28 = arith.constant dense<0.000000e+00> : vector<1024x8xf32>
    %dot_general3A_29 = tpu.matmul %dot_general3A_22, %get3A_27, %dot_general3A_28 {dimension_numbers = #tpu.dot_dimension_numbers<[1], [0], [0], [1], [0, 0, 1, 1], [], []>, precision = #tpu.contract_precision<fp32>, transpose_lhs_hint = false} : vector<1024x16xf32>, vector<16x8xf32>, vector<1024x8xf32> -> vector<1024x8xf32>
    %swap3A_30 = arith.constant 0 : index
    %swap3A_31 = arith.constant 0 : index
    %swap3A_32 = vector.load %arg8[%swap3A_30, %swap3A_31] : memref<1024x8xf32, #tpu.memory_space<vmem>>, vector<1024x8xf32>
    tpu.vector_store %arg8[%swap3A_30, %swap3A_31], %dot_general3A_29 {strides = array<i32>} : memref<1024x8xf32, #tpu.memory_space<vmem>>, vector<1024x8xf32>,
    %get3A_33 = arith.constant 0 : index
    %get3A_34 = arith.constant 0 : index
    %get3A_35 = vector.load %arg6[%get3A_33, %get3A_34] : memref<16x8xf32, #tpu.memory_space<vmem>>, vector<16x8xf32>
    %dot_general3A_36 = arith.constant dense<0.000000e+00> : vector<1024x8xf32>
    %dot_general3A_37 = tpu.matmul %dot_general3A_22, %get3A_35, %dot_general3A_36 {dimension_numbers = #tpu.dot_dimension_numbers<[1], [0], [0], [1], [0, 0, 1, 1], [], []>, precision = #tpu.contract_precision<fp32>, transpose_lhs_hint = false} : vector<1024x16xf32>, vector<16x8xf32>, vector<1024x8xf32> -> vector<1024x8xf32>
    %swap3A_38 = arith.constant 0 : index
    %swap3A_39 = arith.constant 0 : index
    %swap3A_40 = vector.load %arg9[%swap3A_38, %swap3A_39] : memref<1024x8xf32, #tpu.memory_space<vmem>>, vector<1024x8xf32>
    tpu.vector_store %arg9[%swap3A_38, %swap3A_39], %dot_general3A_37 {strides = array<i32>} : memref<1024x8xf32, #tpu.memory_space<vmem>>, vector<1024x8xf32>,
    return
  }
  func.func @transform_0(%arg0: i32) -> (i32, i32) {
    %c0_i32 = arith.constant 0 : i32
    %c0_i32_0 = arith.constant 0 : i32
    return %arg0, %c0_i32 : i32, i32
  }
  func.func @transform_1(%arg0: i32) -> (i32, i32) {
    %c0_i32 = arith.constant 0 : i32
    %c0_i32_0 = arith.constant 0 : i32
    %c0_i32_1 = arith.constant 0 : i32
    return %c0_i32, %c0_i32_0 : i32, i32
  }
  func.func @transform_2(%arg0: i32) -> (i32, i32) {
    %c0_i32 = arith.constant 0 : i32
    %c0_i32_0 = arith.constant 0 : i32
    %c0_i32_1 = arith.constant 0 : i32
    return %c0_i32, %c0_i32_0 : i32, i32
  }
  func.func @transform_3(%arg0: i32) -> (i32, i32) {
    %c0_i32 = arith.constant 0 : i32
    %c0_i32_0 = arith.constant 0 : i32
    %c0_i32_1 = arith.constant 0 : i32
    return %c0_i32, %c0_i32_0 : i32, i32
  }
  func.func @transform_4(%arg0: i32) -> (i32, i32) {
    %c0_i32 = arith.constant 0 : i32
    %c0_i32_0 = arith.constant 0 : i32
    %c0_i32_1 = arith.constant 0 : i32
    return %c0_i32, %c0_i32_0 : i32, i32
  }
  func.func @transform_5(%arg0: i32) -> (i32, i32) {
    %c0_i32 = arith.constant 0 : i32
    %c0_i32_0 = arith.constant 0 : i32
    %c0_i32_1 = arith.constant 0 : i32
    return %c0_i32, %c0_i32_0 : i32, i32
  }
  func.func @transform_6(%arg0: i32) -> (i32, i32) {
    %c0_i32 = arith.constant 0 : i32
    %c0_i32_0 = arith.constant 0 : i32
    return %arg0, %c0_i32 : i32, i32
  }
  func.func @transform_7(%arg0: i32) -> (i32, i32) {
    %c0_i32 = arith.constant 0 : i32
    %c0_i32_0 = arith.constant 0 : i32
    return %arg0, %c0_i32 : i32, i32
  }
  func.func @transform_8(%arg0: i32) -> (i32, i32) {
    %c0_i32 = arith.constant 0 : i32
    %c0_i32_0 = arith.constant 0 : i32
    return %arg0, %c0_i32 : i32, i32
  }
}

module attributes {stable_mosaic.version = 14 : i64} {
  func.func @_tc3_body(%arg0: i32, %arg1: memref<1024x32xf32, #tpu.memory_space<vmem>>, %arg2: memref<1x16xf32, #tpu.memory_space<vmem>>, %arg3: memref<1024x16xf32, #tpu.memory_space<vmem>>) attributes {dimension_semantics = [#tpu.dimension_semantics<arbitrary>], iteration_bounds = array<i64: 10>, scalar_prefetch = 0 : i64, scratch_operands = 0 : i64, tpu.core_type = #tpu.core_type<tc>, window_params = [{transform_indices = @transform_0, window_bounds = array<i64: 1024, 32>}, {pipeline_mode = #tpu.pipeline_mode<synchronous>, transform_indices = @transform_1, window_bounds = array<i64: 1, 16>}, {transform_indices = @transform_2, window_bounds = array<i64: 1024, 16>}]} {
    %get3A = arith.constant 0 : index
    %get3A_0 = arith.constant 0 : index
    %get3A_1 = vector.load %arg1[%get3A, %get3A_0] : memref<1024x32xf32, #tpu.memory_space<vmem>>, vector<1024x32xf32>
    %slice3A = vector.extract_strided_slice %get3A_1 {offsets = [0, 0], sizes = [1024, 16], strides = [1, 1]} : vector<1024x32xf32> to vector<1024x16xf32>
    %slice3A_2 = vector.extract_strided_slice %get3A_1 {offsets = [0, 16], sizes = [1024, 1], strides = [1, 1]} : vector<1024x32xf32> to vector<1024x1xf32>
    %add3A = arith.constant 1.000000e-16 : f32
    %add3A_3 = vector.broadcast %add3A : f32 to vector<1024x1xf32>
    %add3A_4 = arith.addf %slice3A_2, %add3A_3 : vector<1024x1xf32>
    %div3A = vector.broadcast %add3A_4 : vector<1024x1xf32> to vector<1024x16xf32>
    %div3A_5 = arith.divf %slice3A, %div3A : vector<1024x16xf32>
    %get3A_6 = arith.constant 0 : index
    %get3A_7 = arith.constant 0 : index
    %get3A_8 = vector.load %arg2[%get3A_6, %get3A_7] : memref<1x16xf32, #tpu.memory_space<vmem>>, vector<1x16xf32>
    %add3A_9 = vector.broadcast %get3A_8 : vector<1x16xf32> to vector<1024x16xf32>
    %add3A_10 = arith.addf %div3A_5, %add3A_9 : vector<1024x16xf32>
    %swap3A = arith.constant 0 : index
    %swap3A_11 = arith.constant 0 : index
    %swap3A_12 = vector.load %arg3[%swap3A, %swap3A_11] : memref<1024x16xf32, #tpu.memory_space<vmem>>, vector<1024x16xf32>
    tpu.vector_store %arg3[%swap3A, %swap3A_11], %add3A_10 {strides = array<i32>} : memref<1024x16xf32, #tpu.memory_space<vmem>>, vector<1024x16xf32>,
    return
  }
  func.func @transform_0(%arg0: i32) -> (i32, i32) {
    %c0_i32 = arith.constant 0 : i32
    %c0_i32_0 = arith.constant 0 : i32
    return %arg0, %c0_i32 : i32, i32
  }
  func.func @transform_1(%arg0: i32) -> (i32, i32) {
    %c0_i32 = arith.constant 0 : i32
    %c0_i32_0 = arith.constant 0 : i32
    %c0_i32_1 = arith.constant 0 : i32
    return %c0_i32, %c0_i32_0 : i32, i32
  }
  func.func @transform_2(%arg0: i32) -> (i32, i32) {
    %c0_i32 = arith.constant 0 : i32
    %c0_i32_0 = arith.constant 0 : i32
    return %arg0, %c0_i32 : i32, i32
  }
}

</mosaic_0001>

<sc_bundles>
// kernel: kernel.10.cloned.1.call-start
scs
__scs_entry_jumppad:
0x0: {  	(pc) =	sbr.rel $0x88, $3  }
0x1: {  	(tag) =	ssettag $0x0;
	lr =	simm.s32 $0x1  }
0x2: {  	[smem:$0x3F97] =	sst lr;
	_ =	strace $0xD0000000  }
0x3: {  	_ = 	snop  }
0x4: {  	_ = 	snop  }
0x5: {  	_ = 	snop  }
0x6: {  	_ = 	snop  }
0x7: {  	_ = 	snop  }
__scs_overlays_trampoline_lowered:
0x8: {  	[smem:$0x3FA6] =	sst s0  }
0x9: {  	[smem:$0x3FA7] =	sst s1  }
0xa: {  	[smem:$0x3FA8] =	sst s2  }
0xb: {  	[smem:$0x3FA9] =	sst s3  }
0xc: {  	[smem:$0x3FAA] =	sst s4  }
0xd: {  	[smem:$0x3FAB] =	sst s5  }
0xe: {  	[smem:$0x3FAC] =	sst s6  }
0xf: {  	[smem:$0x3FAD] =	sst s7  }
0x10: {  	[smem:$0x3FAE] =	sst s8  }
0x11: {  	[smem:$0x3FAF] =	sst s9;
	s0 =	simm.s32 @!p0 $0x0  }
0x12: {  	s1 =	sld [smem:$0x3F95];
	s0 =	simm.s32 @p0 $0x1  }
0x13: {  	[smem:$0x3FB0] =	sst s0;
	s0 =	simm.s32 @!p1 $0x0  }
0x14: {  	s2 =	sld [smem:$0x3F94];
	s0 =	simm.s32 @p1 $0x1  }
0x15: {  	[smem:$0x3FB1] =	sst s0;
	s0 =	simm.s32 @!p2 $0x0  }
0x16: {  	s3 =	sld [smem:$0x3FDB];
	s0 =	simm.s32 @p2 $0x1  }
0x17: {  	s4 =	simm.s32 $0x1BF5;
	[smem:$0x3FB3] =	sst s0  }
0x18: {  	s0 =	sld [smem:$0x3F96];
	_ =	swait.ge [sflag:s4], $0x0  }
0x19: {  	s7 =	sld [smem:$0x3F97]  }
0x1a: {  	s8 =	sadd.s32 $0xFFFFE003, lr  }
0x1b: {  	s9 =	sadd.s32 $0xFFFFFEF7, lr;
	s5 =	simm.s32 $0xFFFFFFFF;
	p2 =	slt.u32 s8, $0xFFFFF086  }
0x1c: {  	p1 =	slt.u32 s9, $0xF7A;
	s5 =	simm.s32 @!p2 $0x0  }
0x1d: {  	s5 =	simm.s32 @p1 $0x1;
	p0 =	seq.s32 s7, s2  }
0x1e: {  	s7 =	smul.u32 @!p0 $0xF7A, s2;
	p2 =	seq.s32 @!p0 s5, $0x0  }
0x1f: {  	s9 =	smul.u32 $0xF7A, s1;
	s8 =	simm.s32 @!p0 $0x1BF5;
	p2 =	por !p2, p0  }
0x20: {  	[sflag:s8] =	ssyncset.s32 @!p0 $0xFFFFF086;
	s6 =	sadd.s32 @!p0 s3, s7;
	s7 =	simm.s32 @!p0 $0x108  }
0x21: {  	s3 =	sadd.s32 s3, s9;
	s6 =	sadd.s32 @!p0 $0x88, s6;
	s7 =	simm.s32 @p2 $0x1082  }
0x22: {  	[simem:s7], [sflag:s8] =	dma.local @!p0 [hbm:s6], $0xF7A  }
0x23: {  	s9 =	sor.u32 $0xD0000000, s2;
	s6 =	simm.s32 $0x108;
	_ =	swait.ge @!p0 [sflag:s8], $0x0  }
0x24: {  	s3 =	sadd.s32 $0x88, s3;
	s6 =	simm.s32 @!p1 $0x1082;
	[sflag:s4] =	ssyncset.s32 $0xFFFFF086  }
0x25: {  	[simem:s6], [sflag:s4] =	dma.local [hbm:s3], $0xF7A  }
0x26: {  	[smem:$0x3F97] =	sst s1;
	(tag) =	ssettag s2;
	_ =	strace s9  }
0x27: {  	s1 =	sld [smem:$0x3FA7]  }
0x28: {  	s2 =	sld [smem:$0x3FA8]  }
0x29: {  	s4 =	sld [smem:$0x3FAA]  }
0x2a: {  	p0 =	seq.s32 s5, $0x0;
	s5 =	sld [smem:$0x3FAB]  }
0x2b: {  	s6 =	sld [smem:$0x3FAC]  }
0x2c: {  	s7 =	sld [smem:$0x3FAD]  }
0x2d: {  	s3 =	simm.s32 $0x108;
	s8 =	sld [smem:$0x3FAE]  }
0x2e: {  	s3 =	simm.s32 @!p0 $0x1082;
	s9 =	sld [smem:$0x3FAF]  }
0x2f: {  	lr =	sadd.s32 s0, s3;
	s0 =	sld [smem:$0x3FA6]  }
0x30: {  	s3 =	sld [smem:$0x3FA9]  }
0x31: {  	[smem:$0x3FB2] =	sst s10  }
0x32: {  	s10 =	sld [smem:$0x3FB0];
	_ =	sdelay $0x3  }
0x33: {  	p0 =	seq.s32 s10, $0x1;
	s10 =	sld [smem:$0x3FB2];
	_ =	sdelay $0x3  }
0x34: {  	[smem:$0x3FB2] =	sst s10  }
0x35: {  	s10 =	sld [smem:$0x3FB1];
	_ =	sdelay $0x3  }
0x36: {  	p1 =	seq.s32 s10, $0x1;
	s10 =	sld [smem:$0x3FB2];
	_ =	sdelay $0x3  }
0x37: {  	[smem:$0x3FB2] =	sst s10  }
0x38: {  	s10 =	sld [smem:$0x3FB3]  }
0x39: {  	_ = 	snop;
	(pc) =	sbr.ind lr, $3  }
0x3a: {  	_ = 	snop  }
0x3b: {  	_ = 	snop  }
0x3c: {  	p2 =	seq.s32 s10, $0x1;
	s10 =	sld [smem:$0x3FB2]  }
0x3d: {  	_ =	shalt  }
0x3e: {  	_ =	shalt  }
0x3f: {  	_ =	shalt  }
0x40: {  	_ =	shalt  }
0x41: {  	_ =	shalt  }
0x42: {  	_ =	shalt  }
0x43: {  	_ =	shalt  }
0x44: {  	_ =	shalt  }
0x45: {  	_ =	shalt  }
0x46: {  	_ =	shalt  }
0x47: {  	_ =	shalt  }
0x48: {  	_ =	shalt  }
0x49: {  	_ =	shalt  }
0x4a: {  	_ =	shalt  }
0x4b: {  	_ =	shalt  }
0x4c: {  	_ =	shalt  }
0x4d: {  	_ =	shalt  }
0x4e: {  	_ =	shalt  }
0x4f: {  	_ =	shalt  }
0x50: {  	_ =	shalt  }
0x51: {  	_ =	shalt  }
0x52: {  	_ =	shalt  }
0x53: {  	_ =	shalt  }
0x54: {  	_ =	shalt  }
0x55: {  	_ =	shalt  }
0x56: {  	_ =	shalt  }
0x57: {  	_ =	shalt  }
0x58: {  	_ =	shalt  }
0x59: {  	_ =	shalt  }
0x5a: {  	_ =	shalt  }
0x5b: {  	_ =	shalt  }
0x5c: {  	_ =	shalt  }
0x5d: {  	_ =	shalt  }
0x5e: {  	_ =	shalt  }
0x5f: {  	_ =	shalt  }
0x60: {  	_ =	shalt  }
0x61: {  	_ =	shalt  }
0x62: {  	_ =	shalt  }
0x63: {  	_ =	shalt  }
0x64: {  	_ =	shalt  }
0x65: {  	_ =	shalt  }
0x66: {  	_ =	shalt  }
0x67: {  	_ =	shalt  }
0x68: {  	_ =	shalt  }
0x69: {  	_ =	shalt  }
0x6a: {  	_ =	shalt  }
0x6b: {  	_ =	shalt  }
0x6c: {  	_ =	shalt  }
0x6d: {  	_ =	shalt  }
0x6e: {  	_ =	shalt  }
0x6f: {  	_ =	shalt  }
0x70: {  	_ =	shalt  }
0x71: {  	_ =	shalt  }
0x72: {  	_ =	shalt  }
0x73: {  	_ =	shalt  }
0x74: {  	_ =	shalt  }
0x75: {  	_ =	shalt  }
0x76: {  	_ =	shalt  }
0x77: {  	_ =	shalt  }
0x78: {  	_ =	shalt  }
0x79: {  	_ =	shalt  }
0x7a: {  	_ =	shalt  }
0x7b: {  	_ =	shalt  }
0x7c: {  	_ =	shalt  }
0x7d: {  	_ =	shalt  }
0x7e: {  	_ =	shalt  }
0x7f: {  	_ =	shalt  }
0x80: {  	_ =	shalt  }
0x81: {  	_ =	shalt  }
0x82: {  	_ =	shalt  }
0x83: {  	_ =	shalt  }
0x84: {  	_ =	shalt  }
0x85: {  	_ =	shalt  }
0x86: {  	_ =	shalt  }
0x87: {  	_ =	shalt  }
.Lfunc_end0:
.L_simem_size_0:
called_computation.1_lowered:
.L_overlay_start_0:
0x88: {  	s2 =	sld [smem:$0x3FD9]  }
0x89: {  	s3 =	sld [smem:$0x3FFE];
	_ =	sdelay $0x1  }
0x8a: {  	s1 =	srdreg.scid  }
0x8b: {  	s0 =	sand.u32 $0x1, s1  }
0x8c: {  	s17 =	sshll.u32 s0, $0xA;
	s2 =	sadd.s32 s3, s2  }
0x8d: {  	s2 =	sadd.s32 s2, s17  }
0x8e: {  	[smem:$0x3FBE] =	sst s2  }
0x8f: {  	_ = 	snop  }
0x90: {  	s2 =	sld [smem:$0x3FD0];
	(tm) =	ssettm $0x1  }
0x91: {  	s18 =	sld [smem:$0x3FFB];
	_ =	sdelay $0x3  }
0x92: {  	_ =	strace s18  }
0x93: {  	s3 =	sld [smem:$0x3FFC];
	_ =	sdelay $0x3  }
0x94: {  	_ =	strace s3  }
0x95: {  	s3 =	sld [smem:$0x3FFD];
	_ =	sdelay $0x3  }
0x96: {  	_ =	strace s3  }
0x97: {  	_ =	strace $0x8FFFFFFF  }
0x98: {  	s19 =	sld [smem:$0x3FDB];
	_ =	sdelay $0x1  }
0x99: {  	s4 =	simm.s32 $_scs_section_size  }
0x9a: {  	s5 =	simm.s32 $_size__tile_overlayer_lowered;
	s6 =	simm.s32 $_tile_overlayer_lowered  }
0x9b: {  	s22 =	simm.s32 $0x1BFF;
	s21 =	sshll.u32 s6, $0x1;
	s3 =	sadd.s32 s4, s19  }
0x9c: {  	s7 =	simm.s32 $0x0;
	s20 =	sshll.u32 s5, $0x1;
	s5 =	sadd.s32 s21, s3  }
0x9d: {  	[timem:s7], [sflag:s22] =	dma.local [hbm:s5], s20  }
0x9e: {  	_ =	swait.ge [sflag:s22], s20  }
0x9f: {  	s4 =	ssub.s32 $0x0, s20;
	[sflag:s22] =	ssyncset.done $0x0  }
0xa0: {  	[sflag:s22] =	ssyncadd.s32 s4;
	_ =	sdelay $0x1  }
0xa1: {  	s23 =	simm.s32 $0x1B8B  }
0xa2: {  	_ =	swait.ge [sflag:s23], $0x1  }
0xa3: {  	[sflag:s23] =	ssyncset.done $0x0  }
0xa4: {  	s25 =	simm.s32 $0x1B8E;
	s24 =	sld [smem:$0x3FFE];
	[sflag:s23] =	ssyncadd.s32 $0xFFFFFFFF  }
0xa5: {  	s26 =	simm.s32 $execute0_lowered;
	[smem:$0x3FD2] =	sst s25  }
0xa6: {  	s5 =	sshll.u32 s26, $0x1;
	_ =	strace $0x80000049;
	[dreg:$0x1] =	wrdreg $0xFFFFFFFF  }
0xa7: {  	s28 =	simm.s32 $_size_execute0_lowered;
	s3 =	sadd.s32 s3, s5;
	[dreg:$0x0] =	wrdreg $0x0  }
0xa8: {  	s5 =	sshll.u32 s28, $0x1;
	[dreg:$0x2] =	wrdreg s3  }
0xa9: {  	[dreg:$0x3] =	wrdreg s5  }
0xaa: {  	[dreg:$0x4] =	wrdreg $0xC0  }
0xab: {  	_ =	task [dreg:s7], $0x5FFFF  }
0xac: {  	[dreg:$0x1] =	wrdreg $0xFFFFFFFF  }
0xad: {  	[dreg:$0x0] =	wrdreg $0x60  }
0xae: {  	[dreg:$0x2] =	wrdreg s24  }
0xaf: {  	[dreg:$0x3] =	wrdreg s2  }
0xb0: {  	[dreg:$0x4] =	wrdreg $0x9  }
0xb1: {  	_ =	task.clear_ibuf [dreg:s7], $0x5FFFF;
	_ =	strace $0x90000049  }
0xb2: {  	s29 =	simm.s32 $0x9;
	_ =	strace $0x8000004B  }
0xb3: {  	_ =	swait.ge [sflag:s29], $0x1  }
0xb4: {  	[sflag:s29] =	ssyncadd.s32 $0xFFFFFFFF  }
0xb5: {  	_ =	strace $0x9000004B  }
0xb6: {  	_ =	sfence  }
0xb7: {  	s30 =	sld [smem:$0x0];
	_ =	sdelay $0x2  }
0xb8: {  	s31 =	sshll.u32 s1, $0xD;
	s1 =	sshrl.u32 s1, $0x2  }
0xb9: {  	s3 =	sand.u32 $0x4000, s31;
	s1 =	sadd.s32 s1, s30  }
0xba: {  	s0 =	sor.u32 s3, s0;
	s1 =	sshll.u32 s1, $0x11  }
0xbb: {  	s0 =	sor.u32 s1, s0  }
0xbc: {  	s0 =	sadd.s32 $0x8F2B, s0  }
0xbd: {  	[sflag:s0] =	ssyncadd.remote.s32 $0x1  }
0xbe: {  	_ =	sfence.sel $0xFFFF  }
0xbf: {  	[dreg:$0x0] =	wrdreg $0xFFFFFFFF;
	(pc) =	sbr.abs _section_cstart, $3  }
0xc0: {  	[dreg:$0x1] =	wrdreg $0xFFFFFFFF  }
0xc1: {  	_ =	task.clear_ibuf [dreg:s7], $0x2FFFF;
	_ =	strace $0x9FFFFFFF  }
0xc2: {  	(tm) =	ssettm $0x7FFFFFFF  }
0xc3: {  	_ =	shalt  }
tec
execute0_lowered:
.L_overlay_start_1:
0x0: {  	(tag) =	ssettag $0x1  }
0x1: {  	s0 =	srdreg.scid  }
0x2: {  	s2 =	rddreg [dreg:$0x0];
	s3 =	stileid.u32;
	s4 =	simm.s32 $0x0  }
0x3: {  	s12 =	simm.s32 $0x3;
	s14 =	simm.s32 $0x8700;
	s15 =	simm.s32 $0xAF00  }
0x4: {  	s16 =	simm.s32 $0x10F80;
	s17 =	simm.s32 $0x2D00;
	s0 =	sand.u32 $0x1, s0  }
0x5: {  	s18 =	simm.s32 $0xE700;
	s19 =	simm.s32 $0xE780;
	s1 =	sshll.u32 s0, $0x4  }
0x6: {  	s20 =	simm.s32 $0x0;
	[smem:$0x7FF] =	sst s4;
	s1 =	sor.u32 s3, s1  }
0x7: {  	s6 =	sadd.s32 $0x200, s2;
	s0 =	ssub.s32 $0x2, s0;
	s3 =	smul.u32 $0x5A0, s1  }
.Ltmp0:
0x8: {  	_ =	strace $0x8000004A;
	s9 =	sshrl.u32 s0, $0x1;
	(pc) =	sbr.rel .LBB2_1-.Ltmp0, $4  }
0x9: {  	s5 =	sshll.u32 s1, $0x1;
	s7 =	smul.u32 $0x500, s1;
	s0 =	ssub.s32 s0, s9  }
0xa: {  	s1 =	smul.u32 $0x140, s1;
	s8 =	sadd.s32 s5, s2;
	s5 =	sadd.s32 $0x800, s2  }
0xb: {  	s3 =	sadd.s32 s3, s2;
	s10 =	sadd.s32 s7, s2;
	s8 =	sadd.s32 $0x4CE00, s8  }
0xc: {  	v1 =	vimm.f32 $0.0e+00;
	v2 =	vlaneseq.u32;
	v0 =	vmov s1;
	s7 =	sadd.s32 $0x41A00, s3;
	s9 =	sadd.s32 $0x5800, s10;
	s10 =	smax.u32 s0, $0x1  }
.LBB2_17:
0xd: {  	s20 =	sadd.s32 $0x1, s20  }
0xe: {  	p0 =	sne.s32 s20, s10  }
.Ltmp1:
0xf: {  	_ = 	snop;
	(pc) =	sbr.rel @!p0 .LBB2_18-.Ltmp1, $4  }
0x10: {  	[hbm4b:s9+s4] =	stream.linear.scatter [tilespmem:s19], [sflag:$0x3], $0x2800, $0x38;
	[tilespmem:$0x10FA0] =	vst v63  }
0x11: {  	_ =	swait.ge [sflag:s12], $0x2800  }
0x12: {  	[sflag:s12] =	ssyncset.done $0x0  }
0x13: {  	[sflag:s12] =	ssyncadd.s32 $0xFFFFD800  }
.LBB2_1:
0x14: {  	s0 =	simm.s32 $0x80;
	s1 =	simm.s32 $0x0  }
.LBB2_2:
0x15: {  	p0 =	sne.s32 s0, $0x9F80;
	[tilespmem:s1+$0xE780] =	vst v1;
	s3 =	smov.u32 s0;
	s0 =	sadd.s32 $0x80, s0  }
.Ltmp2:
0x16: {  	[tilespmem:s1+$0xE790] =	vst v1;
	(pc) =	sbr.rel @p0 .LBB2_2-.Ltmp2, $2  }
0x17: {  	_ =	sdelay $0x2  }
0x18: {  	s1 =	sshra.s32 s3, $0x2  }
0x19: {  	[tilespmem:s1+$0xE780] =	vst v1  }
0x1a: {  	[tilespmem:s1+$0xE790] =	vst v1;
	s0 =	simm.s32 $0x0;
	s30 =	simm.s32 $0x5A00  }
0x1b: {  	[tilespmem:s30], [sflag:$0x3] =	stream.linear.gather [hbm4b:s7+s0], $0x2D00, $0x38;
	[tilespmem:$0x10FA0] =	vst v63  }
0x1c: {  	_ =	swait.ge [sflag:s12], $0x2D00  }
0x1d: {  	[sflag:s12] =	ssyncset.done $0x0  }
0x1e: {  	s31 =	simm.s32 $0x10F90;
	[sflag:s12] =	ssyncadd.s32 $0xFFFFD300  }
0x1f: {  	[tilespmem:s31], [sflag:$0x3] =	stream.linear.gather [hbm4b:s8+s0], $0x10, $0x38;
	[tilespmem:$0x10FA0] =	vst v63  }
0x20: {  	_ =	swait.ge [sflag:s12], $0x10  }
0x21: {  	[sflag:s12] =	ssyncset.done $0x0  }
0x22: {  	s0 =	simm.s32 $0x0;
	[sflag:s12] =	ssyncadd.s32 $0xFFFFFFF0  }
0x23: {  	v3 =	vld [tilespmem:s0+$0x5A00]  }
0x24: {  	s1 =	simm.s32 $0x40;
	v4 =	vld [tilespmem:$0x10F90]  }
.LBB2_4:
0x25: {  	p0 =	sne.s32 s1, $0xB3C0  }
.Ltmp3:
0x26: {  	_ = 	snop;
	(pc) =	sbr.rel @p0 .LBB2_4-.Ltmp3, $4  }
0x27: {  	_ = 	snop  }
0x28: {  	s3 =	sshra.s32 s1, $0x2;
	s1 =	sadd.s32 $0x40, s1;
	v5 =	vshrl.u32 v3, $0xE;
	v6 =	vand.u32 $0x3FFF, v3  }
0x29: {  	v3 =	vld [tilespmem:s3+$0x5A00];
	[tilespmem:s0+$0x2D00] =	vst v6  }
0x2a: {  	[tilespmem:s0+$0x0] =	vst v5;
	s0 =	smov.u32 s3  }
0x2b: {  	(v2sf) =	vpush v4, $0x0;
	_ =	sdelay $0xa  }
0x2c: {  	v5 =	vand.u32 $0x3FFF, v3  }
0x2d: {  	v3 =	vshrl.u32 v3, $0xE;
	[tilespmem:s0+$0x2D00] =	vst v5  }
0x2e: {  	s31 =	rddreg [dreg:$0x1];
	[tilespmem:s0+$0x0] =	vst v3  }
0x2f: {  	[tilespmem:s14], [sflag:$0x3] =	stream.linear.gather [hbm4b:s31+s4], $0x2800, $0x38;
	[tilespmem:$0x10FA0] =	vst v63  }
0x30: {  	s21 =	spop (v2sf)  }
0x31: {  	_ =	swait.ge [sflag:s12], $0x2800  }
0x32: {  	[sflag:s12] =	ssyncset.done $0x0  }
0x33: {  	[sflag:s12] =	ssyncadd.s32 $0xFFFFD800  }
0x34: {  	[tilespmem:s15], [sflag:$0x3] =	stream.linear.gather [hbm4b:s6+s4], $0x2800, $0x38;
	[tilespmem:$0x10FA0] =	vst v63  }
0x35: {  	_ =	swait.ge [sflag:s12], $0x2800  }
0x36: {  	s23 =	simm.s32 $0x2D00;
	[sflag:s12] =	ssyncset.done $0x0  }
0x37: {  	s24 =	simm.s32 $0x80;
	s25 =	simm.s32 $0x2D80;
	[sflag:s12] =	ssyncadd.s32 $0xFFFFD800  }
0x38: {  	[tilespmem:s16], [sflag:$0x3] =	stream.linear.gather [hbm4b:s2+s4], $0x10, $0x38;
	[tilespmem:$0x10FA0] =	vst v63  }
.Ltmp4:
0x39: {  	p0 =	slt.s32 s21, $0x1;
	_ =	swait.ge [sflag:s12], $0x10;
	(pc) =	sbr.rel .LBB2_6-.Ltmp4, $4  }
0x3a: {  	s26 =	simm.s32 $0x80;
	s0 =	simm.s32 @!p0 $0x80;
	[sflag:s12] =	ssyncset.done $0x0  }
0x3b: {  	s1 =	simm.s32 @!p0 $0x0;
	s3 =	simm.s32 @!p0 $0xD700;
	[sflag:s12] =	ssyncadd.s32 $0xFFFFFFF0  }
0x3c: {  	v3 =	vld [tilespmem:$0x10F80];
	[tilespmem:s3], [sflag:$0x1] =	stream.indirect.gather @!p0 [hbm4b:s5+s0], $0x10, s1, s0, $0xb8  }
0x3d: {  	v4 =	vbroadcast v4, $0x0;
	s28 =	simm.s32 $0x0;
	s29 =	simm.s32 $0x0;
	s0 =	simm.s32 $0x0  }
.LBB2_16:
0x3e: {  	s29 =	sadd.s32 $0x1, s29  }
0x3f: {  	p0 =	sne.s32 s29, $0x2D  }
.Ltmp5:
0x40: {  	_ = 	snop;
	(pc) =	sbr.rel @!p0 .LBB2_17-.Ltmp5, $3  }
0x41: {  	_ =	sdelay $0x1  }
0x42: {  	s0 =	sadd.s32 $0x100, s0;
	s23 =	sadd.s32 $0x100, s23;
	s28 =	sadd.s32 $0x100, s28  }
0x43: {  	s24 =	sadd.s32 $0x100, s24;
	s25 =	sadd.s32 $0x100, s25;
	s26 =	sadd.s32 $0x100, s26  }
.LBB2_6:
0x44: {  	s31 =	sshll.u32 s29, $0x8  }
0x45: {  	p1 =	sge.s32 s31, s21  }
0x46: {  	s1 =	simm.s32 @!p1 $0x1  }
0x47: {  	_ =	swait.ge @!p1 [sflag:s1], $0x800  }
0x48: {  	[sflag:s1] =	ssyncset.done @!p1 $0x0  }
0x49: {  	[sflag:s1] =	ssyncadd.s32 @!p1 $0xFFFFF800;
	p1 =	slt.s32 s31, s21  }
.Ltmp6:
0x4a: {  	_ = 	snop;
	(pc) =	sbr.rel @!p1 .LBB2_11-.Ltmp6, $4  }
0x4b: {  	s30 =	sor.u32 $0x80, s31  }
0x4c: {  	p0 =	sge.s32 s30, s21  }
0x4d: {  	s3 =	simm.s32 @!p0 $0xDF00;
	s1 =	simm.s32 @!p0 $0x80  }
0x4e: {  	[tilespmem:s3], [sflag:$0x2] =	stream.indirect.gather @!p0 [hbm4b:s5+s1], $0x10, s30, s1, $0xb8;
	[tilespmem:$0x10FA0] =	vst v63  }
0x4f: {  	s1 =	sadd.s32 $0x0, s23  }
0x50: {  	s3 =	sadd.s32 $0x0, s28;
	v5 =	vld [tilespmem:s1+$0x0]  }
0x51: {  	v6 =	vld [tilespmem:s3+$0x0];
	_ =	sdelay $0x6  }
0x52: {  	v5 =	vld.idx.msk [tilespmem:v5+s15+$0x0], $0xffff  }
0x53: {  	v6 =	vld.idx.msk [tilespmem:v6+s14+$0x0], $0xffff;
	_ =	sdelay $0x4  }
0x54: {  	v5 =	vadd.f32 v5, v6;
	_ =	sdelay $0x1  }
0x55: {  	v6 =	vmul.f32 $2.000000030e-01, v5  }
0x56: {  	vm0 =	vgt.f32 v5, $0.0e+00  }
0x57: {  	v5 =	vsel vm0, v5, v6  }
0x58: {  	v5 =	vsub.f32 v5, v3;
	_ =	sdelay $0x1  }
0x59: {  	v5 =	vmul.f32 $1.442695020e+00, v5;
	_ =	sdelay $0x1  }
0x5a: {  	(erf) = vpow2.f32 v5;
	_ =	sdelay $0x5  }
0x5b: {  	v5 =	vor.u32 s0, v2;
	_ =	sdelay $0x2  }
0x5c: {  	vm15 =	vlt.s32 v5, v4;
	v5 =	vpop (erf)  }
0x5d: {  	s22 =	simm.s32 $0x0;
	s11 =	sadd.s32 $0x10, s23;
	v5 =	vnsel vm15, $0x0, v5  }
0x5e: {  	s1 =	simm.s32 $0x10;
	s3 =	simm.s32 $0x80;
	[tilespmem:s22+$0xE700] =	vst v5;
	s22 =	smov.u32 s0  }
.LBB2_8:
0x5f: {  	p1 =	seq.s32 s3, $0x1C0;
	s13 =	sadd.s32 s1, s28;
	v5 =	vld [tilespmem:s11+$0x0]  }
0x60: {  	v6 =	vld [tilespmem:s13+$0x0];
	_ =	sdelay $0x6  }
0x61: {  	v5 =	vld.idx.msk [tilespmem:v5+s15+$0x0], $0xffff  }
0x62: {  	v6 =	vld.idx.msk [tilespmem:v6+s14+$0x0], $0xffff;
	_ =	sdelay $0x5  }
0x63: {  	v5 =	vadd.f32 v5, v6;
	_ =	sdelay $0x1  }
0x64: {  	v6 =	vmul.f32 $2.000000030e-01, v5  }
0x65: {  	vm0 =	vgt.f32 v5, $0.0e+00  }
0x66: {  	v5 =	vsel vm0, v5, v6  }
0x67: {  	v5 =	vsub.f32 v5, v3;
	_ =	sdelay $0x1  }
0x68: {  	v5 =	vmul.f32 $1.442695020e+00, v5;
	_ =	sdelay $0x1  }
0x69: {  	(erf) = vpow2.f32 v5;
	_ =	sdelay $0x6  }
.Ltmp7:
0x6a: {  	s22 =	sadd.s32 $0x10, s22;
	(pc) =	sbr.rel @!p1 .LBB2_8-.Ltmp7, $4  }
0x6b: {  	v6 =	vor.u32 s22, v2  }
0x6c: {  	vm0 =	vlt.s32 v6, v4;
	v5 =	vpop (erf)  }
0x6d: {  	s13 =	sshra.s32 s3, $0x2;
	v5 =	vnsel vm0, $0x0, v5  }
0x6e: {  	s3 =	sadd.s32 $0x40, s3;
	s11 =	sadd.s32 s13, s23;
	[tilespmem:s1+$0xE700] =	vst v5;
	s1 =	smov.u32 s13  }
0x6f: {  	s3 =	sadd.s32 s1, s28;
	v5 =	vld [tilespmem:s11+$0x0]  }
0x70: {  	v6 =	vld [tilespmem:s3+$0x0];
	_ =	sdelay $0x6  }
0x71: {  	v5 =	vld.idx.msk [tilespmem:v5+s15+$0x0], $0xffff  }
0x72: {  	v6 =	vld.idx.msk [tilespmem:v6+s14+$0x0], $0xffff;
	_ =	sdelay $0x4  }
0x73: {  	v5 =	vadd.f32 v5, v6;
	_ =	sdelay $0x1  }
0x74: {  	v6 =	vmul.f32 $2.000000030e-01, v5  }
0x75: {  	vm0 =	vgt.f32 v5, $0.0e+00  }
0x76: {  	v5 =	vsel vm0, v5, v6  }
0x77: {  	v5 =	vsub.f32 v5, v3;
	_ =	sdelay $0x1  }
0x78: {  	v5 =	vmul.f32 $1.442695020e+00, v5;
	_ =	sdelay $0x1  }
0x79: {  	(erf) = vpow2.f32 v5;
	_ =	sdelay $0x4  }
0x7a: {  	s22 =	sadd.s32 $0x10, s22  }
0x7b: {  	v5 =	vor.u32 s22, v2;
	_ =	sdelay $0x2  }
0x7c: {  	vm15 =	vlt.s32 v5, v4;
	v5 =	vpop (erf)  }
0x7d: {  	v5 =	vnsel vm15, $0x0, v5  }
0x7e: {  	s3 =	simm.s32 $0xD720;
	[tilespmem:s1+$0xE700] =	vst v5;
	v5 =	vmov s31;
	s1 =	simm.s32 $0x0  }
.LBB2_10:
0x7f: {  	v6 =	vor.u32 s1, v5;
	_ =	sdelay $0x4  }
0x80: {  	v7 =	vmov s1;
	v6 =	vld.idx.msk [tilespmem:v6+s17+$0x0], $0xffff;
	_ =	sdelay $0x3  }
0x81: {  	v8 =	vld [tilespmem:s3+$0xFFFFFFE0]  }
0x82: {  	v7 =	vld.idx.msk [tilespmem:v7+s18+$0x0], $0xffff;
	v6 =	vsub.s32 v6, v0  }
0x83: {  	v6 =	vshll.u32 v6, $0x5  }
0x84: {  	v9 =	vor.u32 v2, v6  }
0x85: {  	s11 =	sadd.s32 $0x1, s1;
	v6 =	vor.u32 $0x10, v6  }
0x86: {  	v10 =	vor.u32 s11, v5  }
0x87: {  	v8 =	vmul.f32 v8, v7;
	_ =	sdelay $0x1  }
0x88: {  	[tilespmem:v9+s19+$0x0] =	vst.idx.add.f32.msk $0xffff, v8  }
0x89: {  	[tilespmem:v6+s19+$0x0] =	vst.idx.add.f32.msk $0x1, v7  }
0x8a: {  	v6 =	vmov s11;
	v7 =	vld.idx.msk [tilespmem:v10+s17+$0x0], $0xffff;
	_ =	sdelay $0x3  }
0x8b: {  	v8 =	vld [tilespmem:s3+$0xFFFFFFF0]  }
0x8c: {  	v6 =	vld.idx.msk [tilespmem:v6+s18+$0x0], $0xffff;
	v7 =	vsub.s32 v7, v0  }
0x8d: {  	v7 =	vshll.u32 v7, $0x5  }
0x8e: {  	v59 =	vor.u32 v2, v7  }
0x8f: {  	s13 =	sadd.s32 $0x2, s1;
	v7 =	vor.u32 $0x10, v7  }
0x90: {  	v60 =	vor.u32 s13, v5  }
0x91: {  	v8 =	vmul.f32 v8, v6;
	_ =	sdelay $0x1  }
0x92: {  	[tilespmem:v59+s19+$0x0] =	vst.idx.add.f32.msk $0xffff, v8  }
0x93: {  	[tilespmem:v7+s19+$0x0] =	vst.idx.add.f32.msk $0x1, v6  }
0x94: {  	v6 =	vmov s13;
	v7 =	vld.idx.msk [tilespmem:v60+s17+$0x0], $0xffff;
	_ =	sdelay $0x3  }
0x95: {  	v8 =	vld [tilespmem:s3+$0x0]  }
0x96: {  	v6 =	vld.idx.msk [tilespmem:v6+s18+$0x0], $0xffff;
	v7 =	vsub.s32 v7, v0  }
0x97: {  	v7 =	vshll.u32 v7, $0x5  }
0x98: {  	v61 =	vor.u32 v2, v7  }
0x99: {  	s22 =	sadd.s32 $0x3, s1;
	v7 =	vor.u32 $0x10, v7  }
0x9a: {  	v62 =	vor.u32 s22, v5  }
0x9b: {  	v8 =	vmul.f32 v8, v6;
	_ =	sdelay $0x1  }
0x9c: {  	[tilespmem:v61+s19+$0x0] =	vst.idx.add.f32.msk $0xffff, v8  }
0x9d: {  	[tilespmem:v7+s19+$0x0] =	vst.idx.add.f32.msk $0x1, v6  }
0x9e: {  	v6 =	vmov s22;
	v7 =	vld.idx.msk [tilespmem:v62+s17+$0x0], $0xffff;
	_ =	sdelay $0x3  }
0x9f: {  	v8 =	vld [tilespmem:s3+$0x10]  }
0xa0: {  	v6 =	vld.idx.msk [tilespmem:v6+s18+$0x0], $0xffff;
	v7 =	vsub.s32 v7, v0  }
0xa1: {  	v7 =	vshll.u32 v7, $0x5  }
0xa2: {  	v63 =	vor.u32 v2, v7  }
0xa3: {  	p1 =	slt.u32 s1, $0x7C;
	v7 =	vor.u32 $0x10, v7  }
.Ltmp8:
0xa4: {  	_ = 	snop;
	(pc) =	sbr.rel @p1 .LBB2_10-.Ltmp8, $3  }
0xa5: {  	v8 =	vmul.f32 v8, v6;
	_ =	sdelay $0x1  }
0xa6: {  	[tilespmem:v63+s19+$0x0] =	vst.idx.add.f32.msk $0xffff, v8  }
0xa7: {  	s1 =	sadd.s32 $0x4, s1;
	s3 =	sadd.s32 $0x40, s3;
	[tilespmem:v7+s19+$0x0] =	vst.idx.add.f32.msk $0x1, v6  }
.LBB2_11:
0xa8: {  	s1 =	simm.s32 @!p0 $0x2  }
0xa9: {  	_ =	swait.ge @!p0 [sflag:s1], $0x800  }
0xaa: {  	[sflag:s1] =	ssyncset.done @!p0 $0x0  }
0xab: {  	[sflag:s1] =	ssyncadd.s32 @!p0 $0xFFFFF800;
	p0 =	slt.s32 s30, s21  }
.Ltmp9:
0xac: {  	_ = 	snop;
	(pc) =	sbr.rel @!p0 .LBB2_16-.Ltmp9, $4  }
0xad: {  	s3 =	sadd.s32 $0x100, s31  }
0xae: {  	p1 =	sge.s32 s3, s21  }
0xaf: {  	s11 =	simm.s32 @!p1 $0xD700;
	s1 =	simm.s32 @!p1 $0x80  }
0xb0: {  	[tilespmem:s11], [sflag:$0x1] =	stream.indirect.gather @!p1 [hbm4b:s5+s1], $0x10, s3, s1, $0xb8;
	[tilespmem:$0x10FA0] =	vst v63  }
0xb1: {  	s1 =	sadd.s32 $0x0, s25  }
0xb2: {  	s3 =	sadd.s32 $0x0, s26;
	v5 =	vld [tilespmem:s1+$0x0]  }
0xb3: {  	v6 =	vld [tilespmem:s3+$0x0];
	_ =	sdelay $0x6  }
0xb4: {  	v5 =	vld.idx.msk [tilespmem:v5+s15+$0x0], $0xffff  }
0xb5: {  	v6 =	vld.idx.msk [tilespmem:v6+s14+$0x0], $0xffff;
	_ =	sdelay $0x4  }
0xb6: {  	v5 =	vadd.f32 v5, v6;
	_ =	sdelay $0x1  }
0xb7: {  	v6 =	vmul.f32 $2.000000030e-01, v5  }
0xb8: {  	vm0 =	vgt.f32 v5, $0.0e+00  }
0xb9: {  	v5 =	vsel vm0, v5, v6  }
0xba: {  	v5 =	vsub.f32 v5, v3;
	_ =	sdelay $0x1  }
0xbb: {  	v5 =	vmul.f32 $1.442695020e+00, v5;
	_ =	sdelay $0x1  }
0xbc: {  	(erf) = vpow2.f32 v5;
	_ =	sdelay $0x5  }
0xbd: {  	v5 =	vor.u32 s24, v2;
	_ =	sdelay $0x2  }
0xbe: {  	vm15 =	vlt.s32 v5, v4;
	v5 =	vpop (erf)  }
0xbf: {  	s13 =	simm.s32 $0x0;
	s11 =	sadd.s32 $0x10, s25;
	v5 =	vnsel vm15, $0x0, v5  }
0xc0: {  	s22 =	smov.u32 s24;
	s1 =	simm.s32 $0x10;
	s3 =	simm.s32 $0x80;
	[tilespmem:s13+$0xE700] =	vst v5  }
.LBB2_13:
0xc1: {  	p0 =	seq.s32 s3, $0x1C0;
	s13 =	sadd.s32 s1, s26;
	v5 =	vld [tilespmem:s11+$0x0]  }
0xc2: {  	v6 =	vld [tilespmem:s13+$0x0];
	_ =	sdelay $0x6  }
0xc3: {  	v5 =	vld.idx.msk [tilespmem:v5+s15+$0x0], $0xffff  }
0xc4: {  	v6 =	vld.idx.msk [tilespmem:v6+s14+$0x0], $0xffff;
	_ =	sdelay $0x5  }
0xc5: {  	v5 =	vadd.f32 v5, v6;
	_ =	sdelay $0x1  }
0xc6: {  	v6 =	vmul.f32 $2.000000030e-01, v5  }
0xc7: {  	vm0 =	vgt.f32 v5, $0.0e+00  }
0xc8: {  	v5 =	vsel vm0, v5, v6  }
0xc9: {  	v5 =	vsub.f32 v5, v3;
	_ =	sdelay $0x1  }
0xca: {  	v5 =	vmul.f32 $1.442695020e+00, v5;
	_ =	sdelay $0x1  }
0xcb: {  	(erf) = vpow2.f32 v5;
	_ =	sdelay $0x6  }
.Ltmp10:
0xcc: {  	s22 =	sadd.s32 $0x10, s22;
	(pc) =	sbr.rel @!p0 .LBB2_13-.Ltmp10, $4  }
0xcd: {  	v6 =	vor.u32 s22, v2  }
0xce: {  	vm0 =	vlt.s32 v6, v4;
	v5 =	vpop (erf)  }
0xcf: {  	s13 =	sshra.s32 s3, $0x2;
	v5 =	vnsel vm0, $0x0, v5  }
0xd0: {  	s3 =	sadd.s32 $0x40, s3;
	s11 =	sadd.s32 s13, s25;
	[tilespmem:s1+$0xE700] =	vst v5;
	s1 =	smov.u32 s13  }
0xd1: {  	s3 =	sadd.s32 s1, s26;
	v5 =	vld [tilespmem:s11+$0x0]  }
0xd2: {  	v6 =	vld [tilespmem:s3+$0x0];
	_ =	sdelay $0x6  }
0xd3: {  	v5 =	vld.idx.msk [tilespmem:v5+s15+$0x0], $0xffff  }
0xd4: {  	v6 =	vld.idx.msk [tilespmem:v6+s14+$0x0], $0xffff;
	_ =	sdelay $0x4  }
0xd5: {  	v5 =	vadd.f32 v5, v6;
	_ =	sdelay $0x1  }
0xd6: {  	v6 =	vmul.f32 $2.000000030e-01, v5  }
0xd7: {  	vm0 =	vgt.f32 v5, $0.0e+00  }
0xd8: {  	v5 =	vsel vm0, v5, v6  }
0xd9: {  	v5 =	vsub.f32 v5, v3;
	_ =	sdelay $0x1  }
0xda: {  	v5 =	vmul.f32 $1.442695020e+00, v5;
	_ =	sdelay $0x1  }
0xdb: {  	(erf) = vpow2.f32 v5;
	_ =	sdelay $0x4  }
0xdc: {  	s31 =	sadd.s32 $0x10, s22  }
0xdd: {  	v5 =	vor.u32 s31, v2;
	_ =	sdelay $0x2  }
0xde: {  	vm15 =	vlt.s32 v5, v4;
	v5 =	vpop (erf)  }
0xdf: {  	v5 =	vnsel vm15, $0x0, v5  }
0xe0: {  	s3 =	simm.s32 $0xDF30;
	[tilespmem:s1+$0xE700] =	vst v5;
	v5 =	vmov s30;
	s1 =	simm.s32 $0x0  }
.LBB2_15:
0xe1: {  	v6 =	vor.u32 s1, v5;
	_ =	sdelay $0x4  }
0xe2: {  	v7 =	vmov s1;
	v6 =	vld.idx.msk [tilespmem:v6+s17+$0x0], $0xffff;
	_ =	sdelay $0x3  }
0xe3: {  	v8 =	vld [tilespmem:s3+$0xFFFFFFD0]  }
0xe4: {  	v7 =	vld.idx.msk [tilespmem:v7+s18+$0x0], $0xffff;
	v6 =	vsub.s32 v6, v0  }
0xe5: {  	v6 =	vshll.u32 v6, $0x5  }
0xe6: {  	v9 =	vor.u32 v2, v6  }
0xe7: {  	s11 =	sadd.s32 $0x1, s1;
	v6 =	vor.u32 $0x10, v6  }
0xe8: {  	v10 =	vor.u32 s11, v5  }
0xe9: {  	v8 =	vmul.f32 v8, v7;
	_ =	sdelay $0x1  }
0xea: {  	[tilespmem:v9+s19+$0x0] =	vst.idx.add.f32.msk $0xffff, v8  }
0xeb: {  	[tilespmem:v6+s19+$0x0] =	vst.idx.add.f32.msk $0x1, v7  }
0xec: {  	v6 =	vmov s11;
	v7 =	vld.idx.msk [tilespmem:v10+s17+$0x0], $0xffff;
	_ =	sdelay $0x3  }
0xed: {  	v8 =	vld [tilespmem:s3+$0xFFFFFFE0]  }
0xee: {  	v6 =	vld.idx.msk [tilespmem:v6+s18+$0x0], $0xffff;
	v7 =	vsub.s32 v7, v0  }
0xef: {  	v7 =	vshll.u32 v7, $0x5  }
0xf0: {  	v59 =	vor.u32 v2, v7  }
0xf1: {  	s30 =	sadd.s32 $0x2, s1;
	v7 =	vor.u32 $0x10, v7  }
0xf2: {  	v60 =	vor.u32 s30, v5  }
0xf3: {  	v8 =	vmul.f32 v8, v6;
	_ =	sdelay $0x1  }
0xf4: {  	[tilespmem:v59+s19+$0x0] =	vst.idx.add.f32.msk $0xffff, v8  }
0xf5: {  	[tilespmem:v7+s19+$0x0] =	vst.idx.add.f32.msk $0x1, v6  }
0xf6: {  	v6 =	vmov s30;
	v7 =	vld.idx.msk [tilespmem:v60+s17+$0x0], $0xffff;
	_ =	sdelay $0x3  }
0xf7: {  	v8 =	vld [tilespmem:s3+$0xFFFFFFF0]  }
0xf8: {  	v6 =	vld.idx.msk [tilespmem:v6+s18+$0x0], $0xffff;
	v7 =	vsub.s32 v7, v0  }
0xf9: {  	v7 =	vshll.u32 v7, $0x5  }
0xfa: {  	v61 =	vor.u32 v2, v7  }
0xfb: {  	s31 =	sadd.s32 $0x3, s1;
	v7 =	vor.u32 $0x10, v7  }
0xfc: {  	v62 =	vor.u32 s31, v5  }
0xfd: {  	v8 =	vmul.f32 v8, v6;
	_ =	sdelay $0x1  }
0xfe: {  	[tilespmem:v61+s19+$0x0] =	vst.idx.add.f32.msk $0xffff, v8  }
0xff: {  	[tilespmem:v7+s19+$0x0] =	vst.idx.add.f32.msk $0x1, v6  }
0x100: {  	v6 =	vmov s31;
	v7 =	vld.idx.msk [tilespmem:v62+s17+$0x0], $0xffff;
	_ =	sdelay $0x3  }
0x101: {  	v8 =	vld [tilespmem:s3+$0x0]  }
0x102: {  	v6 =	vld.idx.msk [tilespmem:v6+s18+$0x0], $0xffff;
	v7 =	vsub.s32 v7, v0  }
0x103: {  	v7 =	vshll.u32 v7, $0x5  }
0x104: {  	v63 =	vor.u32 v2, v7  }
0x105: {  	p0 =	slt.u32 s1, $0x7C;
	v7 =	vor.u32 $0x10, v7  }
.Ltmp11:
0x106: {  	_ = 	snop;
	(pc) =	sbr.rel @p0 .LBB2_15-.Ltmp11, $3  }
0x107: {  	v8 =	vmul.f32 v8, v6;
	_ =	sdelay $0x1  }
0x108: {  	[tilespmem:v63+s19+$0x0] =	vst.idx.add.f32.msk $0xffff, v8  }
0x109: {  	s1 =	sadd.s32 $0x4, s1;
	s3 =	sadd.s32 $0x40, s3;
	[tilespmem:v7+s19+$0x0] =	vst.idx.add.f32.msk $0x1, v6  }
.Ltmp12:
0x10a: {  	_ = 	snop;
	(pc) =	sbr.rel .LBB2_16-.Ltmp12, $1  }
0x10b: {  	_ =	sdelay $0x3  }
.LBB2_18:
0x10c: {  	_ =	sfence.sel $0x180000  }
0x10d: {  	[bflag:$0x0] =	sbarrier.arrive $0xFFFF  }
0x10e: {  	_ =	strace $0x9000004A  }
0x10f: {  	s0 =	stileid.u32;
	[bflag:$0x2] =	sbarrier.arrive $0xFFFF  }
0x110: {  	p0 =	sne.s32 s0, $0x0;
	s0 =	rddreg [dreg:$0x2]  }
0x111: {  	s0 =	sadd.s32 @!p0 $0x100000, s0  }
0x112: {  	[sflag:s0] =	ssyncadd.tile.s32 @!p0 $0x1;
	_ =	shalt  }
.Lfunc_end2:
_tile_overlayer_lowered:
.L_overlay_start_2:
0x113: {  	(tag) =	ssettag $0x2  }
0x114: {  	s0 =	rddreg [dreg:$0x0];
	s2 =	stileid.u32  }
0x115: {  	s1 =	rddreg [dreg:$0x1];
	p0 =	sne.s32 s2, $0x0  }
0x116: {  	s3 =	rddreg [dreg:$0x2];
	[bflag:$0x3] =	sbarrier.arrive $0xFFFF;
	s2 =	simm.s32 @!p0 $0x1C03  }
0x117: {  	[timem:s3], [sflag:s2] =	dma.local @!p0 [hbm:s0], s1  }
0x118: {  	s0 =	simm.s32 @!p0 $0x3  }
0x119: {  	_ =	swait.ge @!p0 [sflag:s0], s1  }
0x11a: {  	s1 =	ssub.s32 @!p0 $0x0, s1;
	[sflag:s0] =	ssyncset.done @!p0 $0x0  }
0x11b: {  	[sflag:s0] =	ssyncadd.s32 @!p0 s1  }
0x11c: {  	[bflag:$0x3] =	sbarrier.arrive $0xFFFF  }
0x11d: {  	_ =	shalt  }

// kernel: kernel.7.cloned.1.call-start
scs
__scs_entry_jumppad:
0x0: {  	(pc) =	sbr.rel $0x88, $3  }
0x1: {  	(tag) =	ssettag $0x0;
	lr =	simm.s32 $0x1  }
0x2: {  	[smem:$0x3F97] =	sst lr;
	_ =	strace $0xD0000000  }
0x3: {  	_ = 	snop  }
0x4: {  	_ = 	snop  }
0x5: {  	_ = 	snop  }
0x6: {  	_ = 	snop  }
0x7: {  	_ = 	snop  }
__scs_overlays_trampoline_lowered:
0x8: {  	[smem:$0x3FA6] =	sst s0  }
0x9: {  	[smem:$0x3FA7] =	sst s1  }
0xa: {  	[smem:$0x3FA8] =	sst s2  }
0xb: {  	[smem:$0x3FA9] =	sst s3  }
0xc: {  	[smem:$0x3FAA] =	sst s4  }
0xd: {  	[smem:$0x3FAB] =	sst s5  }
0xe: {  	[smem:$0x3FAC] =	sst s6  }
0xf: {  	[smem:$0x3FAD] =	sst s7  }
0x10: {  	[smem:$0x3FAE] =	sst s8  }
0x11: {  	[smem:$0x3FAF] =	sst s9;
	s0 =	simm.s32 @!p0 $0x0  }
0x12: {  	s1 =	sld [smem:$0x3F95];
	s0 =	simm.s32 @p0 $0x1  }
0x13: {  	[smem:$0x3FB0] =	sst s0;
	s0 =	simm.s32 @!p1 $0x0  }
0x14: {  	s2 =	sld [smem:$0x3F94];
	s0 =	simm.s32 @p1 $0x1  }
0x15: {  	[smem:$0x3FB1] =	sst s0;
	s0 =	simm.s32 @!p2 $0x0  }
0x16: {  	s3 =	sld [smem:$0x3FDB];
	s0 =	simm.s32 @p2 $0x1  }
0x17: {  	s4 =	simm.s32 $0x1BF5;
	[smem:$0x3FB3] =	sst s0  }
0x18: {  	s0 =	sld [smem:$0x3F96];
	_ =	swait.ge [sflag:s4], $0x0  }
0x19: {  	s7 =	sld [smem:$0x3F97]  }
0x1a: {  	s8 =	sadd.s32 $0xFFFFE003, lr  }
0x1b: {  	s9 =	sadd.s32 $0xFFFFFEF7, lr;
	s5 =	simm.s32 $0xFFFFFFFF;
	p2 =	slt.u32 s8, $0xFFFFF086  }
0x1c: {  	p1 =	slt.u32 s9, $0xF7A;
	s5 =	simm.s32 @!p2 $0x0  }
0x1d: {  	s5 =	simm.s32 @p1 $0x1;
	p0 =	seq.s32 s7, s2  }
0x1e: {  	s7 =	smul.u32 @!p0 $0xF7A, s2;
	p2 =	seq.s32 @!p0 s5, $0x0  }
0x1f: {  	s9 =	smul.u32 $0xF7A, s1;
	s8 =	simm.s32 @!p0 $0x1BF5;
	p2 =	por !p2, p0  }
0x20: {  	[sflag:s8] =	ssyncset.s32 @!p0 $0xFFFFF086;
	s6 =	sadd.s32 @!p0 s3, s7;
	s7 =	simm.s32 @!p0 $0x108  }
0x21: {  	s3 =	sadd.s32 s3, s9;
	s6 =	sadd.s32 @!p0 $0x88, s6;
	s7 =	simm.s32 @p2 $0x1082  }
0x22: {  	[simem:s7], [sflag:s8] =	dma.local @!p0 [hbm:s6], $0xF7A  }
0x23: {  	s9 =	sor.u32 $0xD0000000, s2;
	s6 =	simm.s32 $0x108;
	_ =	swait.ge @!p0 [sflag:s8], $0x0  }
0x24: {  	s3 =	sadd.s32 $0x88, s3;
	s6 =	simm.s32 @!p1 $0x1082;
	[sflag:s4] =	ssyncset.s32 $0xFFFFF086  }
0x25: {  	[simem:s6], [sflag:s4] =	dma.local [hbm:s3], $0xF7A  }
0x26: {  	[smem:$0x3F97] =	sst s1;
	(tag) =	ssettag s2;
	_ =	strace s9  }
0x27: {  	s1 =	sld [smem:$0x3FA7]  }
0x28: {  	s2 =	sld [smem:$0x3FA8]  }
0x29: {  	s4 =	sld [smem:$0x3FAA]  }
0x2a: {  	p0 =	seq.s32 s5, $0x0;
	s5 =	sld [smem:$0x3FAB]  }
0x2b: {  	s6 =	sld [smem:$0x3FAC]  }
0x2c: {  	s7 =	sld [smem:$0x3FAD]  }
0x2d: {  	s3 =	simm.s32 $0x108;
	s8 =	sld [smem:$0x3FAE]  }
0x2e: {  	s3 =	simm.s32 @!p0 $0x1082;
	s9 =	sld [smem:$0x3FAF]  }
0x2f: {  	lr =	sadd.s32 s0, s3;
	s0 =	sld [smem:$0x3FA6]  }
0x30: {  	s3 =	sld [smem:$0x3FA9]  }
0x31: {  	[smem:$0x3FB2] =	sst s10  }
0x32: {  	s10 =	sld [smem:$0x3FB0];
	_ =	sdelay $0x3  }
0x33: {  	p0 =	seq.s32 s10, $0x1;
	s10 =	sld [smem:$0x3FB2];
	_ =	sdelay $0x3  }
0x34: {  	[smem:$0x3FB2] =	sst s10  }
0x35: {  	s10 =	sld [smem:$0x3FB1];
	_ =	sdelay $0x3  }
0x36: {  	p1 =	seq.s32 s10, $0x1;
	s10 =	sld [smem:$0x3FB2];
	_ =	sdelay $0x3  }
0x37: {  	[smem:$0x3FB2] =	sst s10  }
0x38: {  	s10 =	sld [smem:$0x3FB3]  }
0x39: {  	_ = 	snop;
	(pc) =	sbr.ind lr, $3  }
0x3a: {  	_ = 	snop  }
0x3b: {  	_ = 	snop  }
0x3c: {  	p2 =	seq.s32 s10, $0x1;
	s10 =	sld [smem:$0x3FB2]  }
0x3d: {  	_ =	shalt  }
0x3e: {  	_ =	shalt  }
0x3f: {  	_ =	shalt  }
0x40: {  	_ =	shalt  }
0x41: {  	_ =	shalt  }
0x42: {  	_ =	shalt  }
0x43: {  	_ =	shalt  }
0x44: {  	_ =	shalt  }
0x45: {  	_ =	shalt  }
0x46: {  	_ =	shalt  }
0x47: {  	_ =	shalt  }
0x48: {  	_ =	shalt  }
0x49: {  	_ =	shalt  }
0x4a: {  	_ =	shalt  }
0x4b: {  	_ =	shalt  }
0x4c: {  	_ =	shalt  }
0x4d: {  	_ =	shalt  }
0x4e: {  	_ =	shalt  }
0x4f: {  	_ =	shalt  }
0x50: {  	_ =	shalt  }
0x51: {  	_ =	shalt  }
0x52: {  	_ =	shalt  }
0x53: {  	_ =	shalt  }
0x54: {  	_ =	shalt  }
0x55: {  	_ =	shalt  }
0x56: {  	_ =	shalt  }
0x57: {  	_ =	shalt  }
0x58: {  	_ =	shalt  }
0x59: {  	_ =	shalt  }
0x5a: {  	_ =	shalt  }
0x5b: {  	_ =	shalt  }
0x5c: {  	_ =	shalt  }
0x5d: {  	_ =	shalt  }
0x5e: {  	_ =	shalt  }
0x5f: {  	_ =	shalt  }
0x60: {  	_ =	shalt  }
0x61: {  	_ =	shalt  }
0x62: {  	_ =	shalt  }
0x63: {  	_ =	shalt  }
0x64: {  	_ =	shalt  }
0x65: {  	_ =	shalt  }
0x66: {  	_ =	shalt  }
0x67: {  	_ =	shalt  }
0x68: {  	_ =	shalt  }
0x69: {  	_ =	shalt  }
0x6a: {  	_ =	shalt  }
0x6b: {  	_ =	shalt  }
0x6c: {  	_ =	shalt  }
0x6d: {  	_ =	shalt  }
0x6e: {  	_ =	shalt  }
0x6f: {  	_ =	shalt  }
0x70: {  	_ =	shalt  }
0x71: {  	_ =	shalt  }
0x72: {  	_ =	shalt  }
0x73: {  	_ =	shalt  }
0x74: {  	_ =	shalt  }
0x75: {  	_ =	shalt  }
0x76: {  	_ =	shalt  }
0x77: {  	_ =	shalt  }
0x78: {  	_ =	shalt  }
0x79: {  	_ =	shalt  }
0x7a: {  	_ =	shalt  }
0x7b: {  	_ =	shalt  }
0x7c: {  	_ =	shalt  }
0x7d: {  	_ =	shalt  }
0x7e: {  	_ =	shalt  }
0x7f: {  	_ =	shalt  }
0x80: {  	_ =	shalt  }
0x81: {  	_ =	shalt  }
0x82: {  	_ =	shalt  }
0x83: {  	_ =	shalt  }
0x84: {  	_ =	shalt  }
0x85: {  	_ =	shalt  }
0x86: {  	_ =	shalt  }
0x87: {  	_ =	shalt  }
.Lfunc_end0:
.L_simem_size_0:
called_computation_lowered:
.L_overlay_start_0:
0x88: {  	s2 =	sld [smem:$0x3FD9]  }
0x89: {  	s3 =	sld [smem:$0x3FFE];
	_ =	sdelay $0x1  }
0x8a: {  	s1 =	srdreg.scid  }
0x8b: {  	s0 =	sand.u32 $0x1, s1  }
0x8c: {  	s17 =	sshll.u32 s0, $0xA;
	s2 =	sadd.s32 s3, s2  }
0x8d: {  	s2 =	sadd.s32 s2, s17  }
0x8e: {  	[smem:$0x3FBE] =	sst s2  }
0x8f: {  	_ = 	snop  }
0x90: {  	s2 =	sld [smem:$0x3FD0];
	(tm) =	ssettm $0x1  }
0x91: {  	s18 =	sld [smem:$0x3FFB];
	_ =	sdelay $0x3  }
0x92: {  	_ =	strace s18  }
0x93: {  	s3 =	sld [smem:$0x3FFC];
	_ =	sdelay $0x3  }
0x94: {  	_ =	strace s3  }
0x95: {  	s3 =	sld [smem:$0x3FFD];
	_ =	sdelay $0x3  }
0x96: {  	_ =	strace s3  }
0x97: {  	_ =	strace $0x8FFFFFFF  }
0x98: {  	s19 =	sld [smem:$0x3FDB];
	_ =	sdelay $0x1  }
0x99: {  	s4 =	simm.s32 $_scs_section_size  }
0x9a: {  	s5 =	simm.s32 $_size__tile_overlayer_lowered;
	s6 =	simm.s32 $_tile_overlayer_lowered  }
0x9b: {  	s22 =	simm.s32 $0x1BFF;
	s21 =	sshll.u32 s6, $0x1;
	s3 =	sadd.s32 s4, s19  }
0x9c: {  	s7 =	simm.s32 $0x0;
	s20 =	sshll.u32 s5, $0x1;
	s5 =	sadd.s32 s21, s3  }
0x9d: {  	[timem:s7], [sflag:s22] =	dma.local [hbm:s5], s20  }
0x9e: {  	_ =	swait.ge [sflag:s22], s20  }
0x9f: {  	s4 =	ssub.s32 $0x0, s20;
	[sflag:s22] =	ssyncset.done $0x0  }
0xa0: {  	[sflag:s22] =	ssyncadd.s32 s4;
	_ =	sdelay $0x1  }
0xa1: {  	s23 =	simm.s32 $0x1B8B  }
0xa2: {  	_ =	swait.ge [sflag:s23], $0x1  }
0xa3: {  	[sflag:s23] =	ssyncset.done $0x0  }
0xa4: {  	s25 =	simm.s32 $0x1B8E;
	s24 =	sld [smem:$0x3FFE];
	[sflag:s23] =	ssyncadd.s32 $0xFFFFFFFF  }
0xa5: {  	s26 =	simm.s32 $execute0_lowered;
	[smem:$0x3FD2] =	sst s25  }
0xa6: {  	s5 =	sshll.u32 s26, $0x1;
	_ =	strace $0x80000046;
	[dreg:$0x1] =	wrdreg $0xFFFFFFFF  }
0xa7: {  	s28 =	simm.s32 $_size_execute0_lowered;
	s3 =	sadd.s32 s3, s5;
	[dreg:$0x0] =	wrdreg $0x0  }
0xa8: {  	s5 =	sshll.u32 s28, $0x1;
	[dreg:$0x2] =	wrdreg s3  }
0xa9: {  	[dreg:$0x3] =	wrdreg s5  }
0xaa: {  	[dreg:$0x4] =	wrdreg $0xC0  }
0xab: {  	_ =	task [dreg:s7], $0x5FFFF  }
0xac: {  	[dreg:$0x1] =	wrdreg $0xFFFFFFFF  }
0xad: {  	[dreg:$0x0] =	wrdreg $0x60  }
0xae: {  	[dreg:$0x2] =	wrdreg s24  }
0xaf: {  	[dreg:$0x3] =	wrdreg s2  }
0xb0: {  	[dreg:$0x4] =	wrdreg $0x9  }
0xb1: {  	_ =	task.clear_ibuf [dreg:s7], $0x5FFFF;
	_ =	strace $0x90000046  }
0xb2: {  	s29 =	simm.s32 $0x9;
	_ =	strace $0x80000048  }
0xb3: {  	_ =	swait.ge [sflag:s29], $0x1  }
0xb4: {  	[sflag:s29] =	ssyncadd.s32 $0xFFFFFFFF  }
0xb5: {  	_ =	strace $0x90000048  }
0xb6: {  	_ =	sfence  }
0xb7: {  	s30 =	sld [smem:$0x0];
	_ =	sdelay $0x2  }
0xb8: {  	s31 =	sshll.u32 s1, $0xD;
	s1 =	sshrl.u32 s1, $0x2  }
0xb9: {  	s3 =	sand.u32 $0x4000, s31;
	s1 =	sadd.s32 s1, s30  }
0xba: {  	s0 =	sor.u32 s3, s0;
	s1 =	sshll.u32 s1, $0x11  }
0xbb: {  	s0 =	sor.u32 s1, s0  }
0xbc: {  	s0 =	sadd.s32 $0x8F2B, s0  }
0xbd: {  	[sflag:s0] =	ssyncadd.remote.s32 $0x1  }
0xbe: {  	_ =	sfence.sel $0xFFFF  }
0xbf: {  	[dreg:$0x0] =	wrdreg $0xFFFFFFFF;
	(pc) =	sbr.abs _section_cstart, $3  }
0xc0: {  	[dreg:$0x1] =	wrdreg $0xFFFFFFFF  }
0xc1: {  	_ =	task.clear_ibuf [dreg:s7], $0x2FFFF;
	_ =	strace $0x9FFFFFFF  }
0xc2: {  	(tm) =	ssettm $0x7FFFFFFF  }
0xc3: {  	_ =	shalt  }
tec
execute0_lowered:
.L_overlay_start_1:
0x0: {  	(tag) =	ssettag $0x1  }
0x1: {  	s0 =	rddreg [dreg:$0x0]  }
0x2: {  	s1 =	rddreg [dreg:$0x1];
	s2 =	srdreg.scid;
	s3 =	simm.s32 $0x0  }
0x3: {  	s5 =	stileid.u32;
	s15 =	simm.s32 $0xFD00;
	s16 =	simm.s32 $0xF300  }
0x4: {  	s17 =	simm.s32 $0x3;
	s20 =	simm.s32 $0x800;
	s21 =	simm.s32 $0x1800  }
0x5: {  	s22 =	simm.s32 $0x1;
	s23 =	simm.s32 $0x2;
	s28 =	simm.s32 $0xA700  }
0x6: {  	v0 =	vimm.s32 $0x8B8A8988;
	s29 =	simm.s32 $0xEF00;
	s30 =	simm.s32 $0xAB00;
	s2 =	sand.u32 $0x1, s2  }
0x7: {  	v1 =	vimm.s32 $0x8F8E8D8C;
	v2 =	vimm.s32 $0x43424140;
	s31 =	simm.s32 $0x0;
	[smem:$0x7FF] =	sst s3;
	s4 =	sshll.u32 s2, $0x4  }
0x8: {  	v3 =	vimm.s32 $0x47464544;
	vm0 =	vcmask $0x1F10;
	s6 =	sadd.s32 $0x2A00, s0;
	s9 =	sadd.s32 $0x2800, s0;
	s7 =	sor.u32 s5, s4  }
0x9: {  	v4 =	vlaneseq.u32;
	vm1 =	vmmov $0x1;
	v0 =	vunpack.c.0.s8.s32 v0;
	_ =	strace $0x80000047;
	[dreg:$0x3] =	wrdreg s9;
	s8 =	smul.u32 $0xB40, s7  }
0xa: {  	v1 =	vunpack.c.0.s8.s32 v1;
	v2 =	vunpack.c.0.s8.s32 v2;
	v3 =	vunpack.c.0.s8.s32 v3;
	s2 =	ssub.s32 $0x2, s2;
	s9 =	sadd.s32 $0x20F00, s0;
	s24 =	smul.u32 $0x5A0, s7  }
0xb: {  	v5 =	vshrl.u32 v4, $0x3;
	v7 =	vand.u32 $0x7, v4;
	v9 =	vor.u32 $0x10, v4;
	s4 =	sadd.s32 $0x20E00, s0;
	s5 =	sadd.s32 $0x16A00, s0;
	s13 =	smul.u32 $0x140, s7  }
.Ltmp0:
0xc: {  	v11 =	vor.u32 $0x20, v4;
	v13 =	vor.u32 $0x30, v4;
	v6 =	vmul.u32 $0x8, v5;
	s25 =	sshrl.u32 s2, $0x1;
	s10 =	sshll.u32 s7, $0x1;
	(pc) =	sbr.rel .LBB2_1-.Ltmp0, $4  }
0xd: {  	v8 =	vor.u32 $0x2, v5;
	v0 =	vsel vm0, v1, v0;
	v1 =	vsel vm0, v3, v2;
	s2 =	ssub.s32 s2, s25;
	s11 =	sadd.s32 s10, s0;
	s10 =	sadd.s32 $0x16B00, s0  }
0xe: {  	v10 =	vor.u32 $0x4, v5;
	v12 =	vor.u32 $0x6, v5;
	v3 =	vcombine.low v1, v0;
	s14 =	smax.u32 s2, $0x1;
	s8 =	sadd.s32 s8, s0;
	s26 =	sadd.s32 s0, s13  }
0xf: {  	v14 =	vor.u32 $0x40, v7;
	v2 =	vimm.f32 $0.0e+00;
	vm0 =	vmxor vm0, vm0;
	s12 =	sadd.s32 s24, s0;
	s11 =	sadd.s32 $0x4CE00, s11;
	[dreg:$0x4] =	wrdreg s26  }
0x10: {  	v1 =	vmov s7;
	v0 =	vmov s13;
	v3 =	vand.u32 $0xFF, v3;
	s12 =	sadd.s32 $0x41A00, s12;
	s13 =	sadd.s32 $0x2B200, s8;
	s26 =	simm.s32 $0x4D00  }
.LBB2_26:
0x11: {  	s31 =	sadd.s32 $0x1, s31  }
0x12: {  	p0 =	sne.s32 s31, s14  }
.Ltmp1:
0x13: {  	_ = 	snop;
	(pc) =	sbr.rel @!p0 .LBB2_27-.Ltmp1, $4  }
0x14: {  	[hbm4b:s13+s3] =	stream.linear.scatter [tilespmem:s15], [sflag:$0x3], $0x5A00, $0x38;
	[tilespmem:$0x15720] =	vst v63  }
0x15: {  	_ =	swait.ge [sflag:s17], $0x5A00  }
0x16: {  	[sflag:s17] =	ssyncset.done $0x0  }
0x17: {  	[sflag:s17] =	ssyncadd.s32 $0xFFFFA600  }
.LBB2_1:
0x18: {  	s2 =	simm.s32 $0x120;
	s0 =	simm.s32 $0x0  }
.LBB2_2:
0x19: {  	p0 =	sne.s32 s2, $0x166E0;
	[tilespmem:s0+$0xFD30] =	vst v2;
	s7 =	smov.u32 s2;
	s2 =	sadd.s32 $0x120, s2  }
.Ltmp2:
0x1a: {  	[tilespmem:s0+$0xFD20] =	vst v2;
	(pc) =	sbr.rel @p0 .LBB2_2-.Ltmp2, $3  }
0x1b: {  	[tilespmem:s0+$0xFD00] =	vst v2  }
0x1c: {  	[tilespmem:s0+$0xFD10] =	vst v2;
	_ =	sdelay $0x1  }
0x1d: {  	s0 =	sshra.s32 s7, $0x2  }
0x1e: {  	s2 =	simm.s32 $0x0  }
0x1f: {  	v15 =	vmov s2  }
0x20: {  	v15 =	vmul.u32 $0x48, v15  }
0x21: {  	[tilespmem:s0+$0xFD30] =	vst v2  }
0x22: {  	[tilespmem:s0+$0xFD20] =	vst v2;
	v15 =	vbroadcast v15, $0x0  }
0x23: {  	[tilespmem:s0+$0xFD00] =	vst v2  }
0x24: {  	[tilespmem:s0+$0xFD10] =	vst v2;
	s0 =	simm.s32 $0x2;
	v15 =	vadd.s32 v3, v15  }
.LBB2_4:
0x25: {  	v16 =	vmov s0;
	p0 =	sne.s32 s0, $0x13E;
	s0 =	sadd.s32 $0x2, s0  }
.Ltmp3:
0x26: {  	v16 =	vmul.u32 $0x48, v16;
	(pc) =	sbr.rel @p0 .LBB2_4-.Ltmp3, $4  }
0x27: {  	_ = 	snop  }
0x28: {  	v16 =	vbroadcast v16, $0x0  }
0x29: {  	[tilespmem:v15+s15+$0x0] =	vst.idx.msk $0xffff, v2  }
0x2a: {  	v15 =	vadd.s32 v3, v16  }
0x2b: {  	_ =	sdelay $0x3  }
0x2c: {  	[tilespmem:v15+s15+$0x0] =	vst.idx.msk $0xffff, v2;
	s0 =	simm.s32 $0x40;
	s2 =	simm.s32 $0x0  }
.LBB2_6:
0x2d: {  	p0 =	sne.s32 s0, $0xB3C0;
	[tilespmem:s2+$0x7A00] =	vst v0;
	s2 =	smov.u32 s0;
	s0 =	sadd.s32 $0x40, s0  }
.Ltmp4:
0x2e: {  	(pc) =	sbr.rel @p0 .LBB2_6-.Ltmp4, $2  }
0x2f: {  	_ =	sdelay $0x2  }
0x30: {  	s2 =	sshra.s32 s2, $0x2  }
0x31: {  	[tilespmem:s2+$0x7A00] =	vst v0;
	s0 =	simm.s32 $0x0;
	s19 =	rddreg [dreg:$0x4]  }
0x32: {  	[tilespmem:s16], [sflag:$0x3] =	stream.linear.gather [hbm4b:s19+s0], $0xA00, $0x38;
	[tilespmem:$0x15720] =	vst v63  }
0x33: {  	_ =	swait.ge [sflag:s17], $0xA00  }
0x34: {  	[sflag:s17] =	ssyncset.done $0x0  }
0x35: {  	s7 =	simm.s32 $0x15700;
	s24 =	rddreg [dreg:$0x3];
	[sflag:s17] =	ssyncadd.s32 $0xFFFFF600  }
0x36: {  	[tilespmem:s7], [sflag:$0x3] =	stream.linear.gather [hbm4b:s24+s0], $0x10, $0x38;
	[tilespmem:$0x15720] =	vst v63  }
0x37: {  	_ =	swait.ge [sflag:s17], $0x10  }
0x38: {  	[sflag:s17] =	ssyncset.done $0x0  }
0x39: {  	[sflag:s17] =	ssyncadd.s32 $0xFFFFFFF0  }
0x3a: {  	v15 =	vld [tilespmem:$0x15700];
	[tilespmem:s0], [sflag:$0x1] =	stream.linear.gather [hbm4b:s4+s0], $0x800, $0x38  }
0x3b: {  	s25 =	simm.s32 $0x1000  }
0x3c: {  	[tilespmem:s25], [sflag:$0x1] =	stream.linear.gather [hbm4b:s5+s0], $0x800, $0x38;
	[tilespmem:$0x15720] =	vst v63  }
0x3d: {  	_ = 	snop  }
0x3e: {  	[tilespmem:s20], [sflag:$0x2] =	stream.linear.gather [hbm4b:s9+s0], $0x800, $0x38;
	[tilespmem:$0x15720] =	vst v63  }
0x3f: {  	_ = 	snop  }
0x40: {  	v16 =	vimm.s32 $0x0;
	[tilespmem:s21], [sflag:$0x2] =	stream.linear.gather [hbm4b:s10+s0], $0x800, $0x38;
	[tilespmem:$0x15720] =	vst v63  }
.LBB2_8:
0x41: {  	_ =	swait.ge [sflag:s22], $0x800  }
0x42: {  	[sflag:s22] =	ssyncset.done $0x0  }
0x43: {  	[sflag:s22] =	ssyncadd.s32 $0xFFFFF800  }
0x44: {  	_ =	swait.ge [sflag:s22], $0x800  }
0x45: {  	(v2sf) =	vpush v16, $0x0;
	_ =	sdelay $0x6  }
0x46: {  	[sflag:s22] =	ssyncset.done $0x0  }
0x47: {  	s2 =	simm.s32 $0x1010;
	[sflag:s22] =	ssyncadd.s32 $0xFFFFF800  }
0x48: {  	v17 =	vld [tilespmem:s2+$0xFFFFFFF0];
	_ =	sdelay $0x4  }
0x49: {  	v18 =	vmul.u32 $0x3334, v17  }
0x4a: {  	s7 =	spop (v2sf)  }
0x4b: {  	vm2 =	vmmov vm0;
	v18 =	vshrl.u32 v18, $0x16;
	p0 =	slt.s32 s7, $0x2CF1  }
0x4c: {  	vm3 =	veq.s32 v18, v1;
	vm2 =	vmneg @p0 vm2  }
0x4d: {  	vm2 =	vmand vm2, vm3  }
0x4e: {  	v18 =	vmpcnt.ones.xlane vm2;
	_ =	sdelay $0x1  }
0x4f: {  	v16 =	vadd.s32 v16, v18  }
0x50: {  	s18 =	simm.s32 $0x10;
	(v2sf) =	vpush v16, $0x0  }
0x51: {  	v18 =	vld [tilespmem:s18+$0xFFFFFFF0];
	_ =	sdelay $0x4  }
0x52: {  	v18 =	vshll.u32 v18, $0xE  }
0x53: {  	v17 =	vor.u32 v17, v18  }
0x54: {  	[tilespmem:s7+$0x7A00] =	vst.msk vm2, v17  }
0x55: {  	v17 =	vld [tilespmem:s2+$0x0];
	_ =	sdelay $0x2  }
0x56: {  	v18 =	vld [tilespmem:s18+$0x0];
	_ =	sdelay $0x1  }
0x57: {  	v19 =	vmul.u32 $0x3334, v17  }
0x58: {  	s25 =	spop (v2sf)  }
0x59: {  	vm2 =	vmmov vm0;
	v19 =	vshrl.u32 v19, $0x16;
	p0 =	slt.s32 s25, $0x2CF1  }
0x5a: {  	v18 =	vshll.u32 v18, $0xE;
	vm3 =	veq.s32 v19, v1;
	vm2 =	vmneg @p0 vm2  }
0x5b: {  	v17 =	vor.u32 v17, v18;
	vm2 =	vmand vm3, vm2  }
0x5c: {  	s19 =	simm.s32 $0x0;
	[tilespmem:s25+$0x7A00] =	vst.msk vm2, v17;
	v17 =	vmpcnt.ones.xlane vm2  }
.LBB2_9:
0x5d: {  	_ = 	snop  }
0x5e: {  	s19 =	sadd.s32 $0x2, s19;
	s18 =	sadd.s32 $0x20, s18;
	s2 =	sadd.s32 $0x20, s2;
	v16 =	vadd.s32 v16, v17  }
0x5f: {  	p0 =	slt.u32 s19, $0x7E;
	(v2sf) =	vpush v16, $0x0;
	_ =	sdelay $0x8  }
0x60: {  	v17 =	vld [tilespmem:s2+$0xFFFFFFF0];
	_ =	sdelay $0x2  }
0x61: {  	v18 =	vld [tilespmem:s18+$0xFFFFFFF0];
	_ =	sdelay $0x1  }
0x62: {  	v19 =	vmul.u32 $0x3334, v17  }
0x63: {  	s7 =	spop (v2sf)  }
0x64: {  	vm3 =	vmmov vm0;
	v19 =	vshrl.u32 v19, $0x16;
	p1 =	slt.s32 s7, $0x2CF1  }
0x65: {  	v18 =	vshll.u32 v18, $0xE;
	vm2 =	veq.s32 v19, v1;
	vm3 =	vmneg @p1 vm3  }
0x66: {  	v17 =	vor.u32 v17, v18;
	vm2 =	vmand vm3, vm2  }
0x67: {  	[tilespmem:s7+$0x7A00] =	vst.msk vm2, v17;
	v17 =	vmpcnt.ones.xlane vm2;
	_ =	sdelay $0x1  }
0x68: {  	v16 =	vadd.s32 v16, v17  }
0x69: {  	(v2sf) =	vpush v16, $0x0;
	_ =	sdelay $0x8  }
0x6a: {  	v17 =	vld [tilespmem:s2+$0x0];
	_ =	sdelay $0x2  }
0x6b: {  	v18 =	vld [tilespmem:s18+$0x0];
	_ =	sdelay $0x1  }
0x6c: {  	v19 =	vmul.u32 $0x3334, v17  }
.Ltmp5:
0x6d: {  	s7 =	spop (v2sf);
	(pc) =	sbr.rel @p0 .LBB2_9-.Ltmp5, $4  }
0x6e: {  	vm3 =	vmmov vm0;
	v19 =	vshrl.u32 v19, $0x16;
	p1 =	slt.s32 s7, $0x2CF1  }
0x6f: {  	v18 =	vshll.u32 v18, $0xE;
	vm2 =	veq.s32 v19, v1;
	vm3 =	vmneg @p1 vm3  }
0x70: {  	v17 =	vor.u32 v17, v18;
	vm2 =	vmand vm2, vm3  }
0x71: {  	[tilespmem:s7+$0x7A00] =	vst.msk vm2, v17;
	v17 =	vmpcnt.ones.xlane vm2  }
0x72: {  	s2 =	sshll.u32 s0, $0x9;
	p0 =	seq.s32 s0, $0x51  }
0x73: {  	s7 =	sadd.s32 @!p0 $0x200, s2  }
0x74: {  	s18 =	simm.s32 @!p0 $0x0;
	s8 =	sadd.s32 @!p0 s4, s7  }
0x75: {  	[tilespmem:s18], [sflag:$0x1] =	stream.linear.gather @!p0 [hbm4b:s8+s18], $0x800, $0x38;
	[tilespmem:$0x15720] =	vst v63  }
0x76: {  	s7 =	sadd.s32 @!p0 s5, s7;
	s8 =	simm.s32 @!p0 $0x1000  }
0x77: {  	[tilespmem:s8], [sflag:$0x1] =	stream.linear.gather @!p0 [hbm4b:s7+s18], $0x800, $0x38;
	[tilespmem:$0x15720] =	vst v63  }
0x78: {  	_ =	swait.ge [sflag:s23], $0x800  }
0x79: {  	[sflag:s23] =	ssyncset.done $0x0  }
0x7a: {  	[sflag:s23] =	ssyncadd.s32 $0xFFFFF800  }
0x7b: {  	v16 =	vadd.s32 v16, v17;
	_ =	swait.ge [sflag:s23], $0x800  }
0x7c: {  	(v2sf) =	vpush v16, $0x0;
	_ =	sdelay $0x6  }
0x7d: {  	[sflag:s23] =	ssyncset.done $0x0  }
0x7e: {  	s18 =	simm.s32 $0x1810;
	[sflag:s23] =	ssyncadd.s32 $0xFFFFF800  }
0x7f: {  	v17 =	vld [tilespmem:s18+$0xFFFFFFF0];
	_ =	sdelay $0x4  }
0x80: {  	v18 =	vmul.u32 $0x3334, v17  }
0x81: {  	s24 =	spop (v2sf)  }
0x82: {  	vm2 =	vmmov vm0;
	v18 =	vshrl.u32 v18, $0x16;
	p1 =	slt.s32 s24, $0x2CF1  }
0x83: {  	vm3 =	veq.s32 v18, v1;
	vm2 =	vmneg @p1 vm2  }
0x84: {  	vm2 =	vmand vm2, vm3  }
0x85: {  	v18 =	vmpcnt.ones.xlane vm2;
	_ =	sdelay $0x1  }
0x86: {  	v16 =	vadd.s32 v16, v18  }
0x87: {  	s19 =	simm.s32 $0x810;
	(v2sf) =	vpush v16, $0x0  }
0x88: {  	v18 =	vld [tilespmem:s19+$0xFFFFFFF0];
	_ =	sdelay $0x4  }
0x89: {  	v18 =	vshll.u32 v18, $0xE  }
0x8a: {  	v17 =	vor.u32 v17, v18  }
0x8b: {  	[tilespmem:s24+$0x7A00] =	vst.msk vm2, v17  }
0x8c: {  	v17 =	vld [tilespmem:s18+$0x0];
	_ =	sdelay $0x2  }
0x8d: {  	v18 =	vld [tilespmem:s19+$0x0];
	_ =	sdelay $0x1  }
0x8e: {  	v19 =	vmul.u32 $0x3334, v17  }
0x8f: {  	s25 =	spop (v2sf)  }
0x90: {  	vm2 =	vmmov vm0;
	v19 =	vshrl.u32 v19, $0x16;
	p1 =	slt.s32 s25, $0x2CF1  }
0x91: {  	v18 =	vshll.u32 v18, $0xE;
	vm3 =	veq.s32 v19, v1;
	vm2 =	vmneg @p1 vm2  }
0x92: {  	v17 =	vor.u32 v17, v18;
	vm2 =	vmand vm3, vm2  }
0x93: {  	s24 =	simm.s32 $0x0;
	[tilespmem:s25+$0x7A00] =	vst.msk vm2, v17;
	v17 =	vmpcnt.ones.xlane vm2  }
.LBB2_11:
0x94: {  	_ = 	snop  }
0x95: {  	s24 =	sadd.s32 $0x2, s24;
	s18 =	sadd.s32 $0x20, s18;
	s19 =	sadd.s32 $0x20, s19;
	v16 =	vadd.s32 v16, v17  }
0x96: {  	p1 =	slt.u32 s24, $0x7E;
	(v2sf) =	vpush v16, $0x0;
	_ =	sdelay $0x8  }
0x97: {  	v17 =	vld [tilespmem:s18+$0xFFFFFFF0];
	_ =	sdelay $0x2  }
0x98: {  	v18 =	vld [tilespmem:s19+$0xFFFFFFF0];
	_ =	sdelay $0x1  }
0x99: {  	v19 =	vmul.u32 $0x3334, v17  }
0x9a: {  	s7 =	spop (v2sf)  }
0x9b: {  	vm3 =	vmmov vm0;
	v19 =	vshrl.u32 v19, $0x16;
	p2 =	slt.s32 s7, $0x2CF1  }
0x9c: {  	v18 =	vshll.u32 v18, $0xE;
	vm2 =	veq.s32 v19, v1;
	vm3 =	vmneg @p2 vm3  }
0x9d: {  	v17 =	vor.u32 v17, v18;
	vm2 =	vmand vm3, vm2  }
0x9e: {  	[tilespmem:s7+$0x7A00] =	vst.msk vm2, v17;
	v17 =	vmpcnt.ones.xlane vm2;
	_ =	sdelay $0x1  }
0x9f: {  	v16 =	vadd.s32 v16, v17  }
0xa0: {  	(v2sf) =	vpush v16, $0x0;
	_ =	sdelay $0x8  }
0xa1: {  	v17 =	vld [tilespmem:s18+$0x0];
	_ =	sdelay $0x2  }
0xa2: {  	v18 =	vld [tilespmem:s19+$0x0];
	_ =	sdelay $0x1  }
0xa3: {  	v19 =	vmul.u32 $0x3334, v17  }
.Ltmp6:
0xa4: {  	s7 =	spop (v2sf);
	(pc) =	sbr.rel @p1 .LBB2_11-.Ltmp6, $4  }
0xa5: {  	vm3 =	vmmov vm0;
	v19 =	vshrl.u32 v19, $0x16;
	p2 =	slt.s32 s7, $0x2CF1  }
0xa6: {  	v18 =	vshll.u32 v18, $0xE;
	vm2 =	veq.s32 v19, v1;
	vm3 =	vmneg @p2 vm3  }
0xa7: {  	v17 =	vor.u32 v17, v18;
	vm2 =	vmand vm2, vm3  }
0xa8: {  	[tilespmem:s7+$0x7A00] =	vst.msk vm2, v17;
	v17 =	vmpcnt.ones.xlane vm2  }
.Ltmp7:
0xa9: {  	(pc) =	sbr.rel @p0 .LBB2_14-.Ltmp7, $2  }
0xaa: {  	_ =	sdelay $0x2  }
0xab: {  	v16 =	vadd.s32 v16, v17  }
.Ltmp8:
0xac: {  	s2 =	sadd.s32 $0x300, s2;
	(pc) =	sbr.rel .LBB2_8-.Ltmp8, $4  }
0xad: {  	s7 =	sadd.s32 s4, s2  }
0xae: {  	[tilespmem:s20], [sflag:$0x2] =	stream.linear.gather [hbm4b:s7+s3], $0x800, $0x38;
	[tilespmem:$0x15720] =	vst v63  }
0xaf: {  	s0 =	sadd.s32 $0x1, s0;
	s2 =	sadd.s32 s5, s2  }
0xb0: {  	[tilespmem:s21], [sflag:$0x2] =	stream.linear.gather [hbm4b:s2+s3], $0x800, $0x38;
	[tilespmem:$0x15720] =	vst v63  }
.LBB2_14:
0xb1: {  	s0 =	simm.s32 $0x0  }
0xb2: {  	v17 =	vld [tilespmem:s0+$0x7A00]  }
0xb3: {  	s2 =	simm.s32 $0x40  }
.LBB2_15:
0xb4: {  	p0 =	sne.s32 s2, $0xB3C0  }
.Ltmp9:
0xb5: {  	_ = 	snop;
	(pc) =	sbr.rel @p0 .LBB2_15-.Ltmp9, $4  }
0xb6: {  	_ = 	snop  }
0xb7: {  	s7 =	sshra.s32 s2, $0x2;
	s2 =	sadd.s32 $0x40, s2;
	v18 =	vshrl.u32 v17, $0xE;
	v19 =	vand.u32 $0x3FFF, v17  }
0xb8: {  	v17 =	vld [tilespmem:s7+$0x7A00];
	[tilespmem:s0+$0x4D00] =	vst v19  }
0xb9: {  	[tilespmem:s0+$0x2000] =	vst v18;
	s0 =	smov.u32 s7  }
0xba: {  	(v2sf) =	vpush v16, $0x0;
	_ =	sdelay $0x9  }
0xbb: {  	v18 =	vand.u32 $0x3FFF, v17  }
0xbc: {  	v17 =	vshrl.u32 v17, $0xE;
	[tilespmem:s0+$0x4D00] =	vst v18  }
0xbd: {  	[tilespmem:s0+$0x2000] =	vst v17;
	v17 =	vnsel vm1, $0x0, v16  }
0xbe: {  	s2 =	simm.s32 $0x15710;
	[tilespmem:$0x15710] =	vst v17  }
0xbf: {  	[hbm4b:s11+s3] =	stream.linear.scatter [tilespmem:s2], [sflag:$0x3], $0x10, $0x38;
	[tilespmem:$0x15720] =	vst v63  }
0xc0: {  	s0 =	spop (v2sf)  }
0xc1: {  	_ =	swait.ge [sflag:s17], $0x10  }
0xc2: {  	[sflag:s17] =	ssyncset.done $0x0  }
0xc3: {  	s25 =	simm.s32 $0x7A00;
	[sflag:s17] =	ssyncadd.s32 $0xFFFFFFF0  }
0xc4: {  	[hbm4b:s12+s3] =	stream.linear.scatter [tilespmem:s25], [sflag:$0x3], $0x2D00, $0x38;
	[tilespmem:$0x15720] =	vst v63  }
0xc5: {  	p0 =	slt.s32 s0, $0x1;
	_ =	swait.ge [sflag:s17], $0x2D00  }
0xc6: {  	s2 =	simm.s32 @!p0 $0x80;
	s7 =	simm.s32 @!p0 $0x2000;
	[sflag:s17] =	ssyncset.done $0x0  }
.Ltmp10:
0xc7: {  	s8 =	simm.s32 @!p0 $0xA700;
	[sflag:s17] =	ssyncadd.s32 $0xFFFFD300;
	(pc) =	sbr.rel .LBB2_17-.Ltmp10, $4  }
0xc8: {  	[tilespmem:s8], [sflag:$0x1] =	stream.indirect.gather @!p0 [hbm4b:s1+s2], $0x8, s7, s2, $0xb8;
	[tilespmem:$0x15720] =	vst v63  }
0xc9: {  	s8 =	simm.s32 @!p0 $0xAF00  }
0xca: {  	[tilespmem:s8], [sflag:$0x1] =	stream.indirect.gather @!p0 [hbm4b:s6+s2], $0x40, s7, s2, $0xb8;
	[tilespmem:$0x15720] =	vst v63  }
0xcb: {  	v16 =	vbroadcast v16, $0x0;
	s2 =	simm.s32 $0x0  }
.LBB2_25:
0xcc: {  	s2 =	sadd.s32 $0x1, s2  }
0xcd: {  	p0 =	sne.s32 s2, $0x2D  }
.Ltmp11:
0xce: {  	_ = 	snop;
	(pc) =	sbr.rel @!p0 .LBB2_26-.Ltmp11, $1  }
0xcf: {  	_ =	sdelay $0x3  }
.LBB2_17:
0xd0: {  	s19 =	sshll.u32 s2, $0x8  }
0xd1: {  	p1 =	sge.s32 s19, s0  }
0xd2: {  	s7 =	simm.s32 @!p1 $0x1  }
0xd3: {  	_ =	swait.ge @!p1 [sflag:s7], $0x400  }
0xd4: {  	[sflag:s7] =	ssyncset.done @!p1 $0x0  }
0xd5: {  	s18 =	sor.u32 $0x80, s19;
	[sflag:s7] =	ssyncadd.s32 @!p1 $0xFFFFFC00  }
0xd6: {  	p0 =	sge.s32 s18, s0;
	_ =	swait.ge @!p1 [sflag:s7], $0x2000  }
.Ltmp12:
0xd7: {  	s8 =	simm.s32 @!p0 $0x80;
	[sflag:s7] =	ssyncset.done @!p1 $0x0;
	(pc) =	sbr.rel @p1 .LBB2_21-.Ltmp12, $4  }
0xd8: {  	s24 =	simm.s32 @!p0 $0xAB00;
	[sflag:s7] =	ssyncadd.s32 @!p1 $0xFFFFE000;
	s7 =	sadd.s32 @!p0 $0x2000, s18  }
0xd9: {  	[tilespmem:s24], [sflag:$0x2] =	stream.indirect.gather @!p0 [hbm4b:s1+s8], $0x8, s7, s8, $0xb8;
	[tilespmem:$0x15720] =	vst v63  }
0xda: {  	s24 =	simm.s32 @!p0 $0xCF00  }
0xdb: {  	[tilespmem:s24], [sflag:$0x2] =	stream.indirect.gather @!p0 [hbm4b:s6+s8], $0x40, s7, s8, $0xb8;
	[tilespmem:$0x15720] =	vst v63  }
0xdc: {  	v17 =	vmov s19;
	v18 =	vor.u32 s19, v5;
	s7 =	simm.s32 $0xFFFFFFFE;
	s8 =	simm.s32 $0x2  }
.LBB2_19:
0xdd: {  	s24 =	sadd.s32 $0xFFFFFFFE, s8  }
0xde: {  	v19 =	vor.u32 s24, v18;
	_ =	sdelay $0x4  }
0xdf: {  	v20 =	vld.idx.msk [tilespmem:v19+s26+$0x0], $0xffff;
	_ =	sdelay $0x2  }
0xe0: {  	v21 =	vmov s24  }
0xe1: {  	v21 =	vshll.u32 v21, $0x3  }
0xe2: {  	v21 =	vor.u32 v6, v21;
	v20 =	vsub.s32 v20, v0  }
0xe3: {  	v21 =	vor.u32 v7, v21;
	v20 =	vshll.u32 v20, $0x3  }
0xe4: {  	v20 =	vor.u32 v7, v20;
	_ =	sdelay $0x3  }
0xe5: {  	v22 =	vld.idx.msk [tilespmem:v21+s28+$0x0], $0xffff  }
0xe6: {  	v20 =	vld.idx.msk [tilespmem:v20+s16+$0x0], $0xffff;
	_ =	sdelay $0x4  }
0xe7: {  	v20 =	vadd.f32 v20, v22;
	_ =	sdelay $0x1  }
0xe8: {  	v22 =	vmul.f32 $2.000000030e-01, v20  }
0xe9: {  	vm2 =	vgt.f32 v20, $0.0e+00  }
0xea: {  	v20 =	vsel vm2, v20, v22  }
0xeb: {  	v20 =	vsub.f32 v20, v15;
	_ =	sdelay $0x1  }
0xec: {  	v20 =	vmul.f32 $1.442695020e+00, v20;
	_ =	sdelay $0x1  }
0xed: {  	(erf) = vpow2.f32 v20;
	_ =	sdelay $0x6  }
0xee: {  	v20 =	vor.u32 s8, v18;
	_ =	sdelay $0x1  }
0xef: {  	vm2 =	vlt.s32 v19, v16;
	v61 =	vpop (erf)  }
0xf0: {  	v19 =	vnsel vm2, $0x0, v61  }
0xf1: {  	[tilespmem:v21+s29+$0x0] =	vst.idx.msk $0xffff, v19  }
0xf2: {  	v19 =	vld.idx.msk [tilespmem:v20+s26+$0x0], $0xffff;
	_ =	sdelay $0x2  }
0xf3: {  	v62 =	vmov s8  }
0xf4: {  	v21 =	vshll.u32 v62, $0x3  }
0xf5: {  	v21 =	vor.u32 v6, v21;
	v19 =	vsub.s32 v19, v0  }
0xf6: {  	v21 =	vor.u32 v7, v21;
	v19 =	vshll.u32 v19, $0x3  }
0xf7: {  	v19 =	vor.u32 v7, v19;
	_ =	sdelay $0x3  }
0xf8: {  	v63 =	vld.idx.msk [tilespmem:v21+s28+$0x0], $0xffff  }
0xf9: {  	v19 =	vld.idx.msk [tilespmem:v19+s16+$0x0], $0xffff;
	_ =	sdelay $0x4  }
0xfa: {  	v19 =	vadd.f32 v19, v63;
	_ =	sdelay $0x1  }
0xfb: {  	v22 =	vmul.f32 $2.000000030e-01, v19  }
0xfc: {  	vm2 =	vgt.f32 v19, $0.0e+00  }
0xfd: {  	v19 =	vsel vm2, v19, v22  }
0xfe: {  	v19 =	vsub.f32 v19, v15;
	_ =	sdelay $0x1  }
0xff: {  	v19 =	vmul.f32 $1.442695020e+00, v19;
	_ =	sdelay $0x1  }
0x100: {  	(erf) = vpow2.f32 v19;
	_ =	sdelay $0x4  }
0x101: {  	s7 =	sadd.s32 $0x2, s7  }
0x102: {  	p1 =	slt.u32 s7, $0x3E  }
.Ltmp13:
0x103: {  	_ = 	snop;
	(pc) =	sbr.rel @p1 .LBB2_19-.Ltmp13, $4  }
0x104: {  	_ = 	snop  }
0x105: {  	vm2 =	vlt.s32 v20, v16;
	v19 =	vpop (erf)  }
0x106: {  	v19 =	vnsel vm2, $0x0, v19  }
0x107: {  	s25 =	simm.s32 $0xAF40;
	s24 =	simm.s32 $0x0;
	s8 =	sadd.s32 $0x4, s8;
	[tilespmem:v21+s29+$0x0] =	vst.idx.msk $0xffff, v19  }
.LBB2_20:
0x108: {  	v18 =	vor.u32 s24, v17;
	_ =	sdelay $0x3  }
0x109: {  	v19 =	vmov s24  }
0x10a: {  	v19 =	vshll.u32 v19, $0x3;
	v18 =	vld.idx.msk [tilespmem:v18+s26+$0x0], $0xffff  }
0x10b: {  	v20 =	vor.u32 v5, v19;
	_ =	sdelay $0x3  }
0x10c: {  	v21 =	vld [tilespmem:s25+$0xFFFFFFC0];
	v18 =	vsub.s32 v18, v0  }
0x10d: {  	v20 =	vld.idx.msk [tilespmem:v20+s29+$0x0], $0xffff;
	v18 =	vmul.u32 $0x48, v18;
	_ =	sdelay $0x1  }
0x10e: {  	v22 =	vadd.s32 v4, v18  }
0x10f: {  	v23 =	vor.u32 v8, v19;
	_ =	sdelay $0x1  }
0x110: {  	v20 =	vmul.f32 v21, v20;
	_ =	sdelay $0x1  }
0x111: {  	[tilespmem:v22+s15+$0x0] =	vst.idx.add.f32.msk $0xffff, v20  }
0x112: {  	v20 =	vld.idx.msk [tilespmem:v23+s29+$0x0], $0xffff  }
0x113: {  	v42 =	vld [tilespmem:s25+$0xFFFFFFD0];
	_ =	sdelay $0x1  }
0x114: {  	v43 =	vadd.s32 v9, v18  }
0x115: {  	v44 =	vor.u32 v10, v19;
	_ =	sdelay $0x1  }
0x116: {  	v20 =	vmul.f32 v42, v20;
	_ =	sdelay $0x1  }
0x117: {  	[tilespmem:v43+s15+$0x0] =	vst.idx.add.f32.msk $0xffff, v20  }
0x118: {  	v20 =	vld.idx.msk [tilespmem:v44+s29+$0x0], $0xffff  }
0x119: {  	v45 =	vld [tilespmem:s25+$0xFFFFFFE0];
	_ =	sdelay $0x1  }
0x11a: {  	v46 =	vadd.s32 v11, v18  }
0x11b: {  	v47 =	vor.u32 v12, v19;
	_ =	sdelay $0x1  }
0x11c: {  	v20 =	vmul.f32 v45, v20;
	_ =	sdelay $0x1  }
0x11d: {  	[tilespmem:v46+s15+$0x0] =	vst.idx.add.f32.msk $0xffff, v20  }
0x11e: {  	v20 =	vld.idx.msk [tilespmem:v47+s29+$0x0], $0xffff  }
0x11f: {  	v48 =	vld [tilespmem:s25+$0xFFFFFFF0];
	_ =	sdelay $0x1  }
0x120: {  	v49 =	vadd.s32 v13, v18  }
0x121: {  	v19 =	vor.u32 v7, v19;
	_ =	sdelay $0x1  }
0x122: {  	v20 =	vmul.f32 v48, v20;
	_ =	sdelay $0x1  }
0x123: {  	[tilespmem:v49+s15+$0x0] =	vst.idx.add.f32.msk $0xffff, v20  }
0x124: {  	s7 =	sadd.s32 $0x1, s24;
	v18 =	vadd.s32 v14, v18;
	v19 =	vld.idx.msk [tilespmem:v19+s29+$0x0], $0xffff  }
0x125: {  	v50 =	vor.u32 s7, v17;
	_ =	sdelay $0x3  }
0x126: {  	v51 =	vmov s7;
	[tilespmem:v18+s15+$0x0] =	vst.idx.add.f32.msk $0xff, v19  }
0x127: {  	v18 =	vshll.u32 v51, $0x3;
	v19 =	vld.idx.msk [tilespmem:v50+s26+$0x0], $0xffff  }
0x128: {  	v52 =	vor.u32 v5, v18;
	_ =	sdelay $0x3  }
0x129: {  	v53 =	vld [tilespmem:s25+$0x0];
	v19 =	vsub.s32 v19, v0  }
0x12a: {  	v20 =	vld.idx.msk [tilespmem:v52+s29+$0x0], $0xffff;
	v19 =	vmul.u32 $0x48, v19;
	_ =	sdelay $0x1  }
0x12b: {  	v54 =	vadd.s32 v4, v19  }
0x12c: {  	v55 =	vor.u32 v8, v18;
	_ =	sdelay $0x1  }
0x12d: {  	v20 =	vmul.f32 v53, v20;
	_ =	sdelay $0x1  }
0x12e: {  	[tilespmem:v54+s15+$0x0] =	vst.idx.add.f32.msk $0xffff, v20  }
0x12f: {  	v20 =	vld.idx.msk [tilespmem:v55+s29+$0x0], $0xffff  }
0x130: {  	v56 =	vld [tilespmem:s25+$0x10];
	_ =	sdelay $0x1  }
0x131: {  	v57 =	vadd.s32 v9, v19  }
0x132: {  	v58 =	vor.u32 v10, v18;
	_ =	sdelay $0x1  }
0x133: {  	v20 =	vmul.f32 v56, v20;
	_ =	sdelay $0x1  }
0x134: {  	[tilespmem:v57+s15+$0x0] =	vst.idx.add.f32.msk $0xffff, v20  }
0x135: {  	v20 =	vld.idx.msk [tilespmem:v58+s29+$0x0], $0xffff  }
0x136: {  	v59 =	vld [tilespmem:s25+$0x20];
	_ =	sdelay $0x1  }
0x137: {  	v60 =	vadd.s32 v11, v19  }
0x138: {  	v61 =	vor.u32 v12, v18;
	_ =	sdelay $0x1  }
0x139: {  	v20 =	vmul.f32 v59, v20;
	_ =	sdelay $0x1  }
0x13a: {  	[tilespmem:v60+s15+$0x0] =	vst.idx.add.f32.msk $0xffff, v20  }
0x13b: {  	v20 =	vld.idx.msk [tilespmem:v61+s29+$0x0], $0xffff  }
0x13c: {  	v62 =	vld [tilespmem:s25+$0x30];
	_ =	sdelay $0x1  }
0x13d: {  	v63 =	vadd.s32 v13, v19  }
0x13e: {  	v18 =	vor.u32 v7, v18;
	_ =	sdelay $0x1  }
0x13f: {  	v20 =	vmul.f32 v62, v20;
	_ =	sdelay $0x1  }
0x140: {  	[tilespmem:v63+s15+$0x0] =	vst.idx.add.f32.msk $0xffff, v20  }
0x141: {  	p1 =	slt.u32 s24, $0x7E;
	v19 =	vadd.s32 v14, v19;
	v18 =	vld.idx.msk [tilespmem:v18+s29+$0x0], $0xffff  }
.Ltmp14:
0x142: {  	_ = 	snop;
	(pc) =	sbr.rel @p1 .LBB2_20-.Ltmp14, $2  }
0x143: {  	_ =	sdelay $0x2  }
0x144: {  	s24 =	sadd.s32 $0x2, s24;
	s25 =	sadd.s32 $0x80, s25;
	[tilespmem:v19+s15+$0x0] =	vst.idx.add.f32.msk $0xff, v18  }
.LBB2_21:
0x145: {  	s7 =	simm.s32 @!p0 $0x2  }
0x146: {  	_ =	swait.ge @!p0 [sflag:s7], $0x400  }
0x147: {  	[sflag:s7] =	ssyncset.done @!p0 $0x0  }
0x148: {  	s8 =	sadd.s32 $0x100, s19;
	[sflag:s7] =	ssyncadd.s32 @!p0 $0xFFFFFC00  }
0x149: {  	p1 =	sge.s32 s8, s0;
	_ =	swait.ge @!p0 [sflag:s7], $0x2000  }
.Ltmp15:
0x14a: {  	s19 =	simm.s32 @!p1 $0xA700;
	[sflag:s7] =	ssyncset.done @!p0 $0x0;
	(pc) =	sbr.rel @p0 .LBB2_25-.Ltmp15, $4  }
0x14b: {  	[sflag:s7] =	ssyncadd.s32 @!p0 $0xFFFFE000;
	s7 =	sadd.s32 @!p1 $0x2000, s8;
	s8 =	simm.s32 @!p1 $0x80  }
0x14c: {  	[tilespmem:s19], [sflag:$0x1] =	stream.indirect.gather @!p1 [hbm4b:s1+s8], $0x8, s7, s8, $0xb8;
	[tilespmem:$0x15720] =	vst v63  }
0x14d: {  	s19 =	simm.s32 @!p1 $0xAF00  }
0x14e: {  	[tilespmem:s19], [sflag:$0x1] =	stream.indirect.gather @!p1 [hbm4b:s6+s8], $0x40, s7, s8, $0xb8;
	[tilespmem:$0x15720] =	vst v63  }
0x14f: {  	v17 =	vmov s18;
	v18 =	vor.u32 s18, v5;
	s7 =	simm.s32 $0xFFFFFFFE;
	s8 =	simm.s32 $0x2  }
.LBB2_23:
0x150: {  	s18 =	sadd.s32 $0xFFFFFFFE, s8  }
0x151: {  	v19 =	vor.u32 s18, v18;
	_ =	sdelay $0x4  }
0x152: {  	v20 =	vld.idx.msk [tilespmem:v19+s26+$0x0], $0xffff;
	_ =	sdelay $0x2  }
0x153: {  	v21 =	vmov s18  }
0x154: {  	v21 =	vshll.u32 v21, $0x3  }
0x155: {  	v21 =	vor.u32 v6, v21;
	v20 =	vsub.s32 v20, v0  }
0x156: {  	v21 =	vor.u32 v7, v21;
	v20 =	vshll.u32 v20, $0x3  }
0x157: {  	v20 =	vor.u32 v7, v20;
	_ =	sdelay $0x3  }
0x158: {  	v22 =	vld.idx.msk [tilespmem:v21+s30+$0x0], $0xffff  }
0x159: {  	v20 =	vld.idx.msk [tilespmem:v20+s16+$0x0], $0xffff;
	_ =	sdelay $0x4  }
0x15a: {  	v20 =	vadd.f32 v20, v22;
	_ =	sdelay $0x1  }
0x15b: {  	v22 =	vmul.f32 $2.000000030e-01, v20  }
0x15c: {  	vm2 =	vgt.f32 v20, $0.0e+00  }
0x15d: {  	v20 =	vsel vm2, v20, v22  }
0x15e: {  	v20 =	vsub.f32 v20, v15;
	_ =	sdelay $0x1  }
0x15f: {  	v20 =	vmul.f32 $1.442695020e+00, v20;
	_ =	sdelay $0x1  }
0x160: {  	(erf) = vpow2.f32 v20;
	_ =	sdelay $0x6  }
0x161: {  	v20 =	vor.u32 s8, v18;
	_ =	sdelay $0x1  }
0x162: {  	vm2 =	vlt.s32 v19, v16;
	v61 =	vpop (erf)  }
0x163: {  	v19 =	vnsel vm2, $0x0, v61  }
0x164: {  	[tilespmem:v21+s29+$0x0] =	vst.idx.msk $0xffff, v19  }
0x165: {  	v19 =	vld.idx.msk [tilespmem:v20+s26+$0x0], $0xffff;
	_ =	sdelay $0x2  }
0x166: {  	v62 =	vmov s8  }
0x167: {  	v21 =	vshll.u32 v62, $0x3  }
0x168: {  	v21 =	vor.u32 v6, v21;
	v19 =	vsub.s32 v19, v0  }
0x169: {  	v21 =	vor.u32 v7, v21;
	v19 =	vshll.u32 v19, $0x3  }
0x16a: {  	v19 =	vor.u32 v7, v19;
	_ =	sdelay $0x3  }
0x16b: {  	v63 =	vld.idx.msk [tilespmem:v21+s30+$0x0], $0xffff  }
0x16c: {  	v19 =	vld.idx.msk [tilespmem:v19+s16+$0x0], $0xffff;
	_ =	sdelay $0x4  }
0x16d: {  	v19 =	vadd.f32 v19, v63;
	_ =	sdelay $0x1  }
0x16e: {  	v22 =	vmul.f32 $2.000000030e-01, v19  }
0x16f: {  	vm2 =	vgt.f32 v19, $0.0e+00  }
0x170: {  	v19 =	vsel vm2, v19, v22  }
0x171: {  	v19 =	vsub.f32 v19, v15;
	_ =	sdelay $0x1  }
0x172: {  	v19 =	vmul.f32 $1.442695020e+00, v19;
	_ =	sdelay $0x1  }
0x173: {  	(erf) = vpow2.f32 v19;
	_ =	sdelay $0x4  }
0x174: {  	s7 =	sadd.s32 $0x2, s7  }
0x175: {  	p0 =	slt.u32 s7, $0x3E  }
.Ltmp16:
0x176: {  	_ = 	snop;
	(pc) =	sbr.rel @p0 .LBB2_23-.Ltmp16, $4  }
0x177: {  	_ = 	snop  }
0x178: {  	vm2 =	vlt.s32 v20, v16;
	v19 =	vpop (erf)  }
0x179: {  	v19 =	vnsel vm2, $0x0, v19  }
0x17a: {  	s19 =	simm.s32 $0xCF70;
	s18 =	simm.s32 $0x0;
	s8 =	sadd.s32 $0x4, s8;
	[tilespmem:v21+s29+$0x0] =	vst.idx.msk $0xffff, v19  }
.LBB2_24:
0x17b: {  	v18 =	vor.u32 s18, v17;
	_ =	sdelay $0x3  }
0x17c: {  	v19 =	vmov s18  }
0x17d: {  	v19 =	vshll.u32 v19, $0x3;
	v18 =	vld.idx.msk [tilespmem:v18+s26+$0x0], $0xffff  }
0x17e: {  	v20 =	vor.u32 v5, v19;
	_ =	sdelay $0x3  }
0x17f: {  	v21 =	vld [tilespmem:s19+$0xFFFFFF90];
	v18 =	vsub.s32 v18, v0  }
0x180: {  	v20 =	vld.idx.msk [tilespmem:v20+s29+$0x0], $0xffff;
	v18 =	vmul.u32 $0x48, v18;
	_ =	sdelay $0x1  }
0x181: {  	v22 =	vadd.s32 v4, v18  }
0x182: {  	v23 =	vor.u32 v8, v19;
	_ =	sdelay $0x1  }
0x183: {  	v20 =	vmul.f32 v21, v20;
	_ =	sdelay $0x1  }
0x184: {  	[tilespmem:v22+s15+$0x0] =	vst.idx.add.f32.msk $0xffff, v20  }
0x185: {  	v20 =	vld.idx.msk [tilespmem:v23+s29+$0x0], $0xffff  }
0x186: {  	v42 =	vld [tilespmem:s19+$0xFFFFFFA0];
	_ =	sdelay $0x1  }
0x187: {  	v43 =	vadd.s32 v9, v18  }
0x188: {  	v44 =	vor.u32 v10, v19;
	_ =	sdelay $0x1  }
0x189: {  	v20 =	vmul.f32 v42, v20;
	_ =	sdelay $0x1  }
0x18a: {  	[tilespmem:v43+s15+$0x0] =	vst.idx.add.f32.msk $0xffff, v20  }
0x18b: {  	v20 =	vld.idx.msk [tilespmem:v44+s29+$0x0], $0xffff  }
0x18c: {  	v45 =	vld [tilespmem:s19+$0xFFFFFFB0];
	_ =	sdelay $0x1  }
0x18d: {  	v46 =	vadd.s32 v11, v18  }
0x18e: {  	v47 =	vor.u32 v12, v19;
	_ =	sdelay $0x1  }
0x18f: {  	v20 =	vmul.f32 v45, v20;
	_ =	sdelay $0x1  }
0x190: {  	[tilespmem:v46+s15+$0x0] =	vst.idx.add.f32.msk $0xffff, v20  }
0x191: {  	v20 =	vld.idx.msk [tilespmem:v47+s29+$0x0], $0xffff  }
0x192: {  	v48 =	vld [tilespmem:s19+$0xFFFFFFC0];
	_ =	sdelay $0x1  }
0x193: {  	v49 =	vadd.s32 v13, v18  }
0x194: {  	v19 =	vor.u32 v7, v19;
	_ =	sdelay $0x1  }
0x195: {  	v20 =	vmul.f32 v48, v20;
	_ =	sdelay $0x1  }
0x196: {  	[tilespmem:v49+s15+$0x0] =	vst.idx.add.f32.msk $0xffff, v20  }
0x197: {  	s7 =	sadd.s32 $0x1, s18;
	v18 =	vadd.s32 v14, v18;
	v19 =	vld.idx.msk [tilespmem:v19+s29+$0x0], $0xffff  }
0x198: {  	v50 =	vor.u32 s7, v17;
	_ =	sdelay $0x3  }
0x199: {  	v51 =	vmov s7;
	[tilespmem:v18+s15+$0x0] =	vst.idx.add.f32.msk $0xff, v19  }
0x19a: {  	v18 =	vshll.u32 v51, $0x3;
	v19 =	vld.idx.msk [tilespmem:v50+s26+$0x0], $0xffff  }
0x19b: {  	v52 =	vor.u32 v5, v18;
	_ =	sdelay $0x3  }
0x19c: {  	v53 =	vld [tilespmem:s19+$0xFFFFFFD0];
	v19 =	vsub.s32 v19, v0  }
0x19d: {  	v20 =	vld.idx.msk [tilespmem:v52+s29+$0x0], $0xffff;
	v19 =	vmul.u32 $0x48, v19;
	_ =	sdelay $0x1  }
0x19e: {  	v54 =	vadd.s32 v4, v19  }
0x19f: {  	v55 =	vor.u32 v8, v18;
	_ =	sdelay $0x1  }
0x1a0: {  	v20 =	vmul.f32 v53, v20;
	_ =	sdelay $0x1  }
0x1a1: {  	[tilespmem:v54+s15+$0x0] =	vst.idx.add.f32.msk $0xffff, v20  }
0x1a2: {  	v20 =	vld.idx.msk [tilespmem:v55+s29+$0x0], $0xffff  }
0x1a3: {  	v56 =	vld [tilespmem:s19+$0xFFFFFFE0];
	_ =	sdelay $0x1  }
0x1a4: {  	v57 =	vadd.s32 v9, v19  }
0x1a5: {  	v58 =	vor.u32 v10, v18;
	_ =	sdelay $0x1  }
0x1a6: {  	v20 =	vmul.f32 v56, v20;
	_ =	sdelay $0x1  }
0x1a7: {  	[tilespmem:v57+s15+$0x0] =	vst.idx.add.f32.msk $0xffff, v20  }
0x1a8: {  	v20 =	vld.idx.msk [tilespmem:v58+s29+$0x0], $0xffff  }
0x1a9: {  	v59 =	vld [tilespmem:s19+$0xFFFFFFF0];
	_ =	sdelay $0x1  }
0x1aa: {  	v60 =	vadd.s32 v11, v19  }
0x1ab: {  	v61 =	vor.u32 v12, v18;
	_ =	sdelay $0x1  }
0x1ac: {  	v20 =	vmul.f32 v59, v20;
	_ =	sdelay $0x1  }
0x1ad: {  	[tilespmem:v60+s15+$0x0] =	vst.idx.add.f32.msk $0xffff, v20  }
0x1ae: {  	v20 =	vld.idx.msk [tilespmem:v61+s29+$0x0], $0xffff  }
0x1af: {  	v62 =	vld [tilespmem:s19+$0x0];
	_ =	sdelay $0x1  }
0x1b0: {  	v63 =	vadd.s32 v13, v19  }
0x1b1: {  	v18 =	vor.u32 v7, v18;
	_ =	sdelay $0x1  }
0x1b2: {  	v20 =	vmul.f32 v62, v20;
	_ =	sdelay $0x1  }
0x1b3: {  	[tilespmem:v63+s15+$0x0] =	vst.idx.add.f32.msk $0xffff, v20  }
0x1b4: {  	p0 =	slt.u32 s18, $0x7E;
	v19 =	vadd.s32 v14, v19;
	v18 =	vld.idx.msk [tilespmem:v18+s29+$0x0], $0xffff  }
.Ltmp17:
0x1b5: {  	_ = 	snop;
	(pc) =	sbr.rel @p0 .LBB2_24-.Ltmp17, $2  }
0x1b6: {  	_ =	sdelay $0x2  }
0x1b7: {  	s18 =	sadd.s32 $0x2, s18;
	s19 =	sadd.s32 $0x80, s19;
	[tilespmem:v19+s15+$0x0] =	vst.idx.add.f32.msk $0xff, v18  }
.Ltmp18:
0x1b8: {  	_ = 	snop;
	(pc) =	sbr.rel .LBB2_25-.Ltmp18, $1  }
0x1b9: {  	_ =	sdelay $0x3  }
.LBB2_27:
0x1ba: {  	_ =	sfence.sel $0x180000  }
0x1bb: {  	[bflag:$0x0] =	sbarrier.arrive $0xFFFF  }
0x1bc: {  	_ =	strace $0x90000047  }
0x1bd: {  	s0 =	stileid.u32;
	[bflag:$0x2] =	sbarrier.arrive $0xFFFF  }
0x1be: {  	p0 =	sne.s32 s0, $0x0;
	s0 =	rddreg [dreg:$0x2]  }
0x1bf: {  	s0 =	sadd.s32 @!p0 $0x100000, s0  }
0x1c0: {  	[sflag:s0] =	ssyncadd.tile.s32 @!p0 $0x1;
	_ =	shalt  }
.Lfunc_end2:
_tile_overlayer_lowered:
.L_overlay_start_2:
0x1c1: {  	(tag) =	ssettag $0x2  }
0x1c2: {  	s0 =	rddreg [dreg:$0x0];
	s2 =	stileid.u32  }
0x1c3: {  	s1 =	rddreg [dreg:$0x1];
	p0 =	sne.s32 s2, $0x0  }
0x1c4: {  	s3 =	rddreg [dreg:$0x2];
	[bflag:$0x3] =	sbarrier.arrive $0xFFFF;
	s2 =	simm.s32 @!p0 $0x1C03  }
0x1c5: {  	[timem:s3], [sflag:s2] =	dma.local @!p0 [hbm:s0], s1  }
0x1c6: {  	s0 =	simm.s32 @!p0 $0x3  }
0x1c7: {  	_ =	swait.ge @!p0 [sflag:s0], s1  }
0x1c8: {  	s1 =	ssub.s32 @!p0 $0x0, s1;
	[sflag:s0] =	ssyncset.done @!p0 $0x0  }
0x1c9: {  	[sflag:s0] =	ssyncadd.s32 @!p0 s1  }
0x1ca: {  	[bflag:$0x3] =	sbarrier.arrive $0xFFFF  }
0x1cb: {  	_ =	shalt  }

</sc_bundles>
